<compile_context>
chip_gen: v7x
topology: tpu7x:2x2x1
jax: 0.10.2.dev20260603
libtpu: 0.0.44.dev20260713+nightly
codegen_flags: <defaults>
</compile_context>

<pallas_src>
import functools

import jax
import jax.numpy as jnp
from jax import lax
from jax.experimental import pallas as pl
from jax.experimental.pallas import tpu as pltpu
from jax.experimental.pallas import tpu_sc as plsc

NC = 2
NS = 16
NW = NC * NS
K = 80
PN = 10240
RPW = PN // NS

_mesh = plsc.VectorSubcoreMesh(core_axis_name="c", subcore_axis_name="s")


def _deg_sc(dst3, n_nodes):
    nw, j_batches, k = dst3.shape

    @functools.partial(
        pl.kernel,
        mesh=_mesh,
        out_type=jax.ShapeDtypeStruct((NC, PN), jnp.float32),
        scratch_types=[
            pltpu.VMEM((j_batches, k), jnp.int32),
            pltpu.VMEM((k,), jnp.float32),
            pltpu.VMEM((RPW,), jnp.float32),
            pltpu.VMEM_SHARED((PN,), jnp.float32),
            pltpu.SemaphoreType.DMA,
        ],
    )
    def deg_k(dst_hbm, outd, dst_slab, ones_v, zero_v, accd, sem):
        cid = lax.axis_index("c")
        sid = lax.axis_index("s")
        wid = sid * NC + cid
        for t in range(k // 16):
            ones_v[pl.ds(t * 16, 16)] = jnp.ones((16,), jnp.float32)
        for t in range(RPW // 16):
            zero_v[pl.ds(t * 16, 16)] = jnp.zeros((16,), jnp.float32)
        base = pl.multiple_of(sid * RPW, 8)
        pltpu.sync_copy(zero_v, accd.at[pl.ds(base, RPW)])
        plsc.subcore_barrier()
        pltpu.sync_copy(dst_hbm.at[wid], dst_slab)

        lag = 16

        def body(j, carry):
            pltpu.async_copy(ones_v, accd.at[dst_slab.at[j]], sem, add=True)

            @pl.when(j >= lag)
            def _():
                pltpu.make_async_copy(
                    ones_v, accd.at[dst_slab.at[j - lag]], sem).wait()

            return carry

        lax.fori_loop(0, j_batches, body, 0)

        def drain(j, carry):
            pltpu.make_async_copy(
                ones_v, accd.at[dst_slab.at[j]], sem).wait()
            return carry

        lax.fori_loop(j_batches - lag, j_batches, drain, 0)
        plsc.subcore_barrier()
        pltpu.sync_copy(accd.at[pl.ds(base, RPW)], outd.at[cid, pl.ds(base, RPW)])

    return deg_k(dst3)


def _msg_sc(hp, src3, dst3):
    nwc, chunk, k = src3.shape
    n_chunks = nwc // NW
    d_model = hp.shape[1]
    assert chunk % 2 == 1

    @functools.partial(
        pl.kernel,
        mesh=_mesh,
        out_type=jax.ShapeDtypeStruct((NC, PN, d_model), jnp.float32),
        scratch_types=[
            pltpu.VMEM((chunk, k), jnp.int32),
            pltpu.VMEM((chunk, k), jnp.int32),
            pltpu.VMEM((k, d_model), jnp.float32),
            pltpu.VMEM((k, d_model), jnp.float32),
            pltpu.VMEM((16, d_model), jnp.float32),
            pltpu.VMEM_SHARED((PN, d_model), jnp.float32),
            pltpu.SemaphoreType.DMA,
            pltpu.SemaphoreType.DMA,
        ],
    )
    def msg_k(hp_hbm, src_hbm, dst_hbm, outp, src_slab, dst_slab, rows0,
              rows1, zrow, acc, sem0, sem1):
        cid = lax.axis_index("c")
        sid = lax.axis_index("s")
        wid = sid * NC + cid
        for r in range(16):
            for t in range(d_model // 16):
                zrow[r, pl.ds(t * 16, 16)] = jnp.zeros((16,), jnp.float32)
        base = pl.multiple_of(sid * RPW, 8)

        def zb(t, carry):
            pltpu.sync_copy(zrow, acc.at[pl.ds(base + t * 16, 16)])
            return carry

        lax.fori_loop(0, RPW // 16, zb, 0)
        plsc.subcore_barrier()

        def run_chunk(c, carry):
            pltpu.sync_copy(src_hbm.at[wid * n_chunks + c], src_slab)
            pltpu.sync_copy(dst_hbm.at[wid * n_chunks + c], dst_slab)
            pltpu.async_copy(hp_hbm.at[src_slab.at[0]], rows0, sem0)

            def body(jj, inner):
                j0 = 2 * jj
                j1 = j0 + 1
                pltpu.async_copy(hp_hbm.at[src_slab.at[j1]], rows1, sem1)
                pltpu.make_async_copy(
                    hp_hbm.at[src_slab.at[j0]], rows0, sem0).wait()
                pltpu.sync_copy(rows0, acc.at[dst_slab.at[j0]], add=True)
                pltpu.async_copy(hp_hbm.at[src_slab.at[j0 + 2]], rows0, sem0)
                pltpu.make_async_copy(
                    hp_hbm.at[src_slab.at[j1]], rows1, sem1).wait()
                pltpu.sync_copy(rows1, acc.at[dst_slab.at[j1]], add=True)
                return inner

            lax.fori_loop(0, (chunk - 1) // 2, body, 0)
            last = chunk - 1
            pltpu.make_async_copy(hp_hbm.at[src_slab.at[last]], rows0, sem0).wait()
            pltpu.sync_copy(rows0, acc.at[dst_slab.at[last]], add=True)
            return carry

        lax.fori_loop(0, n_chunks, run_chunk, 0)
        plsc.subcore_barrier()
        pltpu.sync_copy(acc.at[pl.ds(base, RPW)], outp.at[cid, pl.ds(base, RPW)])

    return msg_k(hp, src3, dst3)


def _lin_tc(x, w):
    n, d_in = x.shape
    d_out = w.shape[0]

    def body(x_ref, w_ref, o_ref):
        o_ref[...] = lax.dot_general(
            x_ref[...], w_ref[...], (((1,), (1,)), ((), ())),
            preferred_element_type=jnp.float32)

    return pl.pallas_call(
        body, out_shape=jax.ShapeDtypeStruct((n, d_out), jnp.float32)
    )(x, w)


def _scale_tc(h, dp):
    n, d_out = h.shape

    def body(h_ref, dp_ref, o_ref):
        deg = jnp.sum(dp_ref[...], axis=1, keepdims=True) + 1.0
        o_ref[...] = h_ref[...] * lax.rsqrt(deg)

    return pl.pallas_call(
        body, out_shape=jax.ShapeDtypeStruct((n, d_out), jnp.float32)
    )(h, dp)


def _final_tc(p0, p1, hp, dp, bias2):
    n, d_model = hp.shape

    def body(p0_ref, p1_ref, hp_ref, dp_ref, b_ref, o_ref):
        deg = jnp.sum(dp_ref[...], axis=1, keepdims=True) + 1.0
        dis = lax.rsqrt(deg)
        o_ref[...] = dis * (p0_ref[...] + p1_ref[...] + hp_ref[...]) + b_ref[...]

    return pl.pallas_call(
        body, out_shape=jax.ShapeDtypeStruct((n, d_model), jnp.float32)
    )(p0, p1, hp, dp, bias2)


def kernel(x, edge_index, W, bias):
    n, d_in = x.shape
    e = edge_index.shape[1]
    assert e % (NW * K) == 0, (e, NW, K)
    j_batches = e // (NW * K)
    src3 = edge_index[0].reshape(NW, j_batches, K)
    dst3 = edge_index[1].reshape(NW, j_batches, K)

    h = _lin_tc(x, W)
    degp = _deg_sc(dst3, n)
    dp = degp[:, :n].T
    hp = _scale_tc(h, dp)
    km, chunk = 100, 25
    assert e % (NW * km * chunk) == 0
    src4 = edge_index[0].reshape(NW * (e // (NW * km * chunk)), chunk, km)
    dst4 = edge_index[1].reshape(NW * (e // (NW * km * chunk)), chunk, km)
    parts = _msg_sc(hp, src4, dst4)
    return _final_tc(parts[0, :n], parts[1, :n], hp, dp,
                     bias.reshape(1, -1).astype(jnp.float32))

# --- scband reference (transcript-rebuilt; emitter-appended) ---
"""Pipeline reference for scband-normalized-gcnconv-80607946211867 (READ-ONLY COPY).

The authoritative reference and input builder live on the scoring server;
editing this copy changes nothing except your own understanding.
"""

import jax, jax.numpy as jnp
import numpy as np

N = 10000
E = 320000
D_IN = 128
D_OUT = 128


def setup_inputs(seed: int = 0) -> dict:
    key = jax.random.key(seed)
    k1, k2, k3, k4 = jax.random.split(key, 4)
    x = jax.random.normal(k1, (N, D_IN), dtype=jnp.float32)
    edge_index = jax.random.randint(k2, (2, E), 0, N, dtype=jnp.int32)
    # nn.Linear(in_dim, out_dim, bias=False): weight shape [out_dim, in_dim]
    W = jax.random.normal(k3, (D_OUT, D_IN), dtype=jnp.float32) * (1.0 / np.sqrt(D_IN))
    bias = jnp.zeros((D_OUT,), dtype=jnp.float32)
    return {"x": x, "edge_index": edge_index, "W": W, "bias": bias}


def reference(x, edge_index, W, bias):
    # h = lin(x) = x @ W.T
    h = x @ W.T
    n = h.shape[0]
    self_loop = jnp.arange(n, dtype=edge_index.dtype)
    src = jnp.concatenate([edge_index[0], self_loop], axis=0)
    dst = jnp.concatenate([edge_index[1], self_loop], axis=0)
    # degree via scatter-add of ones onto dst
    deg = jnp.zeros((n,), dtype=h.dtype).at[dst].add(jnp.ones((dst.shape[0],), dtype=h.dtype))
    deg_inv_sqrt = jnp.clip(deg, 1.0, None) ** -0.5
    norm = deg_inv_sqrt[src] * deg_inv_sqrt[dst]
    # gather h along src, scale, scatter-add onto dst
    out = jnp.zeros_like(h).at[dst].add(h[src] * norm[:, None])
    return out + bias

if __name__ == "__main__":
    import jax
    _d = setup_inputs()
    print(jax.jit(kernel)(*tuple(_d.values())))

</pallas_src>

<mosaic_0001>
#map = affine_map<(d0, d1) -> (0, 0)>
#map1 = affine_map<(d0, d1) -> (0, 0, 0)>
module attributes {stable_mosaic.version = 14 : i64} {
  func.func @msg_k(%arg0: i32, %arg1: i32, %arg2: memref<10000x128xf32, #tpu.memory_space<hbm>>, %arg3: memref<128x25x100xi32, #tpu.memory_space<hbm>>, %arg4: memref<128x25x100xi32, #tpu.memory_space<hbm>>, %arg5: memref<2x10240x128xf32, #tpu.memory_space<hbm>>, %arg6: memref<25x100xi32, #tpu.memory_space<vmem>>, %arg7: memref<25x100xi32, #tpu.memory_space<vmem>>, %arg8: memref<100x128xf32, #tpu.memory_space<vmem>>, %arg9: memref<100x128xf32, #tpu.memory_space<vmem>>, %arg10: memref<16x128xf32, #tpu.memory_space<vmem>>, %arg11: memref<10240x128xf32, #tpu.memory_space<vmem_shared>>, %arg12: memref<!tpu.dma_semaphore, #tpu.memory_space<semaphore_mem>>, %arg13: memref<!tpu.dma_semaphore, #tpu.memory_space<semaphore_mem>>) attributes {dimension_semantics = [#tpu.dimension_semantics<core_parallel>, #tpu.dimension_semantics<subcore_parallel>], iteration_bounds = array<i64: 2, 16>, scalar_prefetch = 0 : i64, scratch_operands = 8 : i64, tpu.core_type = #tpu.core_type<sc_vector_subcore>, window_params = [{transform_indices = #map}, {transform_indices = #map1}, {transform_indices = #map1}, {transform_indices = #map1}]} {
    %mul3A = arith.constant 2 : i32
    %mul3A_0 = arith.muli %arg1, %mul3A : i32
    %add3A = arith.addi %mul3A_0, %arg0 : i32
    %broadcast_in_dim3A = arith.constant 0.000000e+00 : f32
    %broadcast_in_dim3A_1 = vector.broadcast %broadcast_in_dim3A : f32 to vector<16xf32>
    %swap3A = arith.constant 0 : i32
    %swap3A_2 = arith.index_cast %swap3A : i32 to index
    %swap3A_3 = arith.constant 0 : index
    %swap3A_4 = tpu.vector_load %arg10[%swap3A_2, %swap3A_3] {strides = array<i32>} : memref<16x128xf32, #tpu.memory_space<vmem>>, vector<1x16xf32>,
    %swap3A_5 = vector.shape_cast %swap3A_4 : vector<1x16xf32> to vector<16xf32>
    %swap3A_6 = vector.shape_cast %broadcast_in_dim3A_1 : vector<16xf32> to vector<1x16xf32>
    tpu.vector_store %arg10[%swap3A_2, %swap3A_3], %swap3A_6 {strides = array<i32>} : memref<16x128xf32, #tpu.memory_space<vmem>>, vector<1x16xf32>,
    %broadcast_in_dim3A_7 = arith.constant 0.000000e+00 : f32
    %broadcast_in_dim3A_8 = vector.broadcast %broadcast_in_dim3A_7 : f32 to vector<16xf32>
    %swap3A_9 = arith.constant 0 : i32
    %swap3A_10 = arith.index_cast %swap3A_9 : i32 to index
    %swap3A_11 = arith.constant 16 : index
    %swap3A_12 = tpu.vector_load %arg10[%swap3A_10, %swap3A_11] {strides = array<i32>} : memref<16x128xf32, #tpu.memory_space<vmem>>, vector<1x16xf32>,
    %swap3A_13 = vector.shape_cast %swap3A_12 : vector<1x16xf32> to vector<16xf32>
    %swap3A_14 = vector.shape_cast %broadcast_in_dim3A_8 : vector<16xf32> to vector<1x16xf32>
    tpu.vector_store %arg10[%swap3A_10, %swap3A_11], %swap3A_14 {strides = array<i32>} : memref<16x128xf32, #tpu.memory_space<vmem>>, vector<1x16xf32>,
    %broadcast_in_dim3A_15 = arith.constant 0.000000e+00 : f32
    %broadcast_in_dim3A_16 = vector.broadcast %broadcast_in_dim3A_15 : f32 to vector<16xf32>
    %swap3A_17 = arith.constant 0 : i32
    %swap3A_18 = arith.index_cast %swap3A_17 : i32 to index
    %swap3A_19 = arith.constant 32 : index
    %swap3A_20 = tpu.vector_load %arg10[%swap3A_18, %swap3A_19] {strides = array<i32>} : memref<16x128xf32, #tpu.memory_space<vmem>>, vector<1x16xf32>,
    %swap3A_21 = vector.shape_cast %swap3A_20 : vector<1x16xf32> to vector<16xf32>
    %swap3A_22 = vector.shape_cast %broadcast_in_dim3A_16 : vector<16xf32> to vector<1x16xf32>
    tpu.vector_store %arg10[%swap3A_18, %swap3A_19], %swap3A_22 {strides = array<i32>} : memref<16x128xf32, #tpu.memory_space<vmem>>, vector<1x16xf32>,
    %broadcast_in_dim3A_23 = arith.constant 0.000000e+00 : f32
    %broadcast_in_dim3A_24 = vector.broadcast %broadcast_in_dim3A_23 : f32 to vector<16xf32>
    %swap3A_25 = arith.constant 0 : i32
    %swap3A_26 = arith.index_cast %swap3A_25 : i32 to index
    %swap3A_27 = arith.constant 48 : index
    %swap3A_28 = tpu.vector_load %arg10[%swap3A_26, %swap3A_27] {strides = array<i32>} : memref<16x128xf32, #tpu.memory_space<vmem>>, vector<1x16xf32>,
    %swap3A_29 = vector.shape_cast %swap3A_28 : vector<1x16xf32> to vector<16xf32>
    %swap3A_30 = vector.shape_cast %broadcast_in_dim3A_24 : vector<16xf32> to vector<1x16xf32>
    tpu.vector_store %arg10[%swap3A_26, %swap3A_27], %swap3A_30 {strides = array<i32>} : memref<16x128xf32, #tpu.memory_space<vmem>>, vector<1x16xf32>,
    %broadcast_in_dim3A_31 = arith.constant 0.000000e+00 : f32
    %broadcast_in_dim3A_32 = vector.broadcast %broadcast_in_dim3A_31 : f32 to vector<16xf32>
    %swap3A_33 = arith.constant 0 : i32
    %swap3A_34 = arith.index_cast %swap3A_33 : i32 to index
    %swap3A_35 = arith.constant 64 : index
    %swap3A_36 = tpu.vector_load %arg10[%swap3A_34, %swap3A_35] {strides = array<i32>} : memref<16x128xf32, #tpu.memory_space<vmem>>, vector<1x16xf32>,
    %swap3A_37 = vector.shape_cast %swap3A_36 : vector<1x16xf32> to vector<16xf32>
    %swap3A_38 = vector.shape_cast %broadcast_in_dim3A_32 : vector<16xf32> to vector<1x16xf32>
    tpu.vector_store %arg10[%swap3A_34, %swap3A_35], %swap3A_38 {strides = array<i32>} : memref<16x128xf32, #tpu.memory_space<vmem>>, vector<1x16xf32>,
    %broadcast_in_dim3A_39 = arith.constant 0.000000e+00 : f32
    %broadcast_in_dim3A_40 = vector.broadcast %broadcast_in_dim3A_39 : f32 to vector<16xf32>
    %swap3A_41 = arith.constant 0 : i32
    %swap3A_42 = arith.index_cast %swap3A_41 : i32 to index
    %swap3A_43 = arith.constant 80 : index
    %swap3A_44 = tpu.vector_load %arg10[%swap3A_42, %swap3A_43] {strides = array<i32>} : memref<16x128xf32, #tpu.memory_space<vmem>>, vector<1x16xf32>,
    %swap3A_45 = vector.shape_cast %swap3A_44 : vector<1x16xf32> to vector<16xf32>
    %swap3A_46 = vector.shape_cast %broadcast_in_dim3A_40 : vector<16xf32> to vector<1x16xf32>
    tpu.vector_store %arg10[%swap3A_42, %swap3A_43], %swap3A_46 {strides = array<i32>} : memref<16x128xf32, #tpu.memory_space<vmem>>, vector<1x16xf32>,
    %broadcast_in_dim3A_47 = arith.constant 0.000000e+00 : f32
    %broadcast_in_dim3A_48 = vector.broadcast %broadcast_in_dim3A_47 : f32 to vector<16xf32>
    %swap3A_49 = arith.constant 0 : i32
    %swap3A_50 = arith.index_cast %swap3A_49 : i32 to index
    %swap3A_51 = arith.constant 96 : index
    %swap3A_52 = tpu.vector_load %arg10[%swap3A_50, %swap3A_51] {strides = array<i32>} : memref<16x128xf32, #tpu.memory_space<vmem>>, vector<1x16xf32>,
    %swap3A_53 = vector.shape_cast %swap3A_52 : vector<1x16xf32> to vector<16xf32>
    %swap3A_54 = vector.shape_cast %broadcast_in_dim3A_48 : vector<16xf32> to vector<1x16xf32>
    tpu.vector_store %arg10[%swap3A_50, %swap3A_51], %swap3A_54 {strides = array<i32>} : memref<16x128xf32, #tpu.memory_space<vmem>>, vector<1x16xf32>,
    %broadcast_in_dim3A_55 = arith.constant 0.000000e+00 : f32
    %broadcast_in_dim3A_56 = vector.broadcast %broadcast_in_dim3A_55 : f32 to vector<16xf32>
    %swap3A_57 = arith.constant 0 : i32
    %swap3A_58 = arith.index_cast %swap3A_57 : i32 to index
    %swap3A_59 = arith.constant 112 : index
    %swap3A_60 = tpu.vector_load %arg10[%swap3A_58, %swap3A_59] {strides = array<i32>} : memref<16x128xf32, #tpu.memory_space<vmem>>, vector<1x16xf32>,
    %swap3A_61 = vector.shape_cast %swap3A_60 : vector<1x16xf32> to vector<16xf32>
    %swap3A_62 = vector.shape_cast %broadcast_in_dim3A_56 : vector<16xf32> to vector<1x16xf32>
    tpu.vector_store %arg10[%swap3A_58, %swap3A_59], %swap3A_62 {strides = array<i32>} : memref<16x128xf32, #tpu.memory_space<vmem>>, vector<1x16xf32>,
    %broadcast_in_dim3A_63 = arith.constant 0.000000e+00 : f32
    %broadcast_in_dim3A_64 = vector.broadcast %broadcast_in_dim3A_63 : f32 to vector<16xf32>
    %swap3A_65 = arith.constant 1 : i32
    %swap3A_66 = arith.index_cast %swap3A_65 : i32 to index
    %swap3A_67 = arith.constant 0 : index
    %swap3A_68 = tpu.vector_load %arg10[%swap3A_66, %swap3A_67] {strides = array<i32>} : memref<16x128xf32, #tpu.memory_space<vmem>>, vector<1x16xf32>,
    %swap3A_69 = vector.shape_cast %swap3A_68 : vector<1x16xf32> to vector<16xf32>
    %swap3A_70 = vector.shape_cast %broadcast_in_dim3A_64 : vector<16xf32> to vector<1x16xf32>
    tpu.vector_store %arg10[%swap3A_66, %swap3A_67], %swap3A_70 {strides = array<i32>} : memref<16x128xf32, #tpu.memory_space<vmem>>, vector<1x16xf32>,
    %broadcast_in_dim3A_71 = arith.constant 0.000000e+00 : f32
    %broadcast_in_dim3A_72 = vector.broadcast %broadcast_in_dim3A_71 : f32 to vector<16xf32>
    %swap3A_73 = arith.constant 1 : i32
    %swap3A_74 = arith.index_cast %swap3A_73 : i32 to index
    %swap3A_75 = arith.constant 16 : index
    %swap3A_76 = tpu.vector_load %arg10[%swap3A_74, %swap3A_75] {strides = array<i32>} : memref<16x128xf32, #tpu.memory_space<vmem>>, vector<1x16xf32>,
    %swap3A_77 = vector.shape_cast %swap3A_76 : vector<1x16xf32> to vector<16xf32>
    %swap3A_78 = vector.shape_cast %broadcast_in_dim3A_72 : vector<16xf32> to vector<1x16xf32>
    tpu.vector_store %arg10[%swap3A_74, %swap3A_75], %swap3A_78 {strides = array<i32>} : memref<16x128xf32, #tpu.memory_space<vmem>>, vector<1x16xf32>,
    %broadcast_in_dim3A_79 = arith.constant 0.000000e+00 : f32
    %broadcast_in_dim3A_80 = vector.broadcast %broadcast_in_dim3A_79 : f32 to vector<16xf32>
    %swap3A_81 = arith.constant 1 : i32
    %swap3A_82 = arith.index_cast %swap3A_81 : i32 to index
    %swap3A_83 = arith.constant 32 : index
    %swap3A_84 = tpu.vector_load %arg10[%swap3A_82, %swap3A_83] {strides = array<i32>} : memref<16x128xf32, #tpu.memory_space<vmem>>, vector<1x16xf32>,
    %swap3A_85 = vector.shape_cast %swap3A_84 : vector<1x16xf32> to vector<16xf32>
    %swap3A_86 = vector.shape_cast %broadcast_in_dim3A_80 : vector<16xf32> to vector<1x16xf32>
    tpu.vector_store %arg10[%swap3A_82, %swap3A_83], %swap3A_86 {strides = array<i32>} : memref<16x128xf32, #tpu.memory_space<vmem>>, vector<1x16xf32>,
    %broadcast_in_dim3A_87 = arith.constant 0.000000e+00 : f32
    %broadcast_in_dim3A_88 = vector.broadcast %broadcast_in_dim3A_87 : f32 to vector<16xf32>
    %swap3A_89 = arith.constant 1 : i32
    %swap3A_90 = arith.index_cast %swap3A_89 : i32 to index
    %swap3A_91 = arith.constant 48 : index
    %swap3A_92 = tpu.vector_load %arg10[%swap3A_90, %swap3A_91] {strides = array<i32>} : memref<16x128xf32, #tpu.memory_space<vmem>>, vector<1x16xf32>,
    %swap3A_93 = vector.shape_cast %swap3A_92 : vector<1x16xf32> to vector<16xf32>
    %swap3A_94 = vector.shape_cast %broadcast_in_dim3A_88 : vector<16xf32> to vector<1x16xf32>
    tpu.vector_store %arg10[%swap3A_90, %swap3A_91], %swap3A_94 {strides = array<i32>} : memref<16x128xf32, #tpu.memory_space<vmem>>, vector<1x16xf32>,
    %broadcast_in_dim3A_95 = arith.constant 0.000000e+00 : f32
    %broadcast_in_dim3A_96 = vector.broadcast %broadcast_in_dim3A_95 : f32 to vector<16xf32>
    %swap3A_97 = arith.constant 1 : i32
    %swap3A_98 = arith.index_cast %swap3A_97 : i32 to index
    %swap3A_99 = arith.constant 64 : index
    %swap3A_100 = tpu.vector_load %arg10[%swap3A_98, %swap3A_99] {strides = array<i32>} : memref<16x128xf32, #tpu.memory_space<vmem>>, vector<1x16xf32>,
    %swap3A_101 = vector.shape_cast %swap3A_100 : vector<1x16xf32> to vector<16xf32>
    %swap3A_102 = vector.shape_cast %broadcast_in_dim3A_96 : vector<16xf32> to vector<1x16xf32>
    tpu.vector_store %arg10[%swap3A_98, %swap3A_99], %swap3A_102 {strides = array<i32>} : memref<16x128xf32, #tpu.memory_space<vmem>>, vector<1x16xf32>,
    %broadcast_in_dim3A_103 = arith.constant 0.000000e+00 : f32
    %broadcast_in_dim3A_104 = vector.broadcast %broadcast_in_dim3A_103 : f32 to vector<16xf32>
    %swap3A_105 = arith.constant 1 : i32
    %swap3A_106 = arith.index_cast %swap3A_105 : i32 to index
    %swap3A_107 = arith.constant 80 : index
    %swap3A_108 = tpu.vector_load %arg10[%swap3A_106, %swap3A_107] {strides = array<i32>} : memref<16x128xf32, #tpu.memory_space<vmem>>, vector<1x16xf32>,
    %swap3A_109 = vector.shape_cast %swap3A_108 : vector<1x16xf32> to vector<16xf32>
    %swap3A_110 = vector.shape_cast %broadcast_in_dim3A_104 : vector<16xf32> to vector<1x16xf32>
    tpu.vector_store %arg10[%swap3A_106, %swap3A_107], %swap3A_110 {strides = array<i32>} : memref<16x128xf32, #tpu.memory_space<vmem>>, vector<1x16xf32>,
    %broadcast_in_dim3A_111 = arith.constant 0.000000e+00 : f32
    %broadcast_in_dim3A_112 = vector.broadcast %broadcast_in_dim3A_111 : f32 to vector<16xf32>
    %swap3A_113 = arith.constant 1 : i32
    %swap3A_114 = arith.index_cast %swap3A_113 : i32 to index
    %swap3A_115 = arith.constant 96 : index
    %swap3A_116 = tpu.vector_load %arg10[%swap3A_114, %swap3A_115] {strides = array<i32>} : memref<16x128xf32, #tpu.memory_space<vmem>>, vector<1x16xf32>,
    %swap3A_117 = vector.shape_cast %swap3A_116 : vector<1x16xf32> to vector<16xf32>
    %swap3A_118 = vector.shape_cast %broadcast_in_dim3A_112 : vector<16xf32> to vector<1x16xf32>
    tpu.vector_store %arg10[%swap3A_114, %swap3A_115], %swap3A_118 {strides = array<i32>} : memref<16x128xf32, #tpu.memory_space<vmem>>, vector<1x16xf32>,
    %broadcast_in_dim3A_119 = arith.constant 0.000000e+00 : f32
    %broadcast_in_dim3A_120 = vector.broadcast %broadcast_in_dim3A_119 : f32 to vector<16xf32>
    %swap3A_121 = arith.constant 1 : i32
    %swap3A_122 = arith.index_cast %swap3A_121 : i32 to index
    %swap3A_123 = arith.constant 112 : index
    %swap3A_124 = tpu.vector_load %arg10[%swap3A_122, %swap3A_123] {strides = array<i32>} : memref<16x128xf32, #tpu.memory_space<vmem>>, vector<1x16xf32>,
    %swap3A_125 = vector.shape_cast %swap3A_124 : vector<1x16xf32> to vector<16xf32>
    %swap3A_126 = vector.shape_cast %broadcast_in_dim3A_120 : vector<16xf32> to vector<1x16xf32>
    tpu.vector_store %arg10[%swap3A_122, %swap3A_123], %swap3A_126 {strides = array<i32>} : memref<16x128xf32, #tpu.memory_space<vmem>>, vector<1x16xf32>,
    %broadcast_in_dim3A_127 = arith.constant 0.000000e+00 : f32
    %broadcast_in_dim3A_128 = vector.broadcast %broadcast_in_dim3A_127 : f32 to vector<16xf32>
    %swap3A_129 = arith.constant 2 : i32
    %swap3A_130 = arith.index_cast %swap3A_129 : i32 to index
    %swap3A_131 = arith.constant 0 : index
    %swap3A_132 = tpu.vector_load %arg10[%swap3A_130, %swap3A_131] {strides = array<i32>} : memref<16x128xf32, #tpu.memory_space<vmem>>, vector<1x16xf32>,
    %swap3A_133 = vector.shape_cast %swap3A_132 : vector<1x16xf32> to vector<16xf32>
    %swap3A_134 = vector.shape_cast %broadcast_in_dim3A_128 : vector<16xf32> to vector<1x16xf32>
    tpu.vector_store %arg10[%swap3A_130, %swap3A_131], %swap3A_134 {strides = array<i32>} : memref<16x128xf32, #tpu.memory_space<vmem>>, vector<1x16xf32>,
    %broadcast_in_dim3A_135 = arith.constant 0.000000e+00 : f32
    %broadcast_in_dim3A_136 = vector.broadcast %broadcast_in_dim3A_135 : f32 to vector<16xf32>
    %swap3A_137 = arith.constant 2 : i32
    %swap3A_138 = arith.index_cast %swap3A_137 : i32 to index
    %swap3A_139 = arith.constant 16 : index
    %swap3A_140 = tpu.vector_load %arg10[%swap3A_138, %swap3A_139] {strides = array<i32>} : memref<16x128xf32, #tpu.memory_space<vmem>>, vector<1x16xf32>,
    %swap3A_141 = vector.shape_cast %swap3A_140 : vector<1x16xf32> to vector<16xf32>
    %swap3A_142 = vector.shape_cast %broadcast_in_dim3A_136 : vector<16xf32> to vector<1x16xf32>
    tpu.vector_store %arg10[%swap3A_138, %swap3A_139], %swap3A_142 {strides = array<i32>} : memref<16x128xf32, #tpu.memory_space<vmem>>, vector<1x16xf32>,
    %broadcast_in_dim3A_143 = arith.constant 0.000000e+00 : f32
    %broadcast_in_dim3A_144 = vector.broadcast %broadcast_in_dim3A_143 : f32 to vector<16xf32>
    %swap3A_145 = arith.constant 2 : i32
    %swap3A_146 = arith.index_cast %swap3A_145 : i32 to index
    %swap3A_147 = arith.constant 32 : index
    %swap3A_148 = tpu.vector_load %arg10[%swap3A_146, %swap3A_147] {strides = array<i32>} : memref<16x128xf32, #tpu.memory_space<vmem>>, vector<1x16xf32>,
    %swap3A_149 = vector.shape_cast %swap3A_148 : vector<1x16xf32> to vector<16xf32>
    %swap3A_150 = vector.shape_cast %broadcast_in_dim3A_144 : vector<16xf32> to vector<1x16xf32>
    tpu.vector_store %arg10[%swap3A_146, %swap3A_147], %swap3A_150 {strides = array<i32>} : memref<16x128xf32, #tpu.memory_space<vmem>>, vector<1x16xf32>,
    %broadcast_in_dim3A_151 = arith.constant 0.000000e+00 : f32
    %broadcast_in_dim3A_152 = vector.broadcast %broadcast_in_dim3A_151 : f32 to vector<16xf32>
    %swap3A_153 = arith.constant 2 : i32
    %swap3A_154 = arith.index_cast %swap3A_153 : i32 to index
    %swap3A_155 = arith.constant 48 : index
    %swap3A_156 = tpu.vector_load %arg10[%swap3A_154, %swap3A_155] {strides = array<i32>} : memref<16x128xf32, #tpu.memory_space<vmem>>, vector<1x16xf32>,
    %swap3A_157 = vector.shape_cast %swap3A_156 : vector<1x16xf32> to vector<16xf32>
    %swap3A_158 = vector.shape_cast %broadcast_in_dim3A_152 : vector<16xf32> to vector<1x16xf32>
    tpu.vector_store %arg10[%swap3A_154, %swap3A_155], %swap3A_158 {strides = array<i32>} : memref<16x128xf32, #tpu.memory_space<vmem>>, vector<1x16xf32>,
    %broadcast_in_dim3A_159 = arith.constant 0.000000e+00 : f32
    %broadcast_in_dim3A_160 = vector.broadcast %broadcast_in_dim3A_159 : f32 to vector<16xf32>
    %swap3A_161 = arith.constant 2 : i32
    %swap3A_162 = arith.index_cast %swap3A_161 : i32 to index
    %swap3A_163 = arith.constant 64 : index
    %swap3A_164 = tpu.vector_load %arg10[%swap3A_162, %swap3A_163] {strides = array<i32>} : memref<16x128xf32, #tpu.memory_space<vmem>>, vector<1x16xf32>,
    %swap3A_165 = vector.shape_cast %swap3A_164 : vector<1x16xf32> to vector<16xf32>
    %swap3A_166 = vector.shape_cast %broadcast_in_dim3A_160 : vector<16xf32> to vector<1x16xf32>
    tpu.vector_store %arg10[%swap3A_162, %swap3A_163], %swap3A_166 {strides = array<i32>} : memref<16x128xf32, #tpu.memory_space<vmem>>, vector<1x16xf32>,
    %broadcast_in_dim3A_167 = arith.constant 0.000000e+00 : f32
    %broadcast_in_dim3A_168 = vector.broadcast %broadcast_in_dim3A_167 : f32 to vector<16xf32>
    %swap3A_169 = arith.constant 2 : i32
    %swap3A_170 = arith.index_cast %swap3A_169 : i32 to index
    %swap3A_171 = arith.constant 80 : index
    %swap3A_172 = tpu.vector_load %arg10[%swap3A_170, %swap3A_171] {strides = array<i32>} : memref<16x128xf32, #tpu.memory_space<vmem>>, vector<1x16xf32>,
    %swap3A_173 = vector.shape_cast %swap3A_172 : vector<1x16xf32> to vector<16xf32>
    %swap3A_174 = vector.shape_cast %broadcast_in_dim3A_168 : vector<16xf32> to vector<1x16xf32>
    tpu.vector_store %arg10[%swap3A_170, %swap3A_171], %swap3A_174 {strides = array<i32>} : memref<16x128xf32, #tpu.memory_space<vmem>>, vector<1x16xf32>,
    %broadcast_in_dim3A_175 = arith.constant 0.000000e+00 : f32
    %broadcast_in_dim3A_176 = vector.broadcast %broadcast_in_dim3A_175 : f32 to vector<16xf32>
    %swap3A_177 = arith.constant 2 : i32
    %swap3A_178 = arith.index_cast %swap3A_177 : i32 to index
    %swap3A_179 = arith.constant 96 : index
    %swap3A_180 = tpu.vector_load %arg10[%swap3A_178, %swap3A_179] {strides = array<i32>} : memref<16x128xf32, #tpu.memory_space<vmem>>, vector<1x16xf32>,
    %swap3A_181 = vector.shape_cast %swap3A_180 : vector<1x16xf32> to vector<16xf32>
    %swap3A_182 = vector.shape_cast %broadcast_in_dim3A_176 : vector<16xf32> to vector<1x16xf32>
    tpu.vector_store %arg10[%swap3A_178, %swap3A_179], %swap3A_182 {strides = array<i32>} : memref<16x128xf32, #tpu.memory_space<vmem>>, vector<1x16xf32>,
    %broadcast_in_dim3A_183 = arith.constant 0.000000e+00 : f32
    %broadcast_in_dim3A_184 = vector.broadcast %broadcast_in_dim3A_183 : f32 to vector<16xf32>
    %swap3A_185 = arith.constant 2 : i32
    %swap3A_186 = arith.index_cast %swap3A_185 : i32 to index
    %swap3A_187 = arith.constant 112 : index
    %swap3A_188 = tpu.vector_load %arg10[%swap3A_186, %swap3A_187] {strides = array<i32>} : memref<16x128xf32, #tpu.memory_space<vmem>>, vector<1x16xf32>,
    %swap3A_189 = vector.shape_cast %swap3A_188 : vector<1x16xf32> to vector<16xf32>
    %swap3A_190 = vector.shape_cast %broadcast_in_dim3A_184 : vector<16xf32> to vector<1x16xf32>
    tpu.vector_store %arg10[%swap3A_186, %swap3A_187], %swap3A_190 {strides = array<i32>} : memref<16x128xf32, #tpu.memory_space<vmem>>, vector<1x16xf32>,
    %broadcast_in_dim3A_191 = arith.constant 0.000000e+00 : f32
    %broadcast_in_dim3A_192 = vector.broadcast %broadcast_in_dim3A_191 : f32 to vector<16xf32>
    %swap3A_193 = arith.constant 3 : i32
    %swap3A_194 = arith.index_cast %swap3A_193 : i32 to index
    %swap3A_195 = arith.constant 0 : index
    %swap3A_196 = tpu.vector_load %arg10[%swap3A_194, %swap3A_195] {strides = array<i32>} : memref<16x128xf32, #tpu.memory_space<vmem>>, vector<1x16xf32>,
    %swap3A_197 = vector.shape_cast %swap3A_196 : vector<1x16xf32> to vector<16xf32>
    %swap3A_198 = vector.shape_cast %broadcast_in_dim3A_192 : vector<16xf32> to vector<1x16xf32>
    tpu.vector_store %arg10[%swap3A_194, %swap3A_195], %swap3A_198 {strides = array<i32>} : memref<16x128xf32, #tpu.memory_space<vmem>>, vector<1x16xf32>,
    %broadcast_in_dim3A_199 = arith.constant 0.000000e+00 : f32
    %broadcast_in_dim3A_200 = vector.broadcast %broadcast_in_dim3A_199 : f32 to vector<16xf32>
    %swap3A_201 = arith.constant 3 : i32
    %swap3A_202 = arith.index_cast %swap3A_201 : i32 to index
    %swap3A_203 = arith.constant 16 : index
    %swap3A_204 = tpu.vector_load %arg10[%swap3A_202, %swap3A_203] {strides = array<i32>} : memref<16x128xf32, #tpu.memory_space<vmem>>, vector<1x16xf32>,
    %swap3A_205 = vector.shape_cast %swap3A_204 : vector<1x16xf32> to vector<16xf32>
    %swap3A_206 = vector.shape_cast %broadcast_in_dim3A_200 : vector<16xf32> to vector<1x16xf32>
    tpu.vector_store %arg10[%swap3A_202, %swap3A_203], %swap3A_206 {strides = array<i32>} : memref<16x128xf32, #tpu.memory_space<vmem>>, vector<1x16xf32>,
    %broadcast_in_dim3A_207 = arith.constant 0.000000e+00 : f32
    %broadcast_in_dim3A_208 = vector.broadcast %broadcast_in_dim3A_207 : f32 to vector<16xf32>
    %swap3A_209 = arith.constant 3 : i32
    %swap3A_210 = arith.index_cast %swap3A_209 : i32 to index
    %swap3A_211 = arith.constant 32 : index
    %swap3A_212 = tpu.vector_load %arg10[%swap3A_210, %swap3A_211] {strides = array<i32>} : memref<16x128xf32, #tpu.memory_space<vmem>>, vector<1x16xf32>,
    %swap3A_213 = vector.shape_cast %swap3A_212 : vector<1x16xf32> to vector<16xf32>
    %swap3A_214 = vector.shape_cast %broadcast_in_dim3A_208 : vector<16xf32> to vector<1x16xf32>
    tpu.vector_store %arg10[%swap3A_210, %swap3A_211], %swap3A_214 {strides = array<i32>} : memref<16x128xf32, #tpu.memory_space<vmem>>, vector<1x16xf32>,
    %broadcast_in_dim3A_215 = arith.constant 0.000000e+00 : f32
    %broadcast_in_dim3A_216 = vector.broadcast %broadcast_in_dim3A_215 : f32 to vector<16xf32>
    %swap3A_217 = arith.constant 3 : i32
    %swap3A_218 = arith.index_cast %swap3A_217 : i32 to index
    %swap3A_219 = arith.constant 48 : index
    %swap3A_220 = tpu.vector_load %arg10[%swap3A_218, %swap3A_219] {strides = array<i32>} : memref<16x128xf32, #tpu.memory_space<vmem>>, vector<1x16xf32>,
    %swap3A_221 = vector.shape_cast %swap3A_220 : vector<1x16xf32> to vector<16xf32>
    %swap3A_222 = vector.shape_cast %broadcast_in_dim3A_216 : vector<16xf32> to vector<1x16xf32>
    tpu.vector_store %arg10[%swap3A_218, %swap3A_219], %swap3A_222 {strides = array<i32>} : memref<16x128xf32, #tpu.memory_space<vmem>>, vector<1x16xf32>,
    %broadcast_in_dim3A_223 = arith.constant 0.000000e+00 : f32
    %broadcast_in_dim3A_224 = vector.broadcast %broadcast_in_dim3A_223 : f32 to vector<16xf32>
    %swap3A_225 = arith.constant 3 : i32
    %swap3A_226 = arith.index_cast %swap3A_225 : i32 to index
    %swap3A_227 = arith.constant 64 : index
    %swap3A_228 = tpu.vector_load %arg10[%swap3A_226, %swap3A_227] {strides = array<i32>} : memref<16x128xf32, #tpu.memory_space<vmem>>, vector<1x16xf32>,
    %swap3A_229 = vector.shape_cast %swap3A_228 : vector<1x16xf32> to vector<16xf32>
    %swap3A_230 = vector.shape_cast %broadcast_in_dim3A_224 : vector<16xf32> to vector<1x16xf32>
    tpu.vector_store %arg10[%swap3A_226, %swap3A_227], %swap3A_230 {strides = array<i32>} : memref<16x128xf32, #tpu.memory_space<vmem>>, vector<1x16xf32>,
    %broadcast_in_dim3A_231 = arith.constant 0.000000e+00 : f32
    %broadcast_in_dim3A_232 = vector.broadcast %broadcast_in_dim3A_231 : f32 to vector<16xf32>
    %swap3A_233 = arith.constant 3 : i32
    %swap3A_234 = arith.index_cast %swap3A_233 : i32 to index
    %swap3A_235 = arith.constant 80 : index
    %swap3A_236 = tpu.vector_load %arg10[%swap3A_234, %swap3A_235] {strides = array<i32>} : memref<16x128xf32, #tpu.memory_space<vmem>>, vector<1x16xf32>,
    %swap3A_237 = vector.shape_cast %swap3A_236 : vector<1x16xf32> to vector<16xf32>
    %swap3A_238 = vector.shape_cast %broadcast_in_dim3A_232 : vector<16xf32> to vector<1x16xf32>
    tpu.vector_store %arg10[%swap3A_234, %swap3A_235], %swap3A_238 {strides = array<i32>} : memref<16x128xf32, #tpu.memory_space<vmem>>, vector<1x16xf32>,
    %broadcast_in_dim3A_239 = arith.constant 0.000000e+00 : f32
    %broadcast_in_dim3A_240 = vector.broadcast %broadcast_in_dim3A_239 : f32 to vector<16xf32>
    %swap3A_241 = arith.constant 3 : i32
    %swap3A_242 = arith.index_cast %swap3A_241 : i32 to index
    %swap3A_243 = arith.constant 96 : index
    %swap3A_244 = tpu.vector_load %arg10[%swap3A_242, %swap3A_243] {strides = array<i32>} : memref<16x128xf32, #tpu.memory_space<vmem>>, vector<1x16xf32>,
    %swap3A_245 = vector.shape_cast %swap3A_244 : vector<1x16xf32> to vector<16xf32>
    %swap3A_246 = vector.shape_cast %broadcast_in_dim3A_240 : vector<16xf32> to vector<1x16xf32>
    tpu.vector_store %arg10[%swap3A_242, %swap3A_243], %swap3A_246 {strides = array<i32>} : memref<16x128xf32, #tpu.memory_space<vmem>>, vector<1x16xf32>,
    %broadcast_in_dim3A_247 = arith.constant 0.000000e+00 : f32
    %broadcast_in_dim3A_248 = vector.broadcast %broadcast_in_dim3A_247 : f32 to vector<16xf32>
    %swap3A_249 = arith.constant 3 : i32
    %swap3A_250 = arith.index_cast %swap3A_249 : i32 to index
    %swap3A_251 = arith.constant 112 : index
    %swap3A_252 = tpu.vector_load %arg10[%swap3A_250, %swap3A_251] {strides = array<i32>} : memref<16x128xf32, #tpu.memory_space<vmem>>, vector<1x16xf32>,
    %swap3A_253 = vector.shape_cast %swap3A_252 : vector<1x16xf32> to vector<16xf32>
    %swap3A_254 = vector.shape_cast %broadcast_in_dim3A_248 : vector<16xf32> to vector<1x16xf32>
    tpu.vector_store %arg10[%swap3A_250, %swap3A_251], %swap3A_254 {strides = array<i32>} : memref<16x128xf32, #tpu.memory_space<vmem>>, vector<1x16xf32>,
    %broadcast_in_dim3A_255 = arith.constant 0.000000e+00 : f32
    %broadcast_in_dim3A_256 = vector.broadcast %broadcast_in_dim3A_255 : f32 to vector<16xf32>
    %swap3A_257 = arith.constant 4 : i32
    %swap3A_258 = arith.index_cast %swap3A_257 : i32 to index
    %swap3A_259 = arith.constant 0 : index
    %swap3A_260 = tpu.vector_load %arg10[%swap3A_258, %swap3A_259] {strides = array<i32>} : memref<16x128xf32, #tpu.memory_space<vmem>>, vector<1x16xf32>,
    %swap3A_261 = vector.shape_cast %swap3A_260 : vector<1x16xf32> to vector<16xf32>
    %swap3A_262 = vector.shape_cast %broadcast_in_dim3A_256 : vector<16xf32> to vector<1x16xf32>
    tpu.vector_store %arg10[%swap3A_258, %swap3A_259], %swap3A_262 {strides = array<i32>} : memref<16x128xf32, #tpu.memory_space<vmem>>, vector<1x16xf32>,
    %broadcast_in_dim3A_263 = arith.constant 0.000000e+00 : f32
    %broadcast_in_dim3A_264 = vector.broadcast %broadcast_in_dim3A_263 : f32 to vector<16xf32>
    %swap3A_265 = arith.constant 4 : i32
    %swap3A_266 = arith.index_cast %swap3A_265 : i32 to index
    %swap3A_267 = arith.constant 16 : index
    %swap3A_268 = tpu.vector_load %arg10[%swap3A_266, %swap3A_267] {strides = array<i32>} : memref<16x128xf32, #tpu.memory_space<vmem>>, vector<1x16xf32>,
    %swap3A_269 = vector.shape_cast %swap3A_268 : vector<1x16xf32> to vector<16xf32>
    %swap3A_270 = vector.shape_cast %broadcast_in_dim3A_264 : vector<16xf32> to vector<1x16xf32>
    tpu.vector_store %arg10[%swap3A_266, %swap3A_267], %swap3A_270 {strides = array<i32>} : memref<16x128xf32, #tpu.memory_space<vmem>>, vector<1x16xf32>,
    %broadcast_in_dim3A_271 = arith.constant 0.000000e+00 : f32
    %broadcast_in_dim3A_272 = vector.broadcast %broadcast_in_dim3A_271 : f32 to vector<16xf32>
    %swap3A_273 = arith.constant 4 : i32
    %swap3A_274 = arith.index_cast %swap3A_273 : i32 to index
    %swap3A_275 = arith.constant 32 : index
    %swap3A_276 = tpu.vector_load %arg10[%swap3A_274, %swap3A_275] {strides = array<i32>} : memref<16x128xf32, #tpu.memory_space<vmem>>, vector<1x16xf32>,
    %swap3A_277 = vector.shape_cast %swap3A_276 : vector<1x16xf32> to vector<16xf32>
    %swap3A_278 = vector.shape_cast %broadcast_in_dim3A_272 : vector<16xf32> to vector<1x16xf32>
    tpu.vector_store %arg10[%swap3A_274, %swap3A_275], %swap3A_278 {strides = array<i32>} : memref<16x128xf32, #tpu.memory_space<vmem>>, vector<1x16xf32>,
    %broadcast_in_dim3A_279 = arith.constant 0.000000e+00 : f32
    %broadcast_in_dim3A_280 = vector.broadcast %broadcast_in_dim3A_279 : f32 to vector<16xf32>
    %swap3A_281 = arith.constant 4 : i32
    %swap3A_282 = arith.index_cast %swap3A_281 : i32 to index
    %swap3A_283 = arith.constant 48 : index
    %swap3A_284 = tpu.vector_load %arg10[%swap3A_282, %swap3A_283] {strides = array<i32>} : memref<16x128xf32, #tpu.memory_space<vmem>>, vector<1x16xf32>,
    %swap3A_285 = vector.shape_cast %swap3A_284 : vector<1x16xf32> to vector<16xf32>
    %swap3A_286 = vector.shape_cast %broadcast_in_dim3A_280 : vector<16xf32> to vector<1x16xf32>
    tpu.vector_store %arg10[%swap3A_282, %swap3A_283], %swap3A_286 {strides = array<i32>} : memref<16x128xf32, #tpu.memory_space<vmem>>, vector<1x16xf32>,
    %broadcast_in_dim3A_287 = arith.constant 0.000000e+00 : f32
    %broadcast_in_dim3A_288 = vector.broadcast %broadcast_in_dim3A_287 : f32 to vector<16xf32>
    %swap3A_289 = arith.constant 4 : i32
    %swap3A_290 = arith.index_cast %swap3A_289 : i32 to index
    %swap3A_291 = arith.constant 64 : index
    %swap3A_292 = tpu.vector_load %arg10[%swap3A_290, %swap3A_291] {strides = array<i32>} : memref<16x128xf32, #tpu.memory_space<vmem>>, vector<1x16xf32>,
    %swap3A_293 = vector.shape_cast %swap3A_292 : vector<1x16xf32> to vector<16xf32>
    %swap3A_294 = vector.shape_cast %broadcast_in_dim3A_288 : vector<16xf32> to vector<1x16xf32>
    tpu.vector_store %arg10[%swap3A_290, %swap3A_291], %swap3A_294 {strides = array<i32>} : memref<16x128xf32, #tpu.memory_space<vmem>>, vector<1x16xf32>,
    %broadcast_in_dim3A_295 = arith.constant 0.000000e+00 : f32
    %broadcast_in_dim3A_296 = vector.broadcast %broadcast_in_dim3A_295 : f32 to vector<16xf32>
    %swap3A_297 = arith.constant 4 : i32
    %swap3A_298 = arith.index_cast %swap3A_297 : i32 to index
    %swap3A_299 = arith.constant 80 : index
    %swap3A_300 = tpu.vector_load %arg10[%swap3A_298, %swap3A_299] {strides = array<i32>} : memref<16x128xf32, #tpu.memory_space<vmem>>, vector<1x16xf32>,
    %swap3A_301 = vector.shape_cast %swap3A_300 : vector<1x16xf32> to vector<16xf32>
    %swap3A_302 = vector.shape_cast %broadcast_in_dim3A_296 : vector<16xf32> to vector<1x16xf32>
    tpu.vector_store %arg10[%swap3A_298, %swap3A_299], %swap3A_302 {strides = array<i32>} : memref<16x128xf32, #tpu.memory_space<vmem>>, vector<1x16xf32>,
    %broadcast_in_dim3A_303 = arith.constant 0.000000e+00 : f32
    %broadcast_in_dim3A_304 = vector.broadcast %broadcast_in_dim3A_303 : f32 to vector<16xf32>
    %swap3A_305 = arith.constant 4 : i32
    %swap3A_306 = arith.index_cast %swap3A_305 : i32 to index
    %swap3A_307 = arith.constant 96 : index
    %swap3A_308 = tpu.vector_load %arg10[%swap3A_306, %swap3A_307] {strides = array<i32>} : memref<16x128xf32, #tpu.memory_space<vmem>>, vector<1x16xf32>,
    %swap3A_309 = vector.shape_cast %swap3A_308 : vector<1x16xf32> to vector<16xf32>
    %swap3A_310 = vector.shape_cast %broadcast_in_dim3A_304 : vector<16xf32> to vector<1x16xf32>
    tpu.vector_store %arg10[%swap3A_306, %swap3A_307], %swap3A_310 {strides = array<i32>} : memref<16x128xf32, #tpu.memory_space<vmem>>, vector<1x16xf32>,
    %broadcast_in_dim3A_311 = arith.constant 0.000000e+00 : f32
    %broadcast_in_dim3A_312 = vector.broadcast %broadcast_in_dim3A_311 : f32 to vector<16xf32>
    %swap3A_313 = arith.constant 4 : i32
    %swap3A_314 = arith.index_cast %swap3A_313 : i32 to index
    %swap3A_315 = arith.constant 112 : index
    %swap3A_316 = tpu.vector_load %arg10[%swap3A_314, %swap3A_315] {strides = array<i32>} : memref<16x128xf32, #tpu.memory_space<vmem>>, vector<1x16xf32>,
    %swap3A_317 = vector.shape_cast %swap3A_316 : vector<1x16xf32> to vector<16xf32>
    %swap3A_318 = vector.shape_cast %broadcast_in_dim3A_312 : vector<16xf32> to vector<1x16xf32>
    tpu.vector_store %arg10[%swap3A_314, %swap3A_315], %swap3A_318 {strides = array<i32>} : memref<16x128xf32, #tpu.memory_space<vmem>>, vector<1x16xf32>,
    %broadcast_in_dim3A_319 = arith.constant 0.000000e+00 : f32
    %broadcast_in_dim3A_320 = vector.broadcast %broadcast_in_dim3A_319 : f32 to vector<16xf32>
    %swap3A_321 = arith.constant 5 : i32
    %swap3A_322 = arith.index_cast %swap3A_321 : i32 to index
    %swap3A_323 = arith.constant 0 : index
    %swap3A_324 = tpu.vector_load %arg10[%swap3A_322, %swap3A_323] {strides = array<i32>} : memref<16x128xf32, #tpu.memory_space<vmem>>, vector<1x16xf32>,
    %swap3A_325 = vector.shape_cast %swap3A_324 : vector<1x16xf32> to vector<16xf32>
    %swap3A_326 = vector.shape_cast %broadcast_in_dim3A_320 : vector<16xf32> to vector<1x16xf32>
    tpu.vector_store %arg10[%swap3A_322, %swap3A_323], %swap3A_326 {strides = array<i32>} : memref<16x128xf32, #tpu.memory_space<vmem>>, vector<1x16xf32>,
    %broadcast_in_dim3A_327 = arith.constant 0.000000e+00 : f32
    %broadcast_in_dim3A_328 = vector.broadcast %broadcast_in_dim3A_327 : f32 to vector<16xf32>
    %swap3A_329 = arith.constant 5 : i32
    %swap3A_330 = arith.index_cast %swap3A_329 : i32 to index
    %swap3A_331 = arith.constant 16 : index
    %swap3A_332 = tpu.vector_load %arg10[%swap3A_330, %swap3A_331] {strides = array<i32>} : memref<16x128xf32, #tpu.memory_space<vmem>>, vector<1x16xf32>,
    %swap3A_333 = vector.shape_cast %swap3A_332 : vector<1x16xf32> to vector<16xf32>
    %swap3A_334 = vector.shape_cast %broadcast_in_dim3A_328 : vector<16xf32> to vector<1x16xf32>
    tpu.vector_store %arg10[%swap3A_330, %swap3A_331], %swap3A_334 {strides = array<i32>} : memref<16x128xf32, #tpu.memory_space<vmem>>, vector<1x16xf32>,
    %broadcast_in_dim3A_335 = arith.constant 0.000000e+00 : f32
    %broadcast_in_dim3A_336 = vector.broadcast %broadcast_in_dim3A_335 : f32 to vector<16xf32>
    %swap3A_337 = arith.constant 5 : i32
    %swap3A_338 = arith.index_cast %swap3A_337 : i32 to index
    %swap3A_339 = arith.constant 32 : index
    %swap3A_340 = tpu.vector_load %arg10[%swap3A_338, %swap3A_339] {strides = array<i32>} : memref<16x128xf32, #tpu.memory_space<vmem>>, vector<1x16xf32>,
    %swap3A_341 = vector.shape_cast %swap3A_340 : vector<1x16xf32> to vector<16xf32>
    %swap3A_342 = vector.shape_cast %broadcast_in_dim3A_336 : vector<16xf32> to vector<1x16xf32>
    tpu.vector_store %arg10[%swap3A_338, %swap3A_339], %swap3A_342 {strides = array<i32>} : memref<16x128xf32, #tpu.memory_space<vmem>>, vector<1x16xf32>,
    %broadcast_in_dim3A_343 = arith.constant 0.000000e+00 : f32
    %broadcast_in_dim3A_344 = vector.broadcast %broadcast_in_dim3A_343 : f32 to vector<16xf32>
    %swap3A_345 = arith.constant 5 : i32
    %swap3A_346 = arith.index_cast %swap3A_345 : i32 to index
    %swap3A_347 = arith.constant 48 : index
    %swap3A_348 = tpu.vector_load %arg10[%swap3A_346, %swap3A_347] {strides = array<i32>} : memref<16x128xf32, #tpu.memory_space<vmem>>, vector<1x16xf32>,
    %swap3A_349 = vector.shape_cast %swap3A_348 : vector<1x16xf32> to vector<16xf32>
    %swap3A_350 = vector.shape_cast %broadcast_in_dim3A_344 : vector<16xf32> to vector<1x16xf32>
    tpu.vector_store %arg10[%swap3A_346, %swap3A_347], %swap3A_350 {strides = array<i32>} : memref<16x128xf32, #tpu.memory_space<vmem>>, vector<1x16xf32>,
    %broadcast_in_dim3A_351 = arith.constant 0.000000e+00 : f32
    %broadcast_in_dim3A_352 = vector.broadcast %broadcast_in_dim3A_351 : f32 to vector<16xf32>
    %swap3A_353 = arith.constant 5 : i32
    %swap3A_354 = arith.index_cast %swap3A_353 : i32 to index
    %swap3A_355 = arith.constant 64 : index
    %swap3A_356 = tpu.vector_load %arg10[%swap3A_354, %swap3A_355] {strides = array<i32>} : memref<16x128xf32, #tpu.memory_space<vmem>>, vector<1x16xf32>,
    %swap3A_357 = vector.shape_cast %swap3A_356 : vector<1x16xf32> to vector<16xf32>
    %swap3A_358 = vector.shape_cast %broadcast_in_dim3A_352 : vector<16xf32> to vector<1x16xf32>
    tpu.vector_store %arg10[%swap3A_354, %swap3A_355], %swap3A_358 {strides = array<i32>} : memref<16x128xf32, #tpu.memory_space<vmem>>, vector<1x16xf32>,
    %broadcast_in_dim3A_359 = arith.constant 0.000000e+00 : f32
    %broadcast_in_dim3A_360 = vector.broadcast %broadcast_in_dim3A_359 : f32 to vector<16xf32>
    %swap3A_361 = arith.constant 5 : i32
    %swap3A_362 = arith.index_cast %swap3A_361 : i32 to index
    %swap3A_363 = arith.constant 80 : index
    %swap3A_364 = tpu.vector_load %arg10[%swap3A_362, %swap3A_363] {strides = array<i32>} : memref<16x128xf32, #tpu.memory_space<vmem>>, vector<1x16xf32>,
    %swap3A_365 = vector.shape_cast %swap3A_364 : vector<1x16xf32> to vector<16xf32>
    %swap3A_366 = vector.shape_cast %broadcast_in_dim3A_360 : vector<16xf32> to vector<1x16xf32>
    tpu.vector_store %arg10[%swap3A_362, %swap3A_363], %swap3A_366 {strides = array<i32>} : memref<16x128xf32, #tpu.memory_space<vmem>>, vector<1x16xf32>,
    %broadcast_in_dim3A_367 = arith.constant 0.000000e+00 : f32
    %broadcast_in_dim3A_368 = vector.broadcast %broadcast_in_dim3A_367 : f32 to vector<16xf32>
    %swap3A_369 = arith.constant 5 : i32
    %swap3A_370 = arith.index_cast %swap3A_369 : i32 to index
    %swap3A_371 = arith.constant 96 : index
    %swap3A_372 = tpu.vector_load %arg10[%swap3A_370, %swap3A_371] {strides = array<i32>} : memref<16x128xf32, #tpu.memory_space<vmem>>, vector<1x16xf32>,
    %swap3A_373 = vector.shape_cast %swap3A_372 : vector<1x16xf32> to vector<16xf32>
    %swap3A_374 = vector.shape_cast %broadcast_in_dim3A_368 : vector<16xf32> to vector<1x16xf32>
    tpu.vector_store %arg10[%swap3A_370, %swap3A_371], %swap3A_374 {strides = array<i32>} : memref<16x128xf32, #tpu.memory_space<vmem>>, vector<1x16xf32>,
    %broadcast_in_dim3A_375 = arith.constant 0.000000e+00 : f32
    %broadcast_in_dim3A_376 = vector.broadcast %broadcast_in_dim3A_375 : f32 to vector<16xf32>
    %swap3A_377 = arith.constant 5 : i32
    %swap3A_378 = arith.index_cast %swap3A_377 : i32 to index
    %swap3A_379 = arith.constant 112 : index
    %swap3A_380 = tpu.vector_load %arg10[%swap3A_378, %swap3A_379] {strides = array<i32>} : memref<16x128xf32, #tpu.memory_space<vmem>>, vector<1x16xf32>,
    %swap3A_381 = vector.shape_cast %swap3A_380 : vector<1x16xf32> to vector<16xf32>
    %swap3A_382 = vector.shape_cast %broadcast_in_dim3A_376 : vector<16xf32> to vector<1x16xf32>
    tpu.vector_store %arg10[%swap3A_378, %swap3A_379], %swap3A_382 {strides = array<i32>} : memref<16x128xf32, #tpu.memory_space<vmem>>, vector<1x16xf32>,
    %broadcast_in_dim3A_383 = arith.constant 0.000000e+00 : f32
    %broadcast_in_dim3A_384 = vector.broadcast %broadcast_in_dim3A_383 : f32 to vector<16xf32>
    %swap3A_385 = arith.constant 6 : i32
    %swap3A_386 = arith.index_cast %swap3A_385 : i32 to index
    %swap3A_387 = arith.constant 0 : index
    %swap3A_388 = tpu.vector_load %arg10[%swap3A_386, %swap3A_387] {strides = array<i32>} : memref<16x128xf32, #tpu.memory_space<vmem>>, vector<1x16xf32>,
    %swap3A_389 = vector.shape_cast %swap3A_388 : vector<1x16xf32> to vector<16xf32>
    %swap3A_390 = vector.shape_cast %broadcast_in_dim3A_384 : vector<16xf32> to vector<1x16xf32>
    tpu.vector_store %arg10[%swap3A_386, %swap3A_387], %swap3A_390 {strides = array<i32>} : memref<16x128xf32, #tpu.memory_space<vmem>>, vector<1x16xf32>,
    %broadcast_in_dim3A_391 = arith.constant 0.000000e+00 : f32
    %broadcast_in_dim3A_392 = vector.broadcast %broadcast_in_dim3A_391 : f32 to vector<16xf32>
    %swap3A_393 = arith.constant 6 : i32
    %swap3A_394 = arith.index_cast %swap3A_393 : i32 to index
    %swap3A_395 = arith.constant 16 : index
    %swap3A_396 = tpu.vector_load %arg10[%swap3A_394, %swap3A_395] {strides = array<i32>} : memref<16x128xf32, #tpu.memory_space<vmem>>, vector<1x16xf32>,
    %swap3A_397 = vector.shape_cast %swap3A_396 : vector<1x16xf32> to vector<16xf32>
    %swap3A_398 = vector.shape_cast %broadcast_in_dim3A_392 : vector<16xf32> to vector<1x16xf32>
    tpu.vector_store %arg10[%swap3A_394, %swap3A_395], %swap3A_398 {strides = array<i32>} : memref<16x128xf32, #tpu.memory_space<vmem>>, vector<1x16xf32>,
    %broadcast_in_dim3A_399 = arith.constant 0.000000e+00 : f32
    %broadcast_in_dim3A_400 = vector.broadcast %broadcast_in_dim3A_399 : f32 to vector<16xf32>
    %swap3A_401 = arith.constant 6 : i32
    %swap3A_402 = arith.index_cast %swap3A_401 : i32 to index
    %swap3A_403 = arith.constant 32 : index
    %swap3A_404 = tpu.vector_load %arg10[%swap3A_402, %swap3A_403] {strides = array<i32>} : memref<16x128xf32, #tpu.memory_space<vmem>>, vector<1x16xf32>,
    %swap3A_405 = vector.shape_cast %swap3A_404 : vector<1x16xf32> to vector<16xf32>
    %swap3A_406 = vector.shape_cast %broadcast_in_dim3A_400 : vector<16xf32> to vector<1x16xf32>
    tpu.vector_store %arg10[%swap3A_402, %swap3A_403], %swap3A_406 {strides = array<i32>} : memref<16x128xf32, #tpu.memory_space<vmem>>, vector<1x16xf32>,
    %broadcast_in_dim3A_407 = arith.constant 0.000000e+00 : f32
    %broadcast_in_dim3A_408 = vector.broadcast %broadcast_in_dim3A_407 : f32 to vector<16xf32>
    %swap3A_409 = arith.constant 6 : i32
    %swap3A_410 = arith.index_cast %swap3A_409 : i32 to index
    %swap3A_411 = arith.constant 48 : index
    %swap3A_412 = tpu.vector_load %arg10[%swap3A_410, %swap3A_411] {strides = array<i32>} : memref<16x128xf32, #tpu.memory_space<vmem>>, vector<1x16xf32>,
    %swap3A_413 = vector.shape_cast %swap3A_412 : vector<1x16xf32> to vector<16xf32>
    %swap3A_414 = vector.shape_cast %broadcast_in_dim3A_408 : vector<16xf32> to vector<1x16xf32>
    tpu.vector_store %arg10[%swap3A_410, %swap3A_411], %swap3A_414 {strides = array<i32>} : memref<16x128xf32, #tpu.memory_space<vmem>>, vector<1x16xf32>,
    %broadcast_in_dim3A_415 = arith.constant 0.000000e+00 : f32
    %broadcast_in_dim3A_416 = vector.broadcast %broadcast_in_dim3A_415 : f32 to vector<16xf32>
    %swap3A_417 = arith.constant 6 : i32
    %swap3A_418 = arith.index_cast %swap3A_417 : i32 to index
    %swap3A_419 = arith.constant 64 : index
    %swap3A_420 = tpu.vector_load %arg10[%swap3A_418, %swap3A_419] {strides = array<i32>} : memref<16x128xf32, #tpu.memory_space<vmem>>, vector<1x16xf32>,
    %swap3A_421 = vector.shape_cast %swap3A_420 : vector<1x16xf32> to vector<16xf32>
    %swap3A_422 = vector.shape_cast %broadcast_in_dim3A_416 : vector<16xf32> to vector<1x16xf32>
    tpu.vector_store %arg10[%swap3A_418, %swap3A_419], %swap3A_422 {strides = array<i32>} : memref<16x128xf32, #tpu.memory_space<vmem>>, vector<1x16xf32>,
    %broadcast_in_dim3A_423 = arith.constant 0.000000e+00 : f32
    %broadcast_in_dim3A_424 = vector.broadcast %broadcast_in_dim3A_423 : f32 to vector<16xf32>
    %swap3A_425 = arith.constant 6 : i32
    %swap3A_426 = arith.index_cast %swap3A_425 : i32 to index
    %swap3A_427 = arith.constant 80 : index
    %swap3A_428 = tpu.vector_load %arg10[%swap3A_426, %swap3A_427] {strides = array<i32>} : memref<16x128xf32, #tpu.memory_space<vmem>>, vector<1x16xf32>,
    %swap3A_429 = vector.shape_cast %swap3A_428 : vector<1x16xf32> to vector<16xf32>
    %swap3A_430 = vector.shape_cast %broadcast_in_dim3A_424 : vector<16xf32> to vector<1x16xf32>
    tpu.vector_store %arg10[%swap3A_426, %swap3A_427], %swap3A_430 {strides = array<i32>} : memref<16x128xf32, #tpu.memory_space<vmem>>, vector<1x16xf32>,
    %broadcast_in_dim3A_431 = arith.constant 0.000000e+00 : f32
    %broadcast_in_dim3A_432 = vector.broadcast %broadcast_in_dim3A_431 : f32 to vector<16xf32>
    %swap3A_433 = arith.constant 6 : i32
    %swap3A_434 = arith.index_cast %swap3A_433 : i32 to index
    %swap3A_435 = arith.constant 96 : index
    %swap3A_436 = tpu.vector_load %arg10[%swap3A_434, %swap3A_435] {strides = array<i32>} : memref<16x128xf32, #tpu.memory_space<vmem>>, vector<1x16xf32>,
    %swap3A_437 = vector.shape_cast %swap3A_436 : vector<1x16xf32> to vector<16xf32>
    %swap3A_438 = vector.shape_cast %broadcast_in_dim3A_432 : vector<16xf32> to vector<1x16xf32>
    tpu.vector_store %arg10[%swap3A_434, %swap3A_435], %swap3A_438 {strides = array<i32>} : memref<16x128xf32, #tpu.memory_space<vmem>>, vector<1x16xf32>,
    %broadcast_in_dim3A_439 = arith.constant 0.000000e+00 : f32
    %broadcast_in_dim3A_440 = vector.broadcast %broadcast_in_dim3A_439 : f32 to vector<16xf32>
    %swap3A_441 = arith.constant 6 : i32
    %swap3A_442 = arith.index_cast %swap3A_441 : i32 to index
    %swap3A_443 = arith.constant 112 : index
    %swap3A_444 = tpu.vector_load %arg10[%swap3A_442, %swap3A_443] {strides = array<i32>} : memref<16x128xf32, #tpu.memory_space<vmem>>, vector<1x16xf32>,
    %swap3A_445 = vector.shape_cast %swap3A_444 : vector<1x16xf32> to vector<16xf32>
    %swap3A_446 = vector.shape_cast %broadcast_in_dim3A_440 : vector<16xf32> to vector<1x16xf32>
    tpu.vector_store %arg10[%swap3A_442, %swap3A_443], %swap3A_446 {strides = array<i32>} : memref<16x128xf32, #tpu.memory_space<vmem>>, vector<1x16xf32>,
    %broadcast_in_dim3A_447 = arith.constant 0.000000e+00 : f32
    %broadcast_in_dim3A_448 = vector.broadcast %broadcast_in_dim3A_447 : f32 to vector<16xf32>
    %swap3A_449 = arith.constant 7 : i32
    %swap3A_450 = arith.index_cast %swap3A_449 : i32 to index
    %swap3A_451 = arith.constant 0 : index
    %swap3A_452 = tpu.vector_load %arg10[%swap3A_450, %swap3A_451] {strides = array<i32>} : memref<16x128xf32, #tpu.memory_space<vmem>>, vector<1x16xf32>,
    %swap3A_453 = vector.shape_cast %swap3A_452 : vector<1x16xf32> to vector<16xf32>
    %swap3A_454 = vector.shape_cast %broadcast_in_dim3A_448 : vector<16xf32> to vector<1x16xf32>
    tpu.vector_store %arg10[%swap3A_450, %swap3A_451], %swap3A_454 {strides = array<i32>} : memref<16x128xf32, #tpu.memory_space<vmem>>, vector<1x16xf32>,
    %broadcast_in_dim3A_455 = arith.constant 0.000000e+00 : f32
    %broadcast_in_dim3A_456 = vector.broadcast %broadcast_in_dim3A_455 : f32 to vector<16xf32>
    %swap3A_457 = arith.constant 7 : i32
    %swap3A_458 = arith.index_cast %swap3A_457 : i32 to index
    %swap3A_459 = arith.constant 16 : index
    %swap3A_460 = tpu.vector_load %arg10[%swap3A_458, %swap3A_459] {strides = array<i32>} : memref<16x128xf32, #tpu.memory_space<vmem>>, vector<1x16xf32>,
    %swap3A_461 = vector.shape_cast %swap3A_460 : vector<1x16xf32> to vector<16xf32>
    %swap3A_462 = vector.shape_cast %broadcast_in_dim3A_456 : vector<16xf32> to vector<1x16xf32>
    tpu.vector_store %arg10[%swap3A_458, %swap3A_459], %swap3A_462 {strides = array<i32>} : memref<16x128xf32, #tpu.memory_space<vmem>>, vector<1x16xf32>,
    %broadcast_in_dim3A_463 = arith.constant 0.000000e+00 : f32
    %broadcast_in_dim3A_464 = vector.broadcast %broadcast_in_dim3A_463 : f32 to vector<16xf32>
    %swap3A_465 = arith.constant 7 : i32
    %swap3A_466 = arith.index_cast %swap3A_465 : i32 to index
    %swap3A_467 = arith.constant 32 : index
    %swap3A_468 = tpu.vector_load %arg10[%swap3A_466, %swap3A_467] {strides = array<i32>} : memref<16x128xf32, #tpu.memory_space<vmem>>, vector<1x16xf32>,
    %swap3A_469 = vector.shape_cast %swap3A_468 : vector<1x16xf32> to vector<16xf32>
    %swap3A_470 = vector.shape_cast %broadcast_in_dim3A_464 : vector<16xf32> to vector<1x16xf32>
    tpu.vector_store %arg10[%swap3A_466, %swap3A_467], %swap3A_470 {strides = array<i32>} : memref<16x128xf32, #tpu.memory_space<vmem>>, vector<1x16xf32>,
    %broadcast_in_dim3A_471 = arith.constant 0.000000e+00 : f32
    %broadcast_in_dim3A_472 = vector.broadcast %broadcast_in_dim3A_471 : f32 to vector<16xf32>
    %swap3A_473 = arith.constant 7 : i32
    %swap3A_474 = arith.index_cast %swap3A_473 : i32 to index
    %swap3A_475 = arith.constant 48 : index
    %swap3A_476 = tpu.vector_load %arg10[%swap3A_474, %swap3A_475] {strides = array<i32>} : memref<16x128xf32, #tpu.memory_space<vmem>>, vector<1x16xf32>,
    %swap3A_477 = vector.shape_cast %swap3A_476 : vector<1x16xf32> to vector<16xf32>
    %swap3A_478 = vector.shape_cast %broadcast_in_dim3A_472 : vector<16xf32> to vector<1x16xf32>
    tpu.vector_store %arg10[%swap3A_474, %swap3A_475], %swap3A_478 {strides = array<i32>} : memref<16x128xf32, #tpu.memory_space<vmem>>, vector<1x16xf32>,
    %broadcast_in_dim3A_479 = arith.constant 0.000000e+00 : f32
    %broadcast_in_dim3A_480 = vector.broadcast %broadcast_in_dim3A_479 : f32 to vector<16xf32>
    %swap3A_481 = arith.constant 7 : i32
    %swap3A_482 = arith.index_cast %swap3A_481 : i32 to index
    %swap3A_483 = arith.constant 64 : index
    %swap3A_484 = tpu.vector_load %arg10[%swap3A_482, %swap3A_483] {strides = array<i32>} : memref<16x128xf32, #tpu.memory_space<vmem>>, vector<1x16xf32>,
    %swap3A_485 = vector.shape_cast %swap3A_484 : vector<1x16xf32> to vector<16xf32>
    %swap3A_486 = vector.shape_cast %broadcast_in_dim3A_480 : vector<16xf32> to vector<1x16xf32>
    tpu.vector_store %arg10[%swap3A_482, %swap3A_483], %swap3A_486 {strides = array<i32>} : memref<16x128xf32, #tpu.memory_space<vmem>>, vector<1x16xf32>,
    %broadcast_in_dim3A_487 = arith.constant 0.000000e+00 : f32
    %broadcast_in_dim3A_488 = vector.broadcast %broadcast_in_dim3A_487 : f32 to vector<16xf32>
    %swap3A_489 = arith.constant 7 : i32
    %swap3A_490 = arith.index_cast %swap3A_489 : i32 to index
    %swap3A_491 = arith.constant 80 : index
    %swap3A_492 = tpu.vector_load %arg10[%swap3A_490, %swap3A_491] {strides = array<i32>} : memref<16x128xf32, #tpu.memory_space<vmem>>, vector<1x16xf32>,
    %swap3A_493 = vector.shape_cast %swap3A_492 : vector<1x16xf32> to vector<16xf32>
    %swap3A_494 = vector.shape_cast %broadcast_in_dim3A_488 : vector<16xf32> to vector<1x16xf32>
    tpu.vector_store %arg10[%swap3A_490, %swap3A_491], %swap3A_494 {strides = array<i32>} : memref<16x128xf32, #tpu.memory_space<vmem>>, vector<1x16xf32>,
    %broadcast_in_dim3A_495 = arith.constant 0.000000e+00 : f32
    %broadcast_in_dim3A_496 = vector.broadcast %broadcast_in_dim3A_495 : f32 to vector<16xf32>
    %swap3A_497 = arith.constant 7 : i32
    %swap3A_498 = arith.index_cast %swap3A_497 : i32 to index
    %swap3A_499 = arith.constant 96 : index
    %swap3A_500 = tpu.vector_load %arg10[%swap3A_498, %swap3A_499] {strides = array<i32>} : memref<16x128xf32, #tpu.memory_space<vmem>>, vector<1x16xf32>,
    %swap3A_501 = vector.shape_cast %swap3A_500 : vector<1x16xf32> to vector<16xf32>
    %swap3A_502 = vector.shape_cast %broadcast_in_dim3A_496 : vector<16xf32> to vector<1x16xf32>
    tpu.vector_store %arg10[%swap3A_498, %swap3A_499], %swap3A_502 {strides = array<i32>} : memref<16x128xf32, #tpu.memory_space<vmem>>, vector<1x16xf32>,
    %broadcast_in_dim3A_503 = arith.constant 0.000000e+00 : f32
    %broadcast_in_dim3A_504 = vector.broadcast %broadcast_in_dim3A_503 : f32 to vector<16xf32>
    %swap3A_505 = arith.constant 7 : i32
    %swap3A_506 = arith.index_cast %swap3A_505 : i32 to index
    %swap3A_507 = arith.constant 112 : index
    %swap3A_508 = tpu.vector_load %arg10[%swap3A_506, %swap3A_507] {strides = array<i32>} : memref<16x128xf32, #tpu.memory_space<vmem>>, vector<1x16xf32>,
    %swap3A_509 = vector.shape_cast %swap3A_508 : vector<1x16xf32> to vector<16xf32>
    %swap3A_510 = vector.shape_cast %broadcast_in_dim3A_504 : vector<16xf32> to vector<1x16xf32>
    tpu.vector_store %arg10[%swap3A_506, %swap3A_507], %swap3A_510 {strides = array<i32>} : memref<16x128xf32, #tpu.memory_space<vmem>>, vector<1x16xf32>,
    %broadcast_in_dim3A_511 = arith.constant 0.000000e+00 : f32
    %broadcast_in_dim3A_512 = vector.broadcast %broadcast_in_dim3A_511 : f32 to vector<16xf32>
    %swap3A_513 = arith.constant 8 : i32
    %swap3A_514 = arith.index_cast %swap3A_513 : i32 to index
    %swap3A_515 = arith.constant 0 : index
    %swap3A_516 = tpu.vector_load %arg10[%swap3A_514, %swap3A_515] {strides = array<i32>} : memref<16x128xf32, #tpu.memory_space<vmem>>, vector<1x16xf32>,
    %swap3A_517 = vector.shape_cast %swap3A_516 : vector<1x16xf32> to vector<16xf32>
    %swap3A_518 = vector.shape_cast %broadcast_in_dim3A_512 : vector<16xf32> to vector<1x16xf32>
    tpu.vector_store %arg10[%swap3A_514, %swap3A_515], %swap3A_518 {strides = array<i32>} : memref<16x128xf32, #tpu.memory_space<vmem>>, vector<1x16xf32>,
    %broadcast_in_dim3A_519 = arith.constant 0.000000e+00 : f32
    %broadcast_in_dim3A_520 = vector.broadcast %broadcast_in_dim3A_519 : f32 to vector<16xf32>
    %swap3A_521 = arith.constant 8 : i32
    %swap3A_522 = arith.index_cast %swap3A_521 : i32 to index
    %swap3A_523 = arith.constant 16 : index
    %swap3A_524 = tpu.vector_load %arg10[%swap3A_522, %swap3A_523] {strides = array<i32>} : memref<16x128xf32, #tpu.memory_space<vmem>>, vector<1x16xf32>,
    %swap3A_525 = vector.shape_cast %swap3A_524 : vector<1x16xf32> to vector<16xf32>
    %swap3A_526 = vector.shape_cast %broadcast_in_dim3A_520 : vector<16xf32> to vector<1x16xf32>
    tpu.vector_store %arg10[%swap3A_522, %swap3A_523], %swap3A_526 {strides = array<i32>} : memref<16x128xf32, #tpu.memory_space<vmem>>, vector<1x16xf32>,
    %broadcast_in_dim3A_527 = arith.constant 0.000000e+00 : f32
    %broadcast_in_dim3A_528 = vector.broadcast %broadcast_in_dim3A_527 : f32 to vector<16xf32>
    %swap3A_529 = arith.constant 8 : i32
    %swap3A_530 = arith.index_cast %swap3A_529 : i32 to index
    %swap3A_531 = arith.constant 32 : index
    %swap3A_532 = tpu.vector_load %arg10[%swap3A_530, %swap3A_531] {strides = array<i32>} : memref<16x128xf32, #tpu.memory_space<vmem>>, vector<1x16xf32>,
    %swap3A_533 = vector.shape_cast %swap3A_532 : vector<1x16xf32> to vector<16xf32>
    %swap3A_534 = vector.shape_cast %broadcast_in_dim3A_528 : vector<16xf32> to vector<1x16xf32>
    tpu.vector_store %arg10[%swap3A_530, %swap3A_531], %swap3A_534 {strides = array<i32>} : memref<16x128xf32, #tpu.memory_space<vmem>>, vector<1x16xf32>,
    %broadcast_in_dim3A_535 = arith.constant 0.000000e+00 : f32
    %broadcast_in_dim3A_536 = vector.broadcast %broadcast_in_dim3A_535 : f32 to vector<16xf32>
    %swap3A_537 = arith.constant 8 : i32
    %swap3A_538 = arith.index_cast %swap3A_537 : i32 to index
    %swap3A_539 = arith.constant 48 : index
    %swap3A_540 = tpu.vector_load %arg10[%swap3A_538, %swap3A_539] {strides = array<i32>} : memref<16x128xf32, #tpu.memory_space<vmem>>, vector<1x16xf32>,
    %swap3A_541 = vector.shape_cast %swap3A_540 : vector<1x16xf32> to vector<16xf32>
    %swap3A_542 = vector.shape_cast %broadcast_in_dim3A_536 : vector<16xf32> to vector<1x16xf32>
    tpu.vector_store %arg10[%swap3A_538, %swap3A_539], %swap3A_542 {strides = array<i32>} : memref<16x128xf32, #tpu.memory_space<vmem>>, vector<1x16xf32>,
    %broadcast_in_dim3A_543 = arith.constant 0.000000e+00 : f32
    %broadcast_in_dim3A_544 = vector.broadcast %broadcast_in_dim3A_543 : f32 to vector<16xf32>
    %swap3A_545 = arith.constant 8 : i32
    %swap3A_546 = arith.index_cast %swap3A_545 : i32 to index
    %swap3A_547 = arith.constant 64 : index
    %swap3A_548 = tpu.vector_load %arg10[%swap3A_546, %swap3A_547] {strides = array<i32>} : memref<16x128xf32, #tpu.memory_space<vmem>>, vector<1x16xf32>,
    %swap3A_549 = vector.shape_cast %swap3A_548 : vector<1x16xf32> to vector<16xf32>
    %swap3A_550 = vector.shape_cast %broadcast_in_dim3A_544 : vector<16xf32> to vector<1x16xf32>
    tpu.vector_store %arg10[%swap3A_546, %swap3A_547], %swap3A_550 {strides = array<i32>} : memref<16x128xf32, #tpu.memory_space<vmem>>, vector<1x16xf32>,
    %broadcast_in_dim3A_551 = arith.constant 0.000000e+00 : f32
    %broadcast_in_dim3A_552 = vector.broadcast %broadcast_in_dim3A_551 : f32 to vector<16xf32>
    %swap3A_553 = arith.constant 8 : i32
    %swap3A_554 = arith.index_cast %swap3A_553 : i32 to index
    %swap3A_555 = arith.constant 80 : index
    %swap3A_556 = tpu.vector_load %arg10[%swap3A_554, %swap3A_555] {strides = array<i32>} : memref<16x128xf32, #tpu.memory_space<vmem>>, vector<1x16xf32>,
    %swap3A_557 = vector.shape_cast %swap3A_556 : vector<1x16xf32> to vector<16xf32>
    %swap3A_558 = vector.shape_cast %broadcast_in_dim3A_552 : vector<16xf32> to vector<1x16xf32>
    tpu.vector_store %arg10[%swap3A_554, %swap3A_555], %swap3A_558 {strides = array<i32>} : memref<16x128xf32, #tpu.memory_space<vmem>>, vector<1x16xf32>,
    %broadcast_in_dim3A_559 = arith.constant 0.000000e+00 : f32
    %broadcast_in_dim3A_560 = vector.broadcast %broadcast_in_dim3A_559 : f32 to vector<16xf32>
    %swap3A_561 = arith.constant 8 : i32
    %swap3A_562 = arith.index_cast %swap3A_561 : i32 to index
    %swap3A_563 = arith.constant 96 : index
    %swap3A_564 = tpu.vector_load %arg10[%swap3A_562, %swap3A_563] {strides = array<i32>} : memref<16x128xf32, #tpu.memory_space<vmem>>, vector<1x16xf32>,
    %swap3A_565 = vector.shape_cast %swap3A_564 : vector<1x16xf32> to vector<16xf32>
    %swap3A_566 = vector.shape_cast %broadcast_in_dim3A_560 : vector<16xf32> to vector<1x16xf32>
    tpu.vector_store %arg10[%swap3A_562, %swap3A_563], %swap3A_566 {strides = array<i32>} : memref<16x128xf32, #tpu.memory_space<vmem>>, vector<1x16xf32>,
    %broadcast_in_dim3A_567 = arith.constant 0.000000e+00 : f32
    %broadcast_in_dim3A_568 = vector.broadcast %broadcast_in_dim3A_567 : f32 to vector<16xf32>
    %swap3A_569 = arith.constant 8 : i32
    %swap3A_570 = arith.index_cast %swap3A_569 : i32 to index
    %swap3A_571 = arith.constant 112 : index
    %swap3A_572 = tpu.vector_load %arg10[%swap3A_570, %swap3A_571] {strides = array<i32>} : memref<16x128xf32, #tpu.memory_space<vmem>>, vector<1x16xf32>,
    %swap3A_573 = vector.shape_cast %swap3A_572 : vector<1x16xf32> to vector<16xf32>
    %swap3A_574 = vector.shape_cast %broadcast_in_dim3A_568 : vector<16xf32> to vector<1x16xf32>
    tpu.vector_store %arg10[%swap3A_570, %swap3A_571], %swap3A_574 {strides = array<i32>} : memref<16x128xf32, #tpu.memory_space<vmem>>, vector<1x16xf32>,
    %broadcast_in_dim3A_575 = arith.constant 0.000000e+00 : f32
    %broadcast_in_dim3A_576 = vector.broadcast %broadcast_in_dim3A_575 : f32 to vector<16xf32>
    %swap3A_577 = arith.constant 9 : i32
    %swap3A_578 = arith.index_cast %swap3A_577 : i32 to index
    %swap3A_579 = arith.constant 0 : index
    %swap3A_580 = tpu.vector_load %arg10[%swap3A_578, %swap3A_579] {strides = array<i32>} : memref<16x128xf32, #tpu.memory_space<vmem>>, vector<1x16xf32>,
    %swap3A_581 = vector.shape_cast %swap3A_580 : vector<1x16xf32> to vector<16xf32>
    %swap3A_582 = vector.shape_cast %broadcast_in_dim3A_576 : vector<16xf32> to vector<1x16xf32>
    tpu.vector_store %arg10[%swap3A_578, %swap3A_579], %swap3A_582 {strides = array<i32>} : memref<16x128xf32, #tpu.memory_space<vmem>>, vector<1x16xf32>,
    %broadcast_in_dim3A_583 = arith.constant 0.000000e+00 : f32
    %broadcast_in_dim3A_584 = vector.broadcast %broadcast_in_dim3A_583 : f32 to vector<16xf32>
    %swap3A_585 = arith.constant 9 : i32
    %swap3A_586 = arith.index_cast %swap3A_585 : i32 to index
    %swap3A_587 = arith.constant 16 : index
    %swap3A_588 = tpu.vector_load %arg10[%swap3A_586, %swap3A_587] {strides = array<i32>} : memref<16x128xf32, #tpu.memory_space<vmem>>, vector<1x16xf32>,
    %swap3A_589 = vector.shape_cast %swap3A_588 : vector<1x16xf32> to vector<16xf32>
    %swap3A_590 = vector.shape_cast %broadcast_in_dim3A_584 : vector<16xf32> to vector<1x16xf32>
    tpu.vector_store %arg10[%swap3A_586, %swap3A_587], %swap3A_590 {strides = array<i32>} : memref<16x128xf32, #tpu.memory_space<vmem>>, vector<1x16xf32>,
    %broadcast_in_dim3A_591 = arith.constant 0.000000e+00 : f32
    %broadcast_in_dim3A_592 = vector.broadcast %broadcast_in_dim3A_591 : f32 to vector<16xf32>
    %swap3A_593 = arith.constant 9 : i32
    %swap3A_594 = arith.index_cast %swap3A_593 : i32 to index
    %swap3A_595 = arith.constant 32 : index
    %swap3A_596 = tpu.vector_load %arg10[%swap3A_594, %swap3A_595] {strides = array<i32>} : memref<16x128xf32, #tpu.memory_space<vmem>>, vector<1x16xf32>,
    %swap3A_597 = vector.shape_cast %swap3A_596 : vector<1x16xf32> to vector<16xf32>
    %swap3A_598 = vector.shape_cast %broadcast_in_dim3A_592 : vector<16xf32> to vector<1x16xf32>
    tpu.vector_store %arg10[%swap3A_594, %swap3A_595], %swap3A_598 {strides = array<i32>} : memref<16x128xf32, #tpu.memory_space<vmem>>, vector<1x16xf32>,
    %broadcast_in_dim3A_599 = arith.constant 0.000000e+00 : f32
    %broadcast_in_dim3A_600 = vector.broadcast %broadcast_in_dim3A_599 : f32 to vector<16xf32>
    %swap3A_601 = arith.constant 9 : i32
    %swap3A_602 = arith.index_cast %swap3A_601 : i32 to index
    %swap3A_603 = arith.constant 48 : index
    %swap3A_604 = tpu.vector_load %arg10[%swap3A_602, %swap3A_603] {strides = array<i32>} : memref<16x128xf32, #tpu.memory_space<vmem>>, vector<1x16xf32>,
    %swap3A_605 = vector.shape_cast %swap3A_604 : vector<1x16xf32> to vector<16xf32>
    %swap3A_606 = vector.shape_cast %broadcast_in_dim3A_600 : vector<16xf32> to vector<1x16xf32>
    tpu.vector_store %arg10[%swap3A_602, %swap3A_603], %swap3A_606 {strides = array<i32>} : memref<16x128xf32, #tpu.memory_space<vmem>>, vector<1x16xf32>,
    %broadcast_in_dim3A_607 = arith.constant 0.000000e+00 : f32
    %broadcast_in_dim3A_608 = vector.broadcast %broadcast_in_dim3A_607 : f32 to vector<16xf32>
    %swap3A_609 = arith.constant 9 : i32
    %swap3A_610 = arith.index_cast %swap3A_609 : i32 to index
    %swap3A_611 = arith.constant 64 : index
    %swap3A_612 = tpu.vector_load %arg10[%swap3A_610, %swap3A_611] {strides = array<i32>} : memref<16x128xf32, #tpu.memory_space<vmem>>, vector<1x16xf32>,
    %swap3A_613 = vector.shape_cast %swap3A_612 : vector<1x16xf32> to vector<16xf32>
    %swap3A_614 = vector.shape_cast %broadcast_in_dim3A_608 : vector<16xf32> to vector<1x16xf32>
    tpu.vector_store %arg10[%swap3A_610, %swap3A_611], %swap3A_614 {strides = array<i32>} : memref<16x128xf32, #tpu.memory_space<vmem>>, vector<1x16xf32>,
    %broadcast_in_dim3A_615 = arith.constant 0.000000e+00 : f32
    %broadcast_in_dim3A_616 = vector.broadcast %broadcast_in_dim3A_615 : f32 to vector<16xf32>
    %swap3A_617 = arith.constant 9 : i32
    %swap3A_618 = arith.index_cast %swap3A_617 : i32 to index
    %swap3A_619 = arith.constant 80 : index
    %swap3A_620 = tpu.vector_load %arg10[%swap3A_618, %swap3A_619] {strides = array<i32>} : memref<16x128xf32, #tpu.memory_space<vmem>>, vector<1x16xf32>,
    %swap3A_621 = vector.shape_cast %swap3A_620 : vector<1x16xf32> to vector<16xf32>
    %swap3A_622 = vector.shape_cast %broadcast_in_dim3A_616 : vector<16xf32> to vector<1x16xf32>
    tpu.vector_store %arg10[%swap3A_618, %swap3A_619], %swap3A_622 {strides = array<i32>} : memref<16x128xf32, #tpu.memory_space<vmem>>, vector<1x16xf32>,
    %broadcast_in_dim3A_623 = arith.constant 0.000000e+00 : f32
    %broadcast_in_dim3A_624 = vector.broadcast %broadcast_in_dim3A_623 : f32 to vector<16xf32>
    %swap3A_625 = arith.constant 9 : i32
    %swap3A_626 = arith.index_cast %swap3A_625 : i32 to index
    %swap3A_627 = arith.constant 96 : index
    %swap3A_628 = tpu.vector_load %arg10[%swap3A_626, %swap3A_627] {strides = array<i32>} : memref<16x128xf32, #tpu.memory_space<vmem>>, vector<1x16xf32>,
    %swap3A_629 = vector.shape_cast %swap3A_628 : vector<1x16xf32> to vector<16xf32>
    %swap3A_630 = vector.shape_cast %broadcast_in_dim3A_624 : vector<16xf32> to vector<1x16xf32>
    tpu.vector_store %arg10[%swap3A_626, %swap3A_627], %swap3A_630 {strides = array<i32>} : memref<16x128xf32, #tpu.memory_space<vmem>>, vector<1x16xf32>,
    %broadcast_in_dim3A_631 = arith.constant 0.000000e+00 : f32
    %broadcast_in_dim3A_632 = vector.broadcast %broadcast_in_dim3A_631 : f32 to vector<16xf32>
    %swap3A_633 = arith.constant 9 : i32
    %swap3A_634 = arith.index_cast %swap3A_633 : i32 to index
    %swap3A_635 = arith.constant 112 : index
    %swap3A_636 = tpu.vector_load %arg10[%swap3A_634, %swap3A_635] {strides = array<i32>} : memref<16x128xf32, #tpu.memory_space<vmem>>, vector<1x16xf32>,
    %swap3A_637 = vector.shape_cast %swap3A_636 : vector<1x16xf32> to vector<16xf32>
    %swap3A_638 = vector.shape_cast %broadcast_in_dim3A_632 : vector<16xf32> to vector<1x16xf32>
    tpu.vector_store %arg10[%swap3A_634, %swap3A_635], %swap3A_638 {strides = array<i32>} : memref<16x128xf32, #tpu.memory_space<vmem>>, vector<1x16xf32>,
    %broadcast_in_dim3A_639 = arith.constant 0.000000e+00 : f32
    %broadcast_in_dim3A_640 = vector.broadcast %broadcast_in_dim3A_639 : f32 to vector<16xf32>
    %swap3A_641 = arith.constant 10 : i32
    %swap3A_642 = arith.index_cast %swap3A_641 : i32 to index
    %swap3A_643 = arith.constant 0 : index
    %swap3A_644 = tpu.vector_load %arg10[%swap3A_642, %swap3A_643] {strides = array<i32>} : memref<16x128xf32, #tpu.memory_space<vmem>>, vector<1x16xf32>,
    %swap3A_645 = vector.shape_cast %swap3A_644 : vector<1x16xf32> to vector<16xf32>
    %swap3A_646 = vector.shape_cast %broadcast_in_dim3A_640 : vector<16xf32> to vector<1x16xf32>
    tpu.vector_store %arg10[%swap3A_642, %swap3A_643], %swap3A_646 {strides = array<i32>} : memref<16x128xf32, #tpu.memory_space<vmem>>, vector<1x16xf32>,
    %broadcast_in_dim3A_647 = arith.constant 0.000000e+00 : f32
    %broadcast_in_dim3A_648 = vector.broadcast %broadcast_in_dim3A_647 : f32 to vector<16xf32>
    %swap3A_649 = arith.constant 10 : i32
    %swap3A_650 = arith.index_cast %swap3A_649 : i32 to index
    %swap3A_651 = arith.constant 16 : index
    %swap3A_652 = tpu.vector_load %arg10[%swap3A_650, %swap3A_651] {strides = array<i32>} : memref<16x128xf32, #tpu.memory_space<vmem>>, vector<1x16xf32>,
    %swap3A_653 = vector.shape_cast %swap3A_652 : vector<1x16xf32> to vector<16xf32>
    %swap3A_654 = vector.shape_cast %broadcast_in_dim3A_648 : vector<16xf32> to vector<1x16xf32>
    tpu.vector_store %arg10[%swap3A_650, %swap3A_651], %swap3A_654 {strides = array<i32>} : memref<16x128xf32, #tpu.memory_space<vmem>>, vector<1x16xf32>,
    %broadcast_in_dim3A_655 = arith.constant 0.000000e+00 : f32
    %broadcast_in_dim3A_656 = vector.broadcast %broadcast_in_dim3A_655 : f32 to vector<16xf32>
    %swap3A_657 = arith.constant 10 : i32
    %swap3A_658 = arith.index_cast %swap3A_657 : i32 to index
    %swap3A_659 = arith.constant 32 : index
    %swap3A_660 = tpu.vector_load %arg10[%swap3A_658, %swap3A_659] {strides = array<i32>} : memref<16x128xf32, #tpu.memory_space<vmem>>, vector<1x16xf32>,
    %swap3A_661 = vector.shape_cast %swap3A_660 : vector<1x16xf32> to vector<16xf32>
    %swap3A_662 = vector.shape_cast %broadcast_in_dim3A_656 : vector<16xf32> to vector<1x16xf32>
    tpu.vector_store %arg10[%swap3A_658, %swap3A_659], %swap3A_662 {strides = array<i32>} : memref<16x128xf32, #tpu.memory_space<vmem>>, vector<1x16xf32>,
    %broadcast_in_dim3A_663 = arith.constant 0.000000e+00 : f32
    %broadcast_in_dim3A_664 = vector.broadcast %broadcast_in_dim3A_663 : f32 to vector<16xf32>
    %swap3A_665 = arith.constant 10 : i32
    %swap3A_666 = arith.index_cast %swap3A_665 : i32 to index
    %swap3A_667 = arith.constant 48 : index
    %swap3A_668 = tpu.vector_load %arg10[%swap3A_666, %swap3A_667] {strides = array<i32>} : memref<16x128xf32, #tpu.memory_space<vmem>>, vector<1x16xf32>,
    %swap3A_669 = vector.shape_cast %swap3A_668 : vector<1x16xf32> to vector<16xf32>
    %swap3A_670 = vector.shape_cast %broadcast_in_dim3A_664 : vector<16xf32> to vector<1x16xf32>
    tpu.vector_store %arg10[%swap3A_666, %swap3A_667], %swap3A_670 {strides = array<i32>} : memref<16x128xf32, #tpu.memory_space<vmem>>, vector<1x16xf32>,
    %broadcast_in_dim3A_671 = arith.constant 0.000000e+00 : f32
    %broadcast_in_dim3A_672 = vector.broadcast %broadcast_in_dim3A_671 : f32 to vector<16xf32>
    %swap3A_673 = arith.constant 10 : i32
    %swap3A_674 = arith.index_cast %swap3A_673 : i32 to index
    %swap3A_675 = arith.constant 64 : index
    %swap3A_676 = tpu.vector_load %arg10[%swap3A_674, %swap3A_675] {strides = array<i32>} : memref<16x128xf32, #tpu.memory_space<vmem>>, vector<1x16xf32>,
    %swap3A_677 = vector.shape_cast %swap3A_676 : vector<1x16xf32> to vector<16xf32>
    %swap3A_678 = vector.shape_cast %broadcast_in_dim3A_672 : vector<16xf32> to vector<1x16xf32>
    tpu.vector_store %arg10[%swap3A_674, %swap3A_675], %swap3A_678 {strides = array<i32>} : memref<16x128xf32, #tpu.memory_space<vmem>>, vector<1x16xf32>,
    %broadcast_in_dim3A_679 = arith.constant 0.000000e+00 : f32
    %broadcast_in_dim3A_680 = vector.broadcast %broadcast_in_dim3A_679 : f32 to vector<16xf32>
    %swap3A_681 = arith.constant 10 : i32
    %swap3A_682 = arith.index_cast %swap3A_681 : i32 to index
    %swap3A_683 = arith.constant 80 : index
    %swap3A_684 = tpu.vector_load %arg10[%swap3A_682, %swap3A_683] {strides = array<i32>} : memref<16x128xf32, #tpu.memory_space<vmem>>, vector<1x16xf32>,
    %swap3A_685 = vector.shape_cast %swap3A_684 : vector<1x16xf32> to vector<16xf32>
    %swap3A_686 = vector.shape_cast %broadcast_in_dim3A_680 : vector<16xf32> to vector<1x16xf32>
    tpu.vector_store %arg10[%swap3A_682, %swap3A_683], %swap3A_686 {strides = array<i32>} : memref<16x128xf32, #tpu.memory_space<vmem>>, vector<1x16xf32>,
    %broadcast_in_dim3A_687 = arith.constant 0.000000e+00 : f32
    %broadcast_in_dim3A_688 = vector.broadcast %broadcast_in_dim3A_687 : f32 to vector<16xf32>
    %swap3A_689 = arith.constant 10 : i32
    %swap3A_690 = arith.index_cast %swap3A_689 : i32 to index
    %swap3A_691 = arith.constant 96 : index
    %swap3A_692 = tpu.vector_load %arg10[%swap3A_690, %swap3A_691] {strides = array<i32>} : memref<16x128xf32, #tpu.memory_space<vmem>>, vector<1x16xf32>,
    %swap3A_693 = vector.shape_cast %swap3A_692 : vector<1x16xf32> to vector<16xf32>
    %swap3A_694 = vector.shape_cast %broadcast_in_dim3A_688 : vector<16xf32> to vector<1x16xf32>
    tpu.vector_store %arg10[%swap3A_690, %swap3A_691], %swap3A_694 {strides = array<i32>} : memref<16x128xf32, #tpu.memory_space<vmem>>, vector<1x16xf32>,
    %broadcast_in_dim3A_695 = arith.constant 0.000000e+00 : f32
    %broadcast_in_dim3A_696 = vector.broadcast %broadcast_in_dim3A_695 : f32 to vector<16xf32>
    %swap3A_697 = arith.constant 10 : i32
    %swap3A_698 = arith.index_cast %swap3A_697 : i32 to index
    %swap3A_699 = arith.constant 112 : index
    %swap3A_700 = tpu.vector_load %arg10[%swap3A_698, %swap3A_699] {strides = array<i32>} : memref<16x128xf32, #tpu.memory_space<vmem>>, vector<1x16xf32>,
    %swap3A_701 = vector.shape_cast %swap3A_700 : vector<1x16xf32> to vector<16xf32>
    %swap3A_702 = vector.shape_cast %broadcast_in_dim3A_696 : vector<16xf32> to vector<1x16xf32>
    tpu.vector_store %arg10[%swap3A_698, %swap3A_699], %swap3A_702 {strides = array<i32>} : memref<16x128xf32, #tpu.memory_space<vmem>>, vector<1x16xf32>,
    %broadcast_in_dim3A_703 = arith.constant 0.000000e+00 : f32
    %broadcast_in_dim3A_704 = vector.broadcast %broadcast_in_dim3A_703 : f32 to vector<16xf32>
    %swap3A_705 = arith.constant 11 : i32
    %swap3A_706 = arith.index_cast %swap3A_705 : i32 to index
    %swap3A_707 = arith.constant 0 : index
    %swap3A_708 = tpu.vector_load %arg10[%swap3A_706, %swap3A_707] {strides = array<i32>} : memref<16x128xf32, #tpu.memory_space<vmem>>, vector<1x16xf32>,
    %swap3A_709 = vector.shape_cast %swap3A_708 : vector<1x16xf32> to vector<16xf32>
    %swap3A_710 = vector.shape_cast %broadcast_in_dim3A_704 : vector<16xf32> to vector<1x16xf32>
    tpu.vector_store %arg10[%swap3A_706, %swap3A_707], %swap3A_710 {strides = array<i32>} : memref<16x128xf32, #tpu.memory_space<vmem>>, vector<1x16xf32>,
    %broadcast_in_dim3A_711 = arith.constant 0.000000e+00 : f32
    %broadcast_in_dim3A_712 = vector.broadcast %broadcast_in_dim3A_711 : f32 to vector<16xf32>
    %swap3A_713 = arith.constant 11 : i32
    %swap3A_714 = arith.index_cast %swap3A_713 : i32 to index
    %swap3A_715 = arith.constant 16 : index
    %swap3A_716 = tpu.vector_load %arg10[%swap3A_714, %swap3A_715] {strides = array<i32>} : memref<16x128xf32, #tpu.memory_space<vmem>>, vector<1x16xf32>,
    %swap3A_717 = vector.shape_cast %swap3A_716 : vector<1x16xf32> to vector<16xf32>
    %swap3A_718 = vector.shape_cast %broadcast_in_dim3A_712 : vector<16xf32> to vector<1x16xf32>
    tpu.vector_store %arg10[%swap3A_714, %swap3A_715], %swap3A_718 {strides = array<i32>} : memref<16x128xf32, #tpu.memory_space<vmem>>, vector<1x16xf32>,
    %broadcast_in_dim3A_719 = arith.constant 0.000000e+00 : f32
    %broadcast_in_dim3A_720 = vector.broadcast %broadcast_in_dim3A_719 : f32 to vector<16xf32>
    %swap3A_721 = arith.constant 11 : i32
    %swap3A_722 = arith.index_cast %swap3A_721 : i32 to index
    %swap3A_723 = arith.constant 32 : index
    %swap3A_724 = tpu.vector_load %arg10[%swap3A_722, %swap3A_723] {strides = array<i32>} : memref<16x128xf32, #tpu.memory_space<vmem>>, vector<1x16xf32>,
    %swap3A_725 = vector.shape_cast %swap3A_724 : vector<1x16xf32> to vector<16xf32>
    %swap3A_726 = vector.shape_cast %broadcast_in_dim3A_720 : vector<16xf32> to vector<1x16xf32>
    tpu.vector_store %arg10[%swap3A_722, %swap3A_723], %swap3A_726 {strides = array<i32>} : memref<16x128xf32, #tpu.memory_space<vmem>>, vector<1x16xf32>,
    %broadcast_in_dim3A_727 = arith.constant 0.000000e+00 : f32
    %broadcast_in_dim3A_728 = vector.broadcast %broadcast_in_dim3A_727 : f32 to vector<16xf32>
    %swap3A_729 = arith.constant 11 : i32
    %swap3A_730 = arith.index_cast %swap3A_729 : i32 to index
    %swap3A_731 = arith.constant 48 : index
    %swap3A_732 = tpu.vector_load %arg10[%swap3A_730, %swap3A_731] {strides = array<i32>} : memref<16x128xf32, #tpu.memory_space<vmem>>, vector<1x16xf32>,
    %swap3A_733 = vector.shape_cast %swap3A_732 : vector<1x16xf32> to vector<16xf32>
    %swap3A_734 = vector.shape_cast %broadcast_in_dim3A_728 : vector<16xf32> to vector<1x16xf32>
    tpu.vector_store %arg10[%swap3A_730, %swap3A_731], %swap3A_734 {strides = array<i32>} : memref<16x128xf32, #tpu.memory_space<vmem>>, vector<1x16xf32>,
    %broadcast_in_dim3A_735 = arith.constant 0.000000e+00 : f32
    %broadcast_in_dim3A_736 = vector.broadcast %broadcast_in_dim3A_735 : f32 to vector<16xf32>
    %swap3A_737 = arith.constant 11 : i32
    %swap3A_738 = arith.index_cast %swap3A_737 : i32 to index
    %swap3A_739 = arith.constant 64 : index
    %swap3A_740 = tpu.vector_load %arg10[%swap3A_738, %swap3A_739] {strides = array<i32>} : memref<16x128xf32, #tpu.memory_space<vmem>>, vector<1x16xf32>,
    %swap3A_741 = vector.shape_cast %swap3A_740 : vector<1x16xf32> to vector<16xf32>
    %swap3A_742 = vector.shape_cast %broadcast_in_dim3A_736 : vector<16xf32> to vector<1x16xf32>
    tpu.vector_store %arg10[%swap3A_738, %swap3A_739], %swap3A_742 {strides = array<i32>} : memref<16x128xf32, #tpu.memory_space<vmem>>, vector<1x16xf32>,
    %broadcast_in_dim3A_743 = arith.constant 0.000000e+00 : f32
    %broadcast_in_dim3A_744 = vector.broadcast %broadcast_in_dim3A_743 : f32 to vector<16xf32>
    %swap3A_745 = arith.constant 11 : i32
    %swap3A_746 = arith.index_cast %swap3A_745 : i32 to index
    %swap3A_747 = arith.constant 80 : index
    %swap3A_748 = tpu.vector_load %arg10[%swap3A_746, %swap3A_747] {strides = array<i32>} : memref<16x128xf32, #tpu.memory_space<vmem>>, vector<1x16xf32>,
    %swap3A_749 = vector.shape_cast %swap3A_748 : vector<1x16xf32> to vector<16xf32>
    %swap3A_750 = vector.shape_cast %broadcast_in_dim3A_744 : vector<16xf32> to vector<1x16xf32>
    tpu.vector_store %arg10[%swap3A_746, %swap3A_747], %swap3A_750 {strides = array<i32>} : memref<16x128xf32, #tpu.memory_space<vmem>>, vector<1x16xf32>,
    %broadcast_in_dim3A_751 = arith.constant 0.000000e+00 : f32
    %broadcast_in_dim3A_752 = vector.broadcast %broadcast_in_dim3A_751 : f32 to vector<16xf32>
    %swap3A_753 = arith.constant 11 : i32
    %swap3A_754 = arith.index_cast %swap3A_753 : i32 to index
    %swap3A_755 = arith.constant 96 : index
    %swap3A_756 = tpu.vector_load %arg10[%swap3A_754, %swap3A_755] {strides = array<i32>} : memref<16x128xf32, #tpu.memory_space<vmem>>, vector<1x16xf32>,
    %swap3A_757 = vector.shape_cast %swap3A_756 : vector<1x16xf32> to vector<16xf32>
    %swap3A_758 = vector.shape_cast %broadcast_in_dim3A_752 : vector<16xf32> to vector<1x16xf32>
    tpu.vector_store %arg10[%swap3A_754, %swap3A_755], %swap3A_758 {strides = array<i32>} : memref<16x128xf32, #tpu.memory_space<vmem>>, vector<1x16xf32>,
    %broadcast_in_dim3A_759 = arith.constant 0.000000e+00 : f32
    %broadcast_in_dim3A_760 = vector.broadcast %broadcast_in_dim3A_759 : f32 to vector<16xf32>
    %swap3A_761 = arith.constant 11 : i32
    %swap3A_762 = arith.index_cast %swap3A_761 : i32 to index
    %swap3A_763 = arith.constant 112 : index
    %swap3A_764 = tpu.vector_load %arg10[%swap3A_762, %swap3A_763] {strides = array<i32>} : memref<16x128xf32, #tpu.memory_space<vmem>>, vector<1x16xf32>,
    %swap3A_765 = vector.shape_cast %swap3A_764 : vector<1x16xf32> to vector<16xf32>
    %swap3A_766 = vector.shape_cast %broadcast_in_dim3A_760 : vector<16xf32> to vector<1x16xf32>
    tpu.vector_store %arg10[%swap3A_762, %swap3A_763], %swap3A_766 {strides = array<i32>} : memref<16x128xf32, #tpu.memory_space<vmem>>, vector<1x16xf32>,
    %broadcast_in_dim3A_767 = arith.constant 0.000000e+00 : f32
    %broadcast_in_dim3A_768 = vector.broadcast %broadcast_in_dim3A_767 : f32 to vector<16xf32>
    %swap3A_769 = arith.constant 12 : i32
    %swap3A_770 = arith.index_cast %swap3A_769 : i32 to index
    %swap3A_771 = arith.constant 0 : index
    %swap3A_772 = tpu.vector_load %arg10[%swap3A_770, %swap3A_771] {strides = array<i32>} : memref<16x128xf32, #tpu.memory_space<vmem>>, vector<1x16xf32>,
    %swap3A_773 = vector.shape_cast %swap3A_772 : vector<1x16xf32> to vector<16xf32>
    %swap3A_774 = vector.shape_cast %broadcast_in_dim3A_768 : vector<16xf32> to vector<1x16xf32>
    tpu.vector_store %arg10[%swap3A_770, %swap3A_771], %swap3A_774 {strides = array<i32>} : memref<16x128xf32, #tpu.memory_space<vmem>>, vector<1x16xf32>,
    %broadcast_in_dim3A_775 = arith.constant 0.000000e+00 : f32
    %broadcast_in_dim3A_776 = vector.broadcast %broadcast_in_dim3A_775 : f32 to vector<16xf32>
    %swap3A_777 = arith.constant 12 : i32
    %swap3A_778 = arith.index_cast %swap3A_777 : i32 to index
    %swap3A_779 = arith.constant 16 : index
    %swap3A_780 = tpu.vector_load %arg10[%swap3A_778, %swap3A_779] {strides = array<i32>} : memref<16x128xf32, #tpu.memory_space<vmem>>, vector<1x16xf32>,
    %swap3A_781 = vector.shape_cast %swap3A_780 : vector<1x16xf32> to vector<16xf32>
    %swap3A_782 = vector.shape_cast %broadcast_in_dim3A_776 : vector<16xf32> to vector<1x16xf32>
    tpu.vector_store %arg10[%swap3A_778, %swap3A_779], %swap3A_782 {strides = array<i32>} : memref<16x128xf32, #tpu.memory_space<vmem>>, vector<1x16xf32>,
    %broadcast_in_dim3A_783 = arith.constant 0.000000e+00 : f32
    %broadcast_in_dim3A_784 = vector.broadcast %broadcast_in_dim3A_783 : f32 to vector<16xf32>
    %swap3A_785 = arith.constant 12 : i32
    %swap3A_786 = arith.index_cast %swap3A_785 : i32 to index
    %swap3A_787 = arith.constant 32 : index
    %swap3A_788 = tpu.vector_load %arg10[%swap3A_786, %swap3A_787] {strides = array<i32>} : memref<16x128xf32, #tpu.memory_space<vmem>>, vector<1x16xf32>,
    %swap3A_789 = vector.shape_cast %swap3A_788 : vector<1x16xf32> to vector<16xf32>
    %swap3A_790 = vector.shape_cast %broadcast_in_dim3A_784 : vector<16xf32> to vector<1x16xf32>
    tpu.vector_store %arg10[%swap3A_786, %swap3A_787], %swap3A_790 {strides = array<i32>} : memref<16x128xf32, #tpu.memory_space<vmem>>, vector<1x16xf32>,
    %broadcast_in_dim3A_791 = arith.constant 0.000000e+00 : f32
    %broadcast_in_dim3A_792 = vector.broadcast %broadcast_in_dim3A_791 : f32 to vector<16xf32>
    %swap3A_793 = arith.constant 12 : i32
    %swap3A_794 = arith.index_cast %swap3A_793 : i32 to index
    %swap3A_795 = arith.constant 48 : index
    %swap3A_796 = tpu.vector_load %arg10[%swap3A_794, %swap3A_795] {strides = array<i32>} : memref<16x128xf32, #tpu.memory_space<vmem>>, vector<1x16xf32>,
    %swap3A_797 = vector.shape_cast %swap3A_796 : vector<1x16xf32> to vector<16xf32>
    %swap3A_798 = vector.shape_cast %broadcast_in_dim3A_792 : vector<16xf32> to vector<1x16xf32>
    tpu.vector_store %arg10[%swap3A_794, %swap3A_795], %swap3A_798 {strides = array<i32>} : memref<16x128xf32, #tpu.memory_space<vmem>>, vector<1x16xf32>,
    %broadcast_in_dim3A_799 = arith.constant 0.000000e+00 : f32
    %broadcast_in_dim3A_800 = vector.broadcast %broadcast_in_dim3A_799 : f32 to vector<16xf32>
    %swap3A_801 = arith.constant 12 : i32
    %swap3A_802 = arith.index_cast %swap3A_801 : i32 to index
    %swap3A_803 = arith.constant 64 : index
    %swap3A_804 = tpu.vector_load %arg10[%swap3A_802, %swap3A_803] {strides = array<i32>} : memref<16x128xf32, #tpu.memory_space<vmem>>, vector<1x16xf32>,
    %swap3A_805 = vector.shape_cast %swap3A_804 : vector<1x16xf32> to vector<16xf32>
    %swap3A_806 = vector.shape_cast %broadcast_in_dim3A_800 : vector<16xf32> to vector<1x16xf32>
    tpu.vector_store %arg10[%swap3A_802, %swap3A_803], %swap3A_806 {strides = array<i32>} : memref<16x128xf32, #tpu.memory_space<vmem>>, vector<1x16xf32>,
    %broadcast_in_dim3A_807 = arith.constant 0.000000e+00 : f32
    %broadcast_in_dim3A_808 = vector.broadcast %broadcast_in_dim3A_807 : f32 to vector<16xf32>
    %swap3A_809 = arith.constant 12 : i32
    %swap3A_810 = arith.index_cast %swap3A_809 : i32 to index
    %swap3A_811 = arith.constant 80 : index
    %swap3A_812 = tpu.vector_load %arg10[%swap3A_810, %swap3A_811] {strides = array<i32>} : memref<16x128xf32, #tpu.memory_space<vmem>>, vector<1x16xf32>,
    %swap3A_813 = vector.shape_cast %swap3A_812 : vector<1x16xf32> to vector<16xf32>
    %swap3A_814 = vector.shape_cast %broadcast_in_dim3A_808 : vector<16xf32> to vector<1x16xf32>
    tpu.vector_store %arg10[%swap3A_810, %swap3A_811], %swap3A_814 {strides = array<i32>} : memref<16x128xf32, #tpu.memory_space<vmem>>, vector<1x16xf32>,
    %broadcast_in_dim3A_815 = arith.constant 0.000000e+00 : f32
    %broadcast_in_dim3A_816 = vector.broadcast %broadcast_in_dim3A_815 : f32 to vector<16xf32>
    %swap3A_817 = arith.constant 12 : i32
    %swap3A_818 = arith.index_cast %swap3A_817 : i32 to index
    %swap3A_819 = arith.constant 96 : index
    %swap3A_820 = tpu.vector_load %arg10[%swap3A_818, %swap3A_819] {strides = array<i32>} : memref<16x128xf32, #tpu.memory_space<vmem>>, vector<1x16xf32>,
    %swap3A_821 = vector.shape_cast %swap3A_820 : vector<1x16xf32> to vector<16xf32>
    %swap3A_822 = vector.shape_cast %broadcast_in_dim3A_816 : vector<16xf32> to vector<1x16xf32>
    tpu.vector_store %arg10[%swap3A_818, %swap3A_819], %swap3A_822 {strides = array<i32>} : memref<16x128xf32, #tpu.memory_space<vmem>>, vector<1x16xf32>,
    %broadcast_in_dim3A_823 = arith.constant 0.000000e+00 : f32
    %broadcast_in_dim3A_824 = vector.broadcast %broadcast_in_dim3A_823 : f32 to vector<16xf32>
    %swap3A_825 = arith.constant 12 : i32
    %swap3A_826 = arith.index_cast %swap3A_825 : i32 to index
    %swap3A_827 = arith.constant 112 : index
    %swap3A_828 = tpu.vector_load %arg10[%swap3A_826, %swap3A_827] {strides = array<i32>} : memref<16x128xf32, #tpu.memory_space<vmem>>, vector<1x16xf32>,
    %swap3A_829 = vector.shape_cast %swap3A_828 : vector<1x16xf32> to vector<16xf32>
    %swap3A_830 = vector.shape_cast %broadcast_in_dim3A_824 : vector<16xf32> to vector<1x16xf32>
    tpu.vector_store %arg10[%swap3A_826, %swap3A_827], %swap3A_830 {strides = array<i32>} : memref<16x128xf32, #tpu.memory_space<vmem>>, vector<1x16xf32>,
    %broadcast_in_dim3A_831 = arith.constant 0.000000e+00 : f32
    %broadcast_in_dim3A_832 = vector.broadcast %broadcast_in_dim3A_831 : f32 to vector<16xf32>
    %swap3A_833 = arith.constant 13 : i32
    %swap3A_834 = arith.index_cast %swap3A_833 : i32 to index
    %swap3A_835 = arith.constant 0 : index
    %swap3A_836 = tpu.vector_load %arg10[%swap3A_834, %swap3A_835] {strides = array<i32>} : memref<16x128xf32, #tpu.memory_space<vmem>>, vector<1x16xf32>,
    %swap3A_837 = vector.shape_cast %swap3A_836 : vector<1x16xf32> to vector<16xf32>
    %swap3A_838 = vector.shape_cast %broadcast_in_dim3A_832 : vector<16xf32> to vector<1x16xf32>
    tpu.vector_store %arg10[%swap3A_834, %swap3A_835], %swap3A_838 {strides = array<i32>} : memref<16x128xf32, #tpu.memory_space<vmem>>, vector<1x16xf32>,
    %broadcast_in_dim3A_839 = arith.constant 0.000000e+00 : f32
    %broadcast_in_dim3A_840 = vector.broadcast %broadcast_in_dim3A_839 : f32 to vector<16xf32>
    %swap3A_841 = arith.constant 13 : i32
    %swap3A_842 = arith.index_cast %swap3A_841 : i32 to index
    %swap3A_843 = arith.constant 16 : index
    %swap3A_844 = tpu.vector_load %arg10[%swap3A_842, %swap3A_843] {strides = array<i32>} : memref<16x128xf32, #tpu.memory_space<vmem>>, vector<1x16xf32>,
    %swap3A_845 = vector.shape_cast %swap3A_844 : vector<1x16xf32> to vector<16xf32>
    %swap3A_846 = vector.shape_cast %broadcast_in_dim3A_840 : vector<16xf32> to vector<1x16xf32>
    tpu.vector_store %arg10[%swap3A_842, %swap3A_843], %swap3A_846 {strides = array<i32>} : memref<16x128xf32, #tpu.memory_space<vmem>>, vector<1x16xf32>,
    %broadcast_in_dim3A_847 = arith.constant 0.000000e+00 : f32
    %broadcast_in_dim3A_848 = vector.broadcast %broadcast_in_dim3A_847 : f32 to vector<16xf32>
    %swap3A_849 = arith.constant 13 : i32
    %swap3A_850 = arith.index_cast %swap3A_849 : i32 to index
    %swap3A_851 = arith.constant 32 : index
    %swap3A_852 = tpu.vector_load %arg10[%swap3A_850, %swap3A_851] {strides = array<i32>} : memref<16x128xf32, #tpu.memory_space<vmem>>, vector<1x16xf32>,
    %swap3A_853 = vector.shape_cast %swap3A_852 : vector<1x16xf32> to vector<16xf32>
    %swap3A_854 = vector.shape_cast %broadcast_in_dim3A_848 : vector<16xf32> to vector<1x16xf32>
    tpu.vector_store %arg10[%swap3A_850, %swap3A_851], %swap3A_854 {strides = array<i32>} : memref<16x128xf32, #tpu.memory_space<vmem>>, vector<1x16xf32>,
    %broadcast_in_dim3A_855 = arith.constant 0.000000e+00 : f32
    %broadcast_in_dim3A_856 = vector.broadcast %broadcast_in_dim3A_855 : f32 to vector<16xf32>
    %swap3A_857 = arith.constant 13 : i32
    %swap3A_858 = arith.index_cast %swap3A_857 : i32 to index
    %swap3A_859 = arith.constant 48 : index
    %swap3A_860 = tpu.vector_load %arg10[%swap3A_858, %swap3A_859] {strides = array<i32>} : memref<16x128xf32, #tpu.memory_space<vmem>>, vector<1x16xf32>,
    %swap3A_861 = vector.shape_cast %swap3A_860 : vector<1x16xf32> to vector<16xf32>
    %swap3A_862 = vector.shape_cast %broadcast_in_dim3A_856 : vector<16xf32> to vector<1x16xf32>
    tpu.vector_store %arg10[%swap3A_858, %swap3A_859], %swap3A_862 {strides = array<i32>} : memref<16x128xf32, #tpu.memory_space<vmem>>, vector<1x16xf32>,
    %broadcast_in_dim3A_863 = arith.constant 0.000000e+00 : f32
    %broadcast_in_dim3A_864 = vector.broadcast %broadcast_in_dim3A_863 : f32 to vector<16xf32>
    %swap3A_865 = arith.constant 13 : i32
    %swap3A_866 = arith.index_cast %swap3A_865 : i32 to index
    %swap3A_867 = arith.constant 64 : index
    %swap3A_868 = tpu.vector_load %arg10[%swap3A_866, %swap3A_867] {strides = array<i32>} : memref<16x128xf32, #tpu.memory_space<vmem>>, vector<1x16xf32>,
    %swap3A_869 = vector.shape_cast %swap3A_868 : vector<1x16xf32> to vector<16xf32>
    %swap3A_870 = vector.shape_cast %broadcast_in_dim3A_864 : vector<16xf32> to vector<1x16xf32>
    tpu.vector_store %arg10[%swap3A_866, %swap3A_867], %swap3A_870 {strides = array<i32>} : memref<16x128xf32, #tpu.memory_space<vmem>>, vector<1x16xf32>,
    %broadcast_in_dim3A_871 = arith.constant 0.000000e+00 : f32
    %broadcast_in_dim3A_872 = vector.broadcast %broadcast_in_dim3A_871 : f32 to vector<16xf32>
    %swap3A_873 = arith.constant 13 : i32
    %swap3A_874 = arith.index_cast %swap3A_873 : i32 to index
    %swap3A_875 = arith.constant 80 : index
    %swap3A_876 = tpu.vector_load %arg10[%swap3A_874, %swap3A_875] {strides = array<i32>} : memref<16x128xf32, #tpu.memory_space<vmem>>, vector<1x16xf32>,
    %swap3A_877 = vector.shape_cast %swap3A_876 : vector<1x16xf32> to vector<16xf32>
    %swap3A_878 = vector.shape_cast %broadcast_in_dim3A_872 : vector<16xf32> to vector<1x16xf32>
    tpu.vector_store %arg10[%swap3A_874, %swap3A_875], %swap3A_878 {strides = array<i32>} : memref<16x128xf32, #tpu.memory_space<vmem>>, vector<1x16xf32>,
    %broadcast_in_dim3A_879 = arith.constant 0.000000e+00 : f32
    %broadcast_in_dim3A_880 = vector.broadcast %broadcast_in_dim3A_879 : f32 to vector<16xf32>
    %swap3A_881 = arith.constant 13 : i32
    %swap3A_882 = arith.index_cast %swap3A_881 : i32 to index
    %swap3A_883 = arith.constant 96 : index
    %swap3A_884 = tpu.vector_load %arg10[%swap3A_882, %swap3A_883] {strides = array<i32>} : memref<16x128xf32, #tpu.memory_space<vmem>>, vector<1x16xf32>,
    %swap3A_885 = vector.shape_cast %swap3A_884 : vector<1x16xf32> to vector<16xf32>
    %swap3A_886 = vector.shape_cast %broadcast_in_dim3A_880 : vector<16xf32> to vector<1x16xf32>
    tpu.vector_store %arg10[%swap3A_882, %swap3A_883], %swap3A_886 {strides = array<i32>} : memref<16x128xf32, #tpu.memory_space<vmem>>, vector<1x16xf32>,
    %broadcast_in_dim3A_887 = arith.constant 0.000000e+00 : f32
    %broadcast_in_dim3A_888 = vector.broadcast %broadcast_in_dim3A_887 : f32 to vector<16xf32>
    %swap3A_889 = arith.constant 13 : i32
    %swap3A_890 = arith.index_cast %swap3A_889 : i32 to index
    %swap3A_891 = arith.constant 112 : index
    %swap3A_892 = tpu.vector_load %arg10[%swap3A_890, %swap3A_891] {strides = array<i32>} : memref<16x128xf32, #tpu.memory_space<vmem>>, vector<1x16xf32>,
    %swap3A_893 = vector.shape_cast %swap3A_892 : vector<1x16xf32> to vector<16xf32>
    %swap3A_894 = vector.shape_cast %broadcast_in_dim3A_888 : vector<16xf32> to vector<1x16xf32>
    tpu.vector_store %arg10[%swap3A_890, %swap3A_891], %swap3A_894 {strides = array<i32>} : memref<16x128xf32, #tpu.memory_space<vmem>>, vector<1x16xf32>,
    %broadcast_in_dim3A_895 = arith.constant 0.000000e+00 : f32
    %broadcast_in_dim3A_896 = vector.broadcast %broadcast_in_dim3A_895 : f32 to vector<16xf32>
    %swap3A_897 = arith.constant 14 : i32
    %swap3A_898 = arith.index_cast %swap3A_897 : i32 to index
    %swap3A_899 = arith.constant 0 : index
    %swap3A_900 = tpu.vector_load %arg10[%swap3A_898, %swap3A_899] {strides = array<i32>} : memref<16x128xf32, #tpu.memory_space<vmem>>, vector<1x16xf32>,
    %swap3A_901 = vector.shape_cast %swap3A_900 : vector<1x16xf32> to vector<16xf32>
    %swap3A_902 = vector.shape_cast %broadcast_in_dim3A_896 : vector<16xf32> to vector<1x16xf32>
    tpu.vector_store %arg10[%swap3A_898, %swap3A_899], %swap3A_902 {strides = array<i32>} : memref<16x128xf32, #tpu.memory_space<vmem>>, vector<1x16xf32>,
    %broadcast_in_dim3A_903 = arith.constant 0.000000e+00 : f32
    %broadcast_in_dim3A_904 = vector.broadcast %broadcast_in_dim3A_903 : f32 to vector<16xf32>
    %swap3A_905 = arith.constant 14 : i32
    %swap3A_906 = arith.index_cast %swap3A_905 : i32 to index
    %swap3A_907 = arith.constant 16 : index
    %swap3A_908 = tpu.vector_load %arg10[%swap3A_906, %swap3A_907] {strides = array<i32>} : memref<16x128xf32, #tpu.memory_space<vmem>>, vector<1x16xf32>,
    %swap3A_909 = vector.shape_cast %swap3A_908 : vector<1x16xf32> to vector<16xf32>
    %swap3A_910 = vector.shape_cast %broadcast_in_dim3A_904 : vector<16xf32> to vector<1x16xf32>
    tpu.vector_store %arg10[%swap3A_906, %swap3A_907], %swap3A_910 {strides = array<i32>} : memref<16x128xf32, #tpu.memory_space<vmem>>, vector<1x16xf32>,
    %broadcast_in_dim3A_911 = arith.constant 0.000000e+00 : f32
    %broadcast_in_dim3A_912 = vector.broadcast %broadcast_in_dim3A_911 : f32 to vector<16xf32>
    %swap3A_913 = arith.constant 14 : i32
    %swap3A_914 = arith.index_cast %swap3A_913 : i32 to index
    %swap3A_915 = arith.constant 32 : index
    %swap3A_916 = tpu.vector_load %arg10[%swap3A_914, %swap3A_915] {strides = array<i32>} : memref<16x128xf32, #tpu.memory_space<vmem>>, vector<1x16xf32>,
    %swap3A_917 = vector.shape_cast %swap3A_916 : vector<1x16xf32> to vector<16xf32>
    %swap3A_918 = vector.shape_cast %broadcast_in_dim3A_912 : vector<16xf32> to vector<1x16xf32>
    tpu.vector_store %arg10[%swap3A_914, %swap3A_915], %swap3A_918 {strides = array<i32>} : memref<16x128xf32, #tpu.memory_space<vmem>>, vector<1x16xf32>,
    %broadcast_in_dim3A_919 = arith.constant 0.000000e+00 : f32
    %broadcast_in_dim3A_920 = vector.broadcast %broadcast_in_dim3A_919 : f32 to vector<16xf32>
    %swap3A_921 = arith.constant 14 : i32
    %swap3A_922 = arith.index_cast %swap3A_921 : i32 to index
    %swap3A_923 = arith.constant 48 : index
    %swap3A_924 = tpu.vector_load %arg10[%swap3A_922, %swap3A_923] {strides = array<i32>} : memref<16x128xf32, #tpu.memory_space<vmem>>, vector<1x16xf32>,
    %swap3A_925 = vector.shape_cast %swap3A_924 : vector<1x16xf32> to vector<16xf32>
    %swap3A_926 = vector.shape_cast %broadcast_in_dim3A_920 : vector<16xf32> to vector<1x16xf32>
    tpu.vector_store %arg10[%swap3A_922, %swap3A_923], %swap3A_926 {strides = array<i32>} : memref<16x128xf32, #tpu.memory_space<vmem>>, vector<1x16xf32>,
    %broadcast_in_dim3A_927 = arith.constant 0.000000e+00 : f32
    %broadcast_in_dim3A_928 = vector.broadcast %broadcast_in_dim3A_927 : f32 to vector<16xf32>
    %swap3A_929 = arith.constant 14 : i32
    %swap3A_930 = arith.index_cast %swap3A_929 : i32 to index
    %swap3A_931 = arith.constant 64 : index
    %swap3A_932 = tpu.vector_load %arg10[%swap3A_930, %swap3A_931] {strides = array<i32>} : memref<16x128xf32, #tpu.memory_space<vmem>>, vector<1x16xf32>,
    %swap3A_933 = vector.shape_cast %swap3A_932 : vector<1x16xf32> to vector<16xf32>
    %swap3A_934 = vector.shape_cast %broadcast_in_dim3A_928 : vector<16xf32> to vector<1x16xf32>
    tpu.vector_store %arg10[%swap3A_930, %swap3A_931], %swap3A_934 {strides = array<i32>} : memref<16x128xf32, #tpu.memory_space<vmem>>, vector<1x16xf32>,
    %broadcast_in_dim3A_935 = arith.constant 0.000000e+00 : f32
    %broadcast_in_dim3A_936 = vector.broadcast %broadcast_in_dim3A_935 : f32 to vector<16xf32>
    %swap3A_937 = arith.constant 14 : i32
    %swap3A_938 = arith.index_cast %swap3A_937 : i32 to index
    %swap3A_939 = arith.constant 80 : index
    %swap3A_940 = tpu.vector_load %arg10[%swap3A_938, %swap3A_939] {strides = array<i32>} : memref<16x128xf32, #tpu.memory_space<vmem>>, vector<1x16xf32>,
    %swap3A_941 = vector.shape_cast %swap3A_940 : vector<1x16xf32> to vector<16xf32>
    %swap3A_942 = vector.shape_cast %broadcast_in_dim3A_936 : vector<16xf32> to vector<1x16xf32>
    tpu.vector_store %arg10[%swap3A_938, %swap3A_939], %swap3A_942 {strides = array<i32>} : memref<16x128xf32, #tpu.memory_space<vmem>>, vector<1x16xf32>,
    %broadcast_in_dim3A_943 = arith.constant 0.000000e+00 : f32
    %broadcast_in_dim3A_944 = vector.broadcast %broadcast_in_dim3A_943 : f32 to vector<16xf32>
    %swap3A_945 = arith.constant 14 : i32
    %swap3A_946 = arith.index_cast %swap3A_945 : i32 to index
    %swap3A_947 = arith.constant 96 : index
    %swap3A_948 = tpu.vector_load %arg10[%swap3A_946, %swap3A_947] {strides = array<i32>} : memref<16x128xf32, #tpu.memory_space<vmem>>, vector<1x16xf32>,
    %swap3A_949 = vector.shape_cast %swap3A_948 : vector<1x16xf32> to vector<16xf32>
    %swap3A_950 = vector.shape_cast %broadcast_in_dim3A_944 : vector<16xf32> to vector<1x16xf32>
    tpu.vector_store %arg10[%swap3A_946, %swap3A_947], %swap3A_950 {strides = array<i32>} : memref<16x128xf32, #tpu.memory_space<vmem>>, vector<1x16xf32>,
    %broadcast_in_dim3A_951 = arith.constant 0.000000e+00 : f32
    %broadcast_in_dim3A_952 = vector.broadcast %broadcast_in_dim3A_951 : f32 to vector<16xf32>
    %swap3A_953 = arith.constant 14 : i32
    %swap3A_954 = arith.index_cast %swap3A_953 : i32 to index
    %swap3A_955 = arith.constant 112 : index
    %swap3A_956 = tpu.vector_load %arg10[%swap3A_954, %swap3A_955] {strides = array<i32>} : memref<16x128xf32, #tpu.memory_space<vmem>>, vector<1x16xf32>,
    %swap3A_957 = vector.shape_cast %swap3A_956 : vector<1x16xf32> to vector<16xf32>
    %swap3A_958 = vector.shape_cast %broadcast_in_dim3A_952 : vector<16xf32> to vector<1x16xf32>
    tpu.vector_store %arg10[%swap3A_954, %swap3A_955], %swap3A_958 {strides = array<i32>} : memref<16x128xf32, #tpu.memory_space<vmem>>, vector<1x16xf32>,
    %broadcast_in_dim3A_959 = arith.constant 0.000000e+00 : f32
    %broadcast_in_dim3A_960 = vector.broadcast %broadcast_in_dim3A_959 : f32 to vector<16xf32>
    %swap3A_961 = arith.constant 15 : i32
    %swap3A_962 = arith.index_cast %swap3A_961 : i32 to index
    %swap3A_963 = arith.constant 0 : index
    %swap3A_964 = tpu.vector_load %arg10[%swap3A_962, %swap3A_963] {strides = array<i32>} : memref<16x128xf32, #tpu.memory_space<vmem>>, vector<1x16xf32>,
    %swap3A_965 = vector.shape_cast %swap3A_964 : vector<1x16xf32> to vector<16xf32>
    %swap3A_966 = vector.shape_cast %broadcast_in_dim3A_960 : vector<16xf32> to vector<1x16xf32>
    tpu.vector_store %arg10[%swap3A_962, %swap3A_963], %swap3A_966 {strides = array<i32>} : memref<16x128xf32, #tpu.memory_space<vmem>>, vector<1x16xf32>,
    %broadcast_in_dim3A_967 = arith.constant 0.000000e+00 : f32
    %broadcast_in_dim3A_968 = vector.broadcast %broadcast_in_dim3A_967 : f32 to vector<16xf32>
    %swap3A_969 = arith.constant 15 : i32
    %swap3A_970 = arith.index_cast %swap3A_969 : i32 to index
    %swap3A_971 = arith.constant 16 : index
    %swap3A_972 = tpu.vector_load %arg10[%swap3A_970, %swap3A_971] {strides = array<i32>} : memref<16x128xf32, #tpu.memory_space<vmem>>, vector<1x16xf32>,
    %swap3A_973 = vector.shape_cast %swap3A_972 : vector<1x16xf32> to vector<16xf32>
    %swap3A_974 = vector.shape_cast %broadcast_in_dim3A_968 : vector<16xf32> to vector<1x16xf32>
    tpu.vector_store %arg10[%swap3A_970, %swap3A_971], %swap3A_974 {strides = array<i32>} : memref<16x128xf32, #tpu.memory_space<vmem>>, vector<1x16xf32>,
    %broadcast_in_dim3A_975 = arith.constant 0.000000e+00 : f32
    %broadcast_in_dim3A_976 = vector.broadcast %broadcast_in_dim3A_975 : f32 to vector<16xf32>
    %swap3A_977 = arith.constant 15 : i32
    %swap3A_978 = arith.index_cast %swap3A_977 : i32 to index
    %swap3A_979 = arith.constant 32 : index
    %swap3A_980 = tpu.vector_load %arg10[%swap3A_978, %swap3A_979] {strides = array<i32>} : memref<16x128xf32, #tpu.memory_space<vmem>>, vector<1x16xf32>,
    %swap3A_981 = vector.shape_cast %swap3A_980 : vector<1x16xf32> to vector<16xf32>
    %swap3A_982 = vector.shape_cast %broadcast_in_dim3A_976 : vector<16xf32> to vector<1x16xf32>
    tpu.vector_store %arg10[%swap3A_978, %swap3A_979], %swap3A_982 {strides = array<i32>} : memref<16x128xf32, #tpu.memory_space<vmem>>, vector<1x16xf32>,
    %broadcast_in_dim3A_983 = arith.constant 0.000000e+00 : f32
    %broadcast_in_dim3A_984 = vector.broadcast %broadcast_in_dim3A_983 : f32 to vector<16xf32>
    %swap3A_985 = arith.constant 15 : i32
    %swap3A_986 = arith.index_cast %swap3A_985 : i32 to index
    %swap3A_987 = arith.constant 48 : index
    %swap3A_988 = tpu.vector_load %arg10[%swap3A_986, %swap3A_987] {strides = array<i32>} : memref<16x128xf32, #tpu.memory_space<vmem>>, vector<1x16xf32>,
    %swap3A_989 = vector.shape_cast %swap3A_988 : vector<1x16xf32> to vector<16xf32>
    %swap3A_990 = vector.shape_cast %broadcast_in_dim3A_984 : vector<16xf32> to vector<1x16xf32>
    tpu.vector_store %arg10[%swap3A_986, %swap3A_987], %swap3A_990 {strides = array<i32>} : memref<16x128xf32, #tpu.memory_space<vmem>>, vector<1x16xf32>,
    %broadcast_in_dim3A_991 = arith.constant 0.000000e+00 : f32
    %broadcast_in_dim3A_992 = vector.broadcast %broadcast_in_dim3A_991 : f32 to vector<16xf32>
    %swap3A_993 = arith.constant 15 : i32
    %swap3A_994 = arith.index_cast %swap3A_993 : i32 to index
    %swap3A_995 = arith.constant 64 : index
    %swap3A_996 = tpu.vector_load %arg10[%swap3A_994, %swap3A_995] {strides = array<i32>} : memref<16x128xf32, #tpu.memory_space<vmem>>, vector<1x16xf32>,
    %swap3A_997 = vector.shape_cast %swap3A_996 : vector<1x16xf32> to vector<16xf32>
    %swap3A_998 = vector.shape_cast %broadcast_in_dim3A_992 : vector<16xf32> to vector<1x16xf32>
    tpu.vector_store %arg10[%swap3A_994, %swap3A_995], %swap3A_998 {strides = array<i32>} : memref<16x128xf32, #tpu.memory_space<vmem>>, vector<1x16xf32>,
    %broadcast_in_dim3A_999 = arith.constant 0.000000e+00 : f32
    %broadcast_in_dim3A_1000 = vector.broadcast %broadcast_in_dim3A_999 : f32 to vector<16xf32>
    %swap3A_1001 = arith.constant 15 : i32
    %swap3A_1002 = arith.index_cast %swap3A_1001 : i32 to index
    %swap3A_1003 = arith.constant 80 : index
    %swap3A_1004 = tpu.vector_load %arg10[%swap3A_1002, %swap3A_1003] {strides = array<i32>} : memref<16x128xf32, #tpu.memory_space<vmem>>, vector<1x16xf32>,
    %swap3A_1005 = vector.shape_cast %swap3A_1004 : vector<1x16xf32> to vector<16xf32>
    %swap3A_1006 = vector.shape_cast %broadcast_in_dim3A_1000 : vector<16xf32> to vector<1x16xf32>
    tpu.vector_store %arg10[%swap3A_1002, %swap3A_1003], %swap3A_1006 {strides = array<i32>} : memref<16x128xf32, #tpu.memory_space<vmem>>, vector<1x16xf32>,
    %broadcast_in_dim3A_1007 = arith.constant 0.000000e+00 : f32
    %broadcast_in_dim3A_1008 = vector.broadcast %broadcast_in_dim3A_1007 : f32 to vector<16xf32>
    %swap3A_1009 = arith.constant 15 : i32
    %swap3A_1010 = arith.index_cast %swap3A_1009 : i32 to index
    %swap3A_1011 = arith.constant 96 : index
    %swap3A_1012 = tpu.vector_load %arg10[%swap3A_1010, %swap3A_1011] {strides = array<i32>} : memref<16x128xf32, #tpu.memory_space<vmem>>, vector<1x16xf32>,
    %swap3A_1013 = vector.shape_cast %swap3A_1012 : vector<1x16xf32> to vector<16xf32>
    %swap3A_1014 = vector.shape_cast %broadcast_in_dim3A_1008 : vector<16xf32> to vector<1x16xf32>
    tpu.vector_store %arg10[%swap3A_1010, %swap3A_1011], %swap3A_1014 {strides = array<i32>} : memref<16x128xf32, #tpu.memory_space<vmem>>, vector<1x16xf32>,
    %broadcast_in_dim3A_1015 = arith.constant 0.000000e+00 : f32
    %broadcast_in_dim3A_1016 = vector.broadcast %broadcast_in_dim3A_1015 : f32 to vector<16xf32>
    %swap3A_1017 = arith.constant 15 : i32
    %swap3A_1018 = arith.index_cast %swap3A_1017 : i32 to index
    %swap3A_1019 = arith.constant 112 : index
    %swap3A_1020 = tpu.vector_load %arg10[%swap3A_1018, %swap3A_1019] {strides = array<i32>} : memref<16x128xf32, #tpu.memory_space<vmem>>, vector<1x16xf32>,
    %swap3A_1021 = vector.shape_cast %swap3A_1020 : vector<1x16xf32> to vector<16xf32>
    %swap3A_1022 = vector.shape_cast %broadcast_in_dim3A_1016 : vector<16xf32> to vector<1x16xf32>
    tpu.vector_store %arg10[%swap3A_1018, %swap3A_1019], %swap3A_1022 {strides = array<i32>} : memref<16x128xf32, #tpu.memory_space<vmem>>, vector<1x16xf32>,
    %mul3A_1023 = arith.constant 640 : i32
    %mul3A_1024 = arith.muli %arg1, %mul3A_1023 : i32
    %multiple_of3A = tpu.assume_multiple %mul3A_1024, 8 : i32
    %scan3A = arith.constant 0 : i32
    %scan3A_1025 = arith.constant 0 : i32
    %scan3A_1026 = arith.constant 40 : i32
    %scan3A_1027 = arith.addi %scan3A_1025, %scan3A_1026 : i32
    %scan3A_1028 = arith.constant 1 : i32
    scf.for %scan3A_1037 = %scan3A_1025 to %scan3A_1027 step %scan3A_1028  : i32 {
      %mul3A_1038 = arith.constant 16 : i32
      %mul3A_1039 = arith.muli %scan3A_1037, %mul3A_1038 : i32
      %add3A_1040 = arith.addi %multiple_of3A, %mul3A_1039 : i32
      "tpu.region"() ({
        %run_scoped3A = tpu.sem_alloc : memref<!tpu.dma_semaphore, #tpu.memory_space<semaphore_mem>>
        %dma_start3A = arith.constant 0 : i32
        %dma_start3A_1041 = tpu.memref_slice %arg11[%add3A_1040, %dma_start3A] : memref<10240x128xf32, #tpu.memory_space<vmem_shared>> -> memref<16x128xf32, #tpu.memory_space<vmem_shared>>
        %dma_start3A_1042 = arith.constant 0 : i32
        %dma_start3A_1043 = tpu.memref_slice %arg11[%add3A_1040, %dma_start3A_1042] : memref<10240x128xf32, #tpu.memory_space<vmem_shared>> -> memref<16x128xf32, #tpu.memory_space<vmem_shared>>
        tpu.enqueue_dma source(%arg10 : memref<16x128xf32, #tpu.memory_space<vmem>>) target(%dma_start3A_1043 : memref<16x128xf32, #tpu.memory_space<vmem_shared>>) target_semaphore(%run_scoped3A : memref<!tpu.dma_semaphore, #tpu.memory_space<semaphore_mem>>)
        %dma_wait3A = arith.constant 0 : i32
        %dma_wait3A_1044 = tpu.memref_slice %arg11[%add3A_1040, %dma_wait3A] : memref<10240x128xf32, #tpu.memory_space<vmem_shared>> -> memref<16x128xf32, #tpu.memory_space<vmem_shared>>
        %dma_wait3A_1045 = arith.constant 0 : i32
        %dma_wait3A_1046 = tpu.memref_slice %arg11[%add3A_1040, %dma_wait3A_1045] : memref<10240x128xf32, #tpu.memory_space<vmem_shared>> -> memref<16x128xf32, #tpu.memory_space<vmem_shared>>
        tpu.wait_dma2 semaphore(%run_scoped3A : memref<!tpu.dma_semaphore, #tpu.memory_space<semaphore_mem>>) src(%arg10 : memref<16x128xf32, #tpu.memory_space<vmem>>) dst(%dma_wait3A_1046 : memref<16x128xf32, #tpu.memory_space<vmem_shared>>)
        tpu.yield
      }) : () -> ()
    }
    %scan3A_1029 = arith.constant 40 : i32
    %barrier3A = arith.constant 0 : index
    tpu.barrier barrier_id(%barrier3A)
    %scan3A_1030 = arith.constant 0 : i32
    %scan3A_1031 = arith.constant 0 : i32
    %scan3A_1032 = arith.constant 4 : i32
    %scan3A_1033 = arith.addi %scan3A_1031, %scan3A_1032 : i32
    %scan3A_1034 = arith.constant 1 : i32
    scf.for %scan3A_1037 = %scan3A_1031 to %scan3A_1033 step %scan3A_1034  : i32 {
      %mul3A_1038 = arith.constant 4 : i32
      %mul3A_1039 = arith.muli %add3A, %mul3A_1038 : i32
      %add3A_1040 = arith.addi %mul3A_1039, %scan3A_1037 : i32
      "tpu.region"() ({
        %run_scoped3A_1062 = tpu.sem_alloc : memref<!tpu.dma_semaphore, #tpu.memory_space<semaphore_mem>>
        %dma_start3A_1063 = arith.constant 0 : i32
        %dma_start3A_1064 = arith.constant 0 : i32
        %dma_start3A_1065 = tpu.memref_slice %arg3[%add3A_1040, %dma_start3A_1063, %dma_start3A_1064] : memref<128x25x100xi32, #tpu.memory_space<hbm>> -> memref<1x25x100xi32, #tpu.memory_space<hbm>>
        %dma_start3A_1066 = tpu.memref_squeeze %dma_start3A_1065 : memref<1x25x100xi32, #tpu.memory_space<hbm>> -> memref<25x100xi32, #tpu.memory_space<hbm>>
        %dma_start3A_1067 = arith.constant 0 : i32
        %dma_start3A_1068 = arith.constant 0 : i32
        %dma_start3A_1069 = tpu.memref_slice %arg3[%add3A_1040, %dma_start3A_1067, %dma_start3A_1068] : memref<128x25x100xi32, #tpu.memory_space<hbm>> -> memref<1x25x100xi32, #tpu.memory_space<hbm>>
        %dma_start3A_1070 = tpu.memref_squeeze %dma_start3A_1069 : memref<1x25x100xi32, #tpu.memory_space<hbm>> -> memref<25x100xi32, #tpu.memory_space<hbm>>
        tpu.enqueue_dma source(%dma_start3A_1070 : memref<25x100xi32, #tpu.memory_space<hbm>>) target(%arg6 : memref<25x100xi32, #tpu.memory_space<vmem>>) target_semaphore(%run_scoped3A_1062 : memref<!tpu.dma_semaphore, #tpu.memory_space<semaphore_mem>>)
        %dma_wait3A_1071 = arith.constant 0 : i32
        %dma_wait3A_1072 = arith.constant 0 : i32
        %dma_wait3A_1073 = tpu.memref_slice %arg3[%add3A_1040, %dma_wait3A_1071, %dma_wait3A_1072] : memref<128x25x100xi32, #tpu.memory_space<hbm>> -> memref<1x25x100xi32, #tpu.memory_space<hbm>>
        %dma_wait3A_1074 = tpu.memref_squeeze %dma_wait3A_1073 : memref<1x25x100xi32, #tpu.memory_space<hbm>> -> memref<25x100xi32, #tpu.memory_space<hbm>>
        %dma_wait3A_1075 = arith.constant 0 : i32
        %dma_wait3A_1076 = arith.constant 0 : i32
        %dma_wait3A_1077 = tpu.memref_slice %arg3[%add3A_1040, %dma_wait3A_1075, %dma_wait3A_1076] : memref<128x25x100xi32, #tpu.memory_space<hbm>> -> memref<1x25x100xi32, #tpu.memory_space<hbm>>
        %dma_wait3A_1078 = tpu.memref_squeeze %dma_wait3A_1077 : memref<1x25x100xi32, #tpu.memory_space<hbm>> -> memref<25x100xi32, #tpu.memory_space<hbm>>
        tpu.wait_dma2 semaphore(%run_scoped3A_1062 : memref<!tpu.dma_semaphore, #tpu.memory_space<semaphore_mem>>) src(%dma_wait3A_1078 : memref<25x100xi32, #tpu.memory_space<hbm>>) dst(%arg6 : memref<25x100xi32, #tpu.memory_space<vmem>>)
        tpu.yield
      }) : () -> ()
      %mul3A_1041 = arith.constant 4 : i32
      %mul3A_1042 = arith.muli %add3A, %mul3A_1041 : i32
      %add3A_1043 = arith.addi %mul3A_1042, %scan3A_1037 : i32
      "tpu.region"() ({
        %run_scoped3A_1062 = tpu.sem_alloc : memref<!tpu.dma_semaphore, #tpu.memory_space<semaphore_mem>>
        %dma_start3A_1063 = arith.constant 0 : i32
        %dma_start3A_1064 = arith.constant 0 : i32
        %dma_start3A_1065 = tpu.memref_slice %arg4[%add3A_1043, %dma_start3A_1063, %dma_start3A_1064] : memref<128x25x100xi32, #tpu.memory_space<hbm>> -> memref<1x25x100xi32, #tpu.memory_space<hbm>>
        %dma_start3A_1066 = tpu.memref_squeeze %dma_start3A_1065 : memref<1x25x100xi32, #tpu.memory_space<hbm>> -> memref<25x100xi32, #tpu.memory_space<hbm>>
        %dma_start3A_1067 = arith.constant 0 : i32
        %dma_start3A_1068 = arith.constant 0 : i32
        %dma_start3A_1069 = tpu.memref_slice %arg4[%add3A_1043, %dma_start3A_1067, %dma_start3A_1068] : memref<128x25x100xi32, #tpu.memory_space<hbm>> -> memref<1x25x100xi32, #tpu.memory_space<hbm>>
        %dma_start3A_1070 = tpu.memref_squeeze %dma_start3A_1069 : memref<1x25x100xi32, #tpu.memory_space<hbm>> -> memref<25x100xi32, #tpu.memory_space<hbm>>
        tpu.enqueue_dma source(%dma_start3A_1070 : memref<25x100xi32, #tpu.memory_space<hbm>>) target(%arg7 : memref<25x100xi32, #tpu.memory_space<vmem>>) target_semaphore(%run_scoped3A_1062 : memref<!tpu.dma_semaphore, #tpu.memory_space<semaphore_mem>>)
        %dma_wait3A_1071 = arith.constant 0 : i32
        %dma_wait3A_1072 = arith.constant 0 : i32
        %dma_wait3A_1073 = tpu.memref_slice %arg4[%add3A_1043, %dma_wait3A_1071, %dma_wait3A_1072] : memref<128x25x100xi32, #tpu.memory_space<hbm>> -> memref<1x25x100xi32, #tpu.memory_space<hbm>>
        %dma_wait3A_1074 = tpu.memref_squeeze %dma_wait3A_1073 : memref<1x25x100xi32, #tpu.memory_space<hbm>> -> memref<25x100xi32, #tpu.memory_space<hbm>>
        %dma_wait3A_1075 = arith.constant 0 : i32
        %dma_wait3A_1076 = arith.constant 0 : i32
        %dma_wait3A_1077 = tpu.memref_slice %arg4[%add3A_1043, %dma_wait3A_1075, %dma_wait3A_1076] : memref<128x25x100xi32, #tpu.memory_space<hbm>> -> memref<1x25x100xi32, #tpu.memory_space<hbm>>
        %dma_wait3A_1078 = tpu.memref_squeeze %dma_wait3A_1077 : memref<1x25x100xi32, #tpu.memory_space<hbm>> -> memref<25x100xi32, #tpu.memory_space<hbm>>
        tpu.wait_dma2 semaphore(%run_scoped3A_1062 : memref<!tpu.dma_semaphore, #tpu.memory_space<semaphore_mem>>) src(%dma_wait3A_1078 : memref<25x100xi32, #tpu.memory_space<hbm>>) dst(%arg7 : memref<25x100xi32, #tpu.memory_space<vmem>>)
        tpu.yield
      }) : () -> ()
      %dma_start3A = arith.constant 0 : i32
      %dma_start3A_1044 = arith.constant 0 : i32
      %dma_start3A_1045 = tpu.memref_slice %arg6[%dma_start3A, %dma_start3A_1044] : memref<25x100xi32, #tpu.memory_space<vmem>> -> memref<1x100xi32, #tpu.memory_space<vmem>>
      %dma_start3A_1046 = tpu.memref_squeeze %dma_start3A_1045 : memref<1x100xi32, #tpu.memory_space<vmem>> -> memref<100xi32, #tpu.memory_space<vmem>>
      %dma_start3A_1047 = arith.constant 0 : i32
      %dma_start3A_1048 = arith.constant 0 : i32
      %dma_start3A_1049 = tpu.memref_slice %arg2[%dma_start3A_1047, %dma_start3A_1048] : memref<10000x128xf32, #tpu.memory_space<hbm>> -> memref<10000x128xf32, #tpu.memory_space<hbm>>
      tpu.enqueue_indirect_dma source(%dma_start3A_1049 : memref<10000x128xf32, #tpu.memory_space<hbm>>) target(%arg8 : memref<100x128xf32, #tpu.memory_space<vmem>>) offsets(%dma_start3A_1046 : memref<100xi32, #tpu.memory_space<vmem>>) semaphore(%arg12 : memref<!tpu.dma_semaphore, #tpu.memory_space<semaphore_mem>>)
      %scan3A_1050 = arith.constant 0 : i32
      %scan3A_1051 = arith.constant 0 : i32
      %scan3A_1052 = arith.constant 12 : i32
      %scan3A_1053 = arith.addi %scan3A_1051, %scan3A_1052 : i32
      %scan3A_1054 = arith.constant 1 : i32
      scf.for %scan3A_1062 = %scan3A_1051 to %scan3A_1053 step %scan3A_1054  : i32 {
        %mul3A_1063 = arith.constant 2 : i32
        %mul3A_1064 = arith.muli %mul3A_1063, %scan3A_1062 : i32
        %add3A_1065 = arith.constant 1 : i32
        %add3A_1066 = arith.addi %mul3A_1064, %add3A_1065 : i32
        %dma_start3A_1067 = arith.constant 0 : i32
        %dma_start3A_1068 = tpu.memref_slice %arg6[%add3A_1066, %dma_start3A_1067] : memref<25x100xi32, #tpu.memory_space<vmem>> -> memref<1x100xi32, #tpu.memory_space<vmem>>
        %dma_start3A_1069 = tpu.memref_squeeze %dma_start3A_1068 : memref<1x100xi32, #tpu.memory_space<vmem>> -> memref<100xi32, #tpu.memory_space<vmem>>
        %dma_start3A_1070 = arith.constant 0 : i32
        %dma_start3A_1071 = arith.constant 0 : i32
        %dma_start3A_1072 = tpu.memref_slice %arg2[%dma_start3A_1070, %dma_start3A_1071] : memref<10000x128xf32, #tpu.memory_space<hbm>> -> memref<10000x128xf32, #tpu.memory_space<hbm>>
        tpu.enqueue_indirect_dma source(%dma_start3A_1072 : memref<10000x128xf32, #tpu.memory_space<hbm>>) target(%arg9 : memref<100x128xf32, #tpu.memory_space<vmem>>) offsets(%dma_start3A_1069 : memref<100xi32, #tpu.memory_space<vmem>>) semaphore(%arg13 : memref<!tpu.dma_semaphore, #tpu.memory_space<semaphore_mem>>)
        %dma_wait3A_1073 = arith.constant 0 : i32
        %dma_wait3A_1074 = tpu.memref_slice %arg6[%mul3A_1064, %dma_wait3A_1073] : memref<25x100xi32, #tpu.memory_space<vmem>> -> memref<1x100xi32, #tpu.memory_space<vmem>>
        %dma_wait3A_1075 = tpu.memref_squeeze %dma_wait3A_1074 : memref<1x100xi32, #tpu.memory_space<vmem>> -> memref<100xi32, #tpu.memory_space<vmem>>
        %dma_wait3A_1076 = arith.constant 0 : i32
        %dma_wait3A_1077 = arith.constant 0 : i32
        %dma_wait3A_1078 = tpu.memref_slice %arg2[%dma_wait3A_1076, %dma_wait3A_1077] : memref<10000x128xf32, #tpu.memory_space<hbm>> -> memref<10000x128xf32, #tpu.memory_space<hbm>>
        tpu.wait_indirect_dma semaphore(%arg12 : memref<!tpu.dma_semaphore, #tpu.memory_space<semaphore_mem>>) src(%dma_wait3A_1078 : memref<10000x128xf32, #tpu.memory_space<hbm>>) dst(%arg8 : memref<100x128xf32, #tpu.memory_space<vmem>>)
        "tpu.region"() ({
          %run_scoped3A_1093 = tpu.sem_alloc : memref<!tpu.dma_semaphore, #tpu.memory_space<semaphore_mem>>
          %dma_start3A_1094 = arith.constant 0 : i32
          %dma_start3A_1095 = tpu.memref_slice %arg7[%mul3A_1064, %dma_start3A_1094] : memref<25x100xi32, #tpu.memory_space<vmem>> -> memref<1x100xi32, #tpu.memory_space<vmem>>
          %dma_start3A_1096 = tpu.memref_squeeze %dma_start3A_1095 : memref<1x100xi32, #tpu.memory_space<vmem>> -> memref<100xi32, #tpu.memory_space<vmem>>
          %dma_start3A_1097 = arith.constant 0 : i32
          %dma_start3A_1098 = arith.constant 0 : i32
          %dma_start3A_1099 = tpu.memref_slice %arg11[%dma_start3A_1097, %dma_start3A_1098] : memref<10240x128xf32, #tpu.memory_space<vmem_shared>> -> memref<10240x128xf32, #tpu.memory_space<vmem_shared>>
          tpu.enqueue_indirect_dma source(%arg8 : memref<100x128xf32, #tpu.memory_space<vmem>>) target(%dma_start3A_1099 : memref<10240x128xf32, #tpu.memory_space<vmem_shared>>) offsets(%dma_start3A_1096 : memref<100xi32, #tpu.memory_space<vmem>>) semaphore(%run_scoped3A_1093 : memref<!tpu.dma_semaphore, #tpu.memory_space<semaphore_mem>>) {add = true}
          %dma_wait3A_1100 = arith.constant 0 : i32
          %dma_wait3A_1101 = tpu.memref_slice %arg7[%mul3A_1064, %dma_wait3A_1100] : memref<25x100xi32, #tpu.memory_space<vmem>> -> memref<1x100xi32, #tpu.memory_space<vmem>>
          %dma_wait3A_1102 = tpu.memref_squeeze %dma_wait3A_1101 : memref<1x100xi32, #tpu.memory_space<vmem>> -> memref<100xi32, #tpu.memory_space<vmem>>
          %dma_wait3A_1103 = arith.constant 0 : i32
          %dma_wait3A_1104 = arith.constant 0 : i32
          %dma_wait3A_1105 = tpu.memref_slice %arg11[%dma_wait3A_1103, %dma_wait3A_1104] : memref<10240x128xf32, #tpu.memory_space<vmem_shared>> -> memref<10240x128xf32, #tpu.memory_space<vmem_shared>>
          tpu.wait_indirect_dma semaphore(%run_scoped3A_1093 : memref<!tpu.dma_semaphore, #tpu.memory_space<semaphore_mem>>) src(%arg8 : memref<100x128xf32, #tpu.memory_space<vmem>>) dst(%dma_wait3A_1105 : memref<10240x128xf32, #tpu.memory_space<vmem_shared>>)
          tpu.yield
        }) : () -> ()
        %add3A_1079 = arith.constant 2 : i32
        %add3A_1080 = arith.addi %mul3A_1064, %add3A_1079 : i32
        %dma_start3A_1081 = arith.constant 0 : i32
        %dma_start3A_1082 = tpu.memref_slice %arg6[%add3A_1080, %dma_start3A_1081] : memref<25x100xi32, #tpu.memory_space<vmem>> -> memref<1x100xi32, #tpu.memory_space<vmem>>
        %dma_start3A_1083 = tpu.memref_squeeze %dma_start3A_1082 : memref<1x100xi32, #tpu.memory_space<vmem>> -> memref<100xi32, #tpu.memory_space<vmem>>
        %dma_start3A_1084 = arith.constant 0 : i32
        %dma_start3A_1085 = arith.constant 0 : i32
        %dma_start3A_1086 = tpu.memref_slice %arg2[%dma_start3A_1084, %dma_start3A_1085] : memref<10000x128xf32, #tpu.memory_space<hbm>> -> memref<10000x128xf32, #tpu.memory_space<hbm>>
        tpu.enqueue_indirect_dma source(%dma_start3A_1086 : memref<10000x128xf32, #tpu.memory_space<hbm>>) target(%arg8 : memref<100x128xf32, #tpu.memory_space<vmem>>) offsets(%dma_start3A_1083 : memref<100xi32, #tpu.memory_space<vmem>>) semaphore(%arg12 : memref<!tpu.dma_semaphore, #tpu.memory_space<semaphore_mem>>)
        %dma_wait3A_1087 = arith.constant 0 : i32
        %dma_wait3A_1088 = tpu.memref_slice %arg6[%add3A_1066, %dma_wait3A_1087] : memref<25x100xi32, #tpu.memory_space<vmem>> -> memref<1x100xi32, #tpu.memory_space<vmem>>
        %dma_wait3A_1089 = tpu.memref_squeeze %dma_wait3A_1088 : memref<1x100xi32, #tpu.memory_space<vmem>> -> memref<100xi32, #tpu.memory_space<vmem>>
        %dma_wait3A_1090 = arith.constant 0 : i32
        %dma_wait3A_1091 = arith.constant 0 : i32
        %dma_wait3A_1092 = tpu.memref_slice %arg2[%dma_wait3A_1090, %dma_wait3A_1091] : memref<10000x128xf32, #tpu.memory_space<hbm>> -> memref<10000x128xf32, #tpu.memory_space<hbm>>
        tpu.wait_indirect_dma semaphore(%arg13 : memref<!tpu.dma_semaphore, #tpu.memory_space<semaphore_mem>>) src(%dma_wait3A_1092 : memref<10000x128xf32, #tpu.memory_space<hbm>>) dst(%arg9 : memref<100x128xf32, #tpu.memory_space<vmem>>)
        "tpu.region"() ({
          %run_scoped3A_1093 = tpu.sem_alloc : memref<!tpu.dma_semaphore, #tpu.memory_space<semaphore_mem>>
          %dma_start3A_1094 = arith.constant 0 : i32
          %dma_start3A_1095 = tpu.memref_slice %arg7[%add3A_1066, %dma_start3A_1094] : memref<25x100xi32, #tpu.memory_space<vmem>> -> memref<1x100xi32, #tpu.memory_space<vmem>>
          %dma_start3A_1096 = tpu.memref_squeeze %dma_start3A_1095 : memref<1x100xi32, #tpu.memory_space<vmem>> -> memref<100xi32, #tpu.memory_space<vmem>>
          %dma_start3A_1097 = arith.constant 0 : i32
          %dma_start3A_1098 = arith.constant 0 : i32
          %dma_start3A_1099 = tpu.memref_slice %arg11[%dma_start3A_1097, %dma_start3A_1098] : memref<10240x128xf32, #tpu.memory_space<vmem_shared>> -> memref<10240x128xf32, #tpu.memory_space<vmem_shared>>
          tpu.enqueue_indirect_dma source(%arg9 : memref<100x128xf32, #tpu.memory_space<vmem>>) target(%dma_start3A_1099 : memref<10240x128xf32, #tpu.memory_space<vmem_shared>>) offsets(%dma_start3A_1096 : memref<100xi32, #tpu.memory_space<vmem>>) semaphore(%run_scoped3A_1093 : memref<!tpu.dma_semaphore, #tpu.memory_space<semaphore_mem>>) {add = true}
          %dma_wait3A_1100 = arith.constant 0 : i32
          %dma_wait3A_1101 = tpu.memref_slice %arg7[%add3A_1066, %dma_wait3A_1100] : memref<25x100xi32, #tpu.memory_space<vmem>> -> memref<1x100xi32, #tpu.memory_space<vmem>>
          %dma_wait3A_1102 = tpu.memref_squeeze %dma_wait3A_1101 : memref<1x100xi32, #tpu.memory_space<vmem>> -> memref<100xi32, #tpu.memory_space<vmem>>
          %dma_wait3A_1103 = arith.constant 0 : i32
          %dma_wait3A_1104 = arith.constant 0 : i32
          %dma_wait3A_1105 = tpu.memref_slice %arg11[%dma_wait3A_1103, %dma_wait3A_1104] : memref<10240x128xf32, #tpu.memory_space<vmem_shared>> -> memref<10240x128xf32, #tpu.memory_space<vmem_shared>>
          tpu.wait_indirect_dma semaphore(%run_scoped3A_1093 : memref<!tpu.dma_semaphore, #tpu.memory_space<semaphore_mem>>) src(%arg9 : memref<100x128xf32, #tpu.memory_space<vmem>>) dst(%dma_wait3A_1105 : memref<10240x128xf32, #tpu.memory_space<vmem_shared>>)
          tpu.yield
        }) : () -> ()
      }
      %scan3A_1055 = arith.constant 12 : i32
      %dma_wait3A = arith.constant 24 : i32
      %dma_wait3A_1056 = arith.constant 0 : i32
      %dma_wait3A_1057 = tpu.memref_slice %arg6[%dma_wait3A, %dma_wait3A_1056] : memref<25x100xi32, #tpu.memory_space<vmem>> -> memref<1x100xi32, #tpu.memory_space<vmem>>
      %dma_wait3A_1058 = tpu.memref_squeeze %dma_wait3A_1057 : memref<1x100xi32, #tpu.memory_space<vmem>> -> memref<100xi32, #tpu.memory_space<vmem>>
      %dma_wait3A_1059 = arith.constant 0 : i32
      %dma_wait3A_1060 = arith.constant 0 : i32
      %dma_wait3A_1061 = tpu.memref_slice %arg2[%dma_wait3A_1059, %dma_wait3A_1060] : memref<10000x128xf32, #tpu.memory_space<hbm>> -> memref<10000x128xf32, #tpu.memory_space<hbm>>
      tpu.wait_indirect_dma semaphore(%arg12 : memref<!tpu.dma_semaphore, #tpu.memory_space<semaphore_mem>>) src(%dma_wait3A_1061 : memref<10000x128xf32, #tpu.memory_space<hbm>>) dst(%arg8 : memref<100x128xf32, #tpu.memory_space<vmem>>)
      %run_scoped3A = arith.constant 24 : i32
      "tpu.region"() ({
        %run_scoped3A_1062 = tpu.sem_alloc : memref<!tpu.dma_semaphore, #tpu.memory_space<semaphore_mem>>
        %dma_start3A_1063 = arith.constant 0 : i32
        %dma_start3A_1064 = tpu.memref_slice %arg7[%run_scoped3A, %dma_start3A_1063] : memref<25x100xi32, #tpu.memory_space<vmem>> -> memref<1x100xi32, #tpu.memory_space<vmem>>
        %dma_start3A_1065 = tpu.memref_squeeze %dma_start3A_1064 : memref<1x100xi32, #tpu.memory_space<vmem>> -> memref<100xi32, #tpu.memory_space<vmem>>
        %dma_start3A_1066 = arith.constant 0 : i32
        %dma_start3A_1067 = arith.constant 0 : i32
        %dma_start3A_1068 = tpu.memref_slice %arg11[%dma_start3A_1066, %dma_start3A_1067] : memref<10240x128xf32, #tpu.memory_space<vmem_shared>> -> memref<10240x128xf32, #tpu.memory_space<vmem_shared>>
        tpu.enqueue_indirect_dma source(%arg8 : memref<100x128xf32, #tpu.memory_space<vmem>>) target(%dma_start3A_1068 : memref<10240x128xf32, #tpu.memory_space<vmem_shared>>) offsets(%dma_start3A_1065 : memref<100xi32, #tpu.memory_space<vmem>>) semaphore(%run_scoped3A_1062 : memref<!tpu.dma_semaphore, #tpu.memory_space<semaphore_mem>>) {add = true}
        %dma_wait3A_1069 = arith.constant 0 : i32
        %dma_wait3A_1070 = tpu.memref_slice %arg7[%run_scoped3A, %dma_wait3A_1069] : memref<25x100xi32, #tpu.memory_space<vmem>> -> memref<1x100xi32, #tpu.memory_space<vmem>>
        %dma_wait3A_1071 = tpu.memref_squeeze %dma_wait3A_1070 : memref<1x100xi32, #tpu.memory_space<vmem>> -> memref<100xi32, #tpu.memory_space<vmem>>
        %dma_wait3A_1072 = arith.constant 0 : i32
        %dma_wait3A_1073 = arith.constant 0 : i32
        %dma_wait3A_1074 = tpu.memref_slice %arg11[%dma_wait3A_1072, %dma_wait3A_1073] : memref<10240x128xf32, #tpu.memory_space<vmem_shared>> -> memref<10240x128xf32, #tpu.memory_space<vmem_shared>>
        tpu.wait_indirect_dma semaphore(%run_scoped3A_1062 : memref<!tpu.dma_semaphore, #tpu.memory_space<semaphore_mem>>) src(%arg8 : memref<100x128xf32, #tpu.memory_space<vmem>>) dst(%dma_wait3A_1074 : memref<10240x128xf32, #tpu.memory_space<vmem_shared>>)
        tpu.yield
      }) : () -> ()
    }
    %scan3A_1035 = arith.constant 4 : i32
    %barrier3A_1036 = arith.constant 0 : index
    tpu.barrier barrier_id(%barrier3A_1036)
    "tpu.region"() ({
      %run_scoped3A = tpu.sem_alloc : memref<!tpu.dma_semaphore, #tpu.memory_space<semaphore_mem>>
      %dma_start3A = arith.constant 0 : i32
      %dma_start3A_1037 = tpu.memref_slice %arg5[%arg0, %multiple_of3A, %dma_start3A] : memref<2x10240x128xf32, #tpu.memory_space<hbm>> -> memref<1x640x128xf32, #tpu.memory_space<hbm>>
      %dma_start3A_1038 = tpu.memref_squeeze %dma_start3A_1037 : memref<1x640x128xf32, #tpu.memory_space<hbm>> -> memref<640x128xf32, #tpu.memory_space<hbm>>
      %dma_start3A_1039 = arith.constant 0 : i32
      %dma_start3A_1040 = tpu.memref_slice %arg11[%multiple_of3A, %dma_start3A_1039] : memref<10240x128xf32, #tpu.memory_space<vmem_shared>> -> memref<640x128xf32, #tpu.memory_space<vmem_shared>>
      tpu.enqueue_dma source(%dma_start3A_1040 : memref<640x128xf32, #tpu.memory_space<vmem_shared>>) target(%dma_start3A_1038 : memref<640x128xf32, #tpu.memory_space<hbm>>) target_semaphore(%run_scoped3A : memref<!tpu.dma_semaphore, #tpu.memory_space<semaphore_mem>>)
      %dma_wait3A = arith.constant 0 : i32
      %dma_wait3A_1041 = tpu.memref_slice %arg5[%arg0, %multiple_of3A, %dma_wait3A] : memref<2x10240x128xf32, #tpu.memory_space<hbm>> -> memref<1x640x128xf32, #tpu.memory_space<hbm>>
      %dma_wait3A_1042 = tpu.memref_squeeze %dma_wait3A_1041 : memref<1x640x128xf32, #tpu.memory_space<hbm>> -> memref<640x128xf32, #tpu.memory_space<hbm>>
      %dma_wait3A_1043 = arith.constant 0 : i32
      %dma_wait3A_1044 = tpu.memref_slice %arg11[%multiple_of3A, %dma_wait3A_1043] : memref<10240x128xf32, #tpu.memory_space<vmem_shared>> -> memref<640x128xf32, #tpu.memory_space<vmem_shared>>
      tpu.wait_dma2 semaphore(%run_scoped3A : memref<!tpu.dma_semaphore, #tpu.memory_space<semaphore_mem>>) src(%dma_wait3A_1044 : memref<640x128xf32, #tpu.memory_space<vmem_shared>>) dst(%dma_wait3A_1042 : memref<640x128xf32, #tpu.memory_space<hbm>>)
      tpu.yield
    }) : () -> ()
    return
  }
}

#map = affine_map<(d0, d1) -> (0, 0, 0)>
#map1 = affine_map<(d0, d1) -> (0, 0)>
module attributes {stable_mosaic.version = 14 : i64} {
  func.func @deg_k(%arg0: i32, %arg1: i32, %arg2: memref<32x125x80xi32, #tpu.memory_space<hbm>>, %arg3: memref<2x10240xf32, #tpu.memory_space<hbm>>, %arg4: memref<125x80xi32, #tpu.memory_space<vmem>>, %arg5: memref<80xf32, #tpu.memory_space<vmem>>, %arg6: memref<640xf32, #tpu.memory_space<vmem>>, %arg7: memref<10240xf32, #tpu.memory_space<vmem_shared>>, %arg8: memref<!tpu.dma_semaphore, #tpu.memory_space<semaphore_mem>>) attributes {dimension_semantics = [#tpu.dimension_semantics<core_parallel>, #tpu.dimension_semantics<subcore_parallel>], iteration_bounds = array<i64: 2, 16>, scalar_prefetch = 0 : i64, scratch_operands = 5 : i64, tpu.core_type = #tpu.core_type<sc_vector_subcore>, window_params = [{transform_indices = #map}, {transform_indices = #map1}]} {
    %mul3A = arith.constant 2 : i32
    %mul3A_0 = arith.muli %arg1, %mul3A : i32
    %add3A = arith.addi %mul3A_0, %arg0 : i32
    %broadcast_in_dim3A = arith.constant 1.000000e+00 : f32
    %broadcast_in_dim3A_1 = vector.broadcast %broadcast_in_dim3A : f32 to vector<16xf32>
    %swap3A = arith.constant 0 : index
    %swap3A_2 = tpu.vector_load %arg5[%swap3A] {strides = array<i32>} : memref<80xf32, #tpu.memory_space<vmem>>, vector<16xf32>,
    %swap3A_3 = vector.shape_cast %swap3A_2 : vector<16xf32> to vector<16xf32>
    %swap3A_4 = vector.shape_cast %broadcast_in_dim3A_1 : vector<16xf32> to vector<16xf32>
    tpu.vector_store %arg5[%swap3A], %swap3A_4 {strides = array<i32>} : memref<80xf32, #tpu.memory_space<vmem>>, vector<16xf32>,
    %broadcast_in_dim3A_5 = arith.constant 1.000000e+00 : f32
    %broadcast_in_dim3A_6 = vector.broadcast %broadcast_in_dim3A_5 : f32 to vector<16xf32>
    %swap3A_7 = arith.constant 16 : index
    %swap3A_8 = tpu.vector_load %arg5[%swap3A_7] {strides = array<i32>} : memref<80xf32, #tpu.memory_space<vmem>>, vector<16xf32>,
    %swap3A_9 = vector.shape_cast %swap3A_8 : vector<16xf32> to vector<16xf32>
    %swap3A_10 = vector.shape_cast %broadcast_in_dim3A_6 : vector<16xf32> to vector<16xf32>
    tpu.vector_store %arg5[%swap3A_7], %swap3A_10 {strides = array<i32>} : memref<80xf32, #tpu.memory_space<vmem>>, vector<16xf32>,
    %broadcast_in_dim3A_11 = arith.constant 1.000000e+00 : f32
    %broadcast_in_dim3A_12 = vector.broadcast %broadcast_in_dim3A_11 : f32 to vector<16xf32>
    %swap3A_13 = arith.constant 32 : index
    %swap3A_14 = tpu.vector_load %arg5[%swap3A_13] {strides = array<i32>} : memref<80xf32, #tpu.memory_space<vmem>>, vector<16xf32>,
    %swap3A_15 = vector.shape_cast %swap3A_14 : vector<16xf32> to vector<16xf32>
    %swap3A_16 = vector.shape_cast %broadcast_in_dim3A_12 : vector<16xf32> to vector<16xf32>
    tpu.vector_store %arg5[%swap3A_13], %swap3A_16 {strides = array<i32>} : memref<80xf32, #tpu.memory_space<vmem>>, vector<16xf32>,
    %broadcast_in_dim3A_17 = arith.constant 1.000000e+00 : f32
    %broadcast_in_dim3A_18 = vector.broadcast %broadcast_in_dim3A_17 : f32 to vector<16xf32>
    %swap3A_19 = arith.constant 48 : index
    %swap3A_20 = tpu.vector_load %arg5[%swap3A_19] {strides = array<i32>} : memref<80xf32, #tpu.memory_space<vmem>>, vector<16xf32>,
    %swap3A_21 = vector.shape_cast %swap3A_20 : vector<16xf32> to vector<16xf32>
    %swap3A_22 = vector.shape_cast %broadcast_in_dim3A_18 : vector<16xf32> to vector<16xf32>
    tpu.vector_store %arg5[%swap3A_19], %swap3A_22 {strides = array<i32>} : memref<80xf32, #tpu.memory_space<vmem>>, vector<16xf32>,
    %broadcast_in_dim3A_23 = arith.constant 1.000000e+00 : f32
    %broadcast_in_dim3A_24 = vector.broadcast %broadcast_in_dim3A_23 : f32 to vector<16xf32>
    %swap3A_25 = arith.constant 64 : index
    %swap3A_26 = tpu.vector_load %arg5[%swap3A_25] {strides = array<i32>} : memref<80xf32, #tpu.memory_space<vmem>>, vector<16xf32>,
    %swap3A_27 = vector.shape_cast %swap3A_26 : vector<16xf32> to vector<16xf32>
    %swap3A_28 = vector.shape_cast %broadcast_in_dim3A_24 : vector<16xf32> to vector<16xf32>
    tpu.vector_store %arg5[%swap3A_25], %swap3A_28 {strides = array<i32>} : memref<80xf32, #tpu.memory_space<vmem>>, vector<16xf32>,
    %broadcast_in_dim3A_29 = arith.constant 0.000000e+00 : f32
    %broadcast_in_dim3A_30 = vector.broadcast %broadcast_in_dim3A_29 : f32 to vector<16xf32>
    %swap3A_31 = arith.constant 0 : index
    %swap3A_32 = tpu.vector_load %arg6[%swap3A_31] {strides = array<i32>} : memref<640xf32, #tpu.memory_space<vmem>>, vector<16xf32>,
    %swap3A_33 = vector.shape_cast %swap3A_32 : vector<16xf32> to vector<16xf32>
    %swap3A_34 = vector.shape_cast %broadcast_in_dim3A_30 : vector<16xf32> to vector<16xf32>
    tpu.vector_store %arg6[%swap3A_31], %swap3A_34 {strides = array<i32>} : memref<640xf32, #tpu.memory_space<vmem>>, vector<16xf32>,
    %broadcast_in_dim3A_35 = arith.constant 0.000000e+00 : f32
    %broadcast_in_dim3A_36 = vector.broadcast %broadcast_in_dim3A_35 : f32 to vector<16xf32>
    %swap3A_37 = arith.constant 16 : index
    %swap3A_38 = tpu.vector_load %arg6[%swap3A_37] {strides = array<i32>} : memref<640xf32, #tpu.memory_space<vmem>>, vector<16xf32>,
    %swap3A_39 = vector.shape_cast %swap3A_38 : vector<16xf32> to vector<16xf32>
    %swap3A_40 = vector.shape_cast %broadcast_in_dim3A_36 : vector<16xf32> to vector<16xf32>
    tpu.vector_store %arg6[%swap3A_37], %swap3A_40 {strides = array<i32>} : memref<640xf32, #tpu.memory_space<vmem>>, vector<16xf32>,
    %broadcast_in_dim3A_41 = arith.constant 0.000000e+00 : f32
    %broadcast_in_dim3A_42 = vector.broadcast %broadcast_in_dim3A_41 : f32 to vector<16xf32>
    %swap3A_43 = arith.constant 32 : index
    %swap3A_44 = tpu.vector_load %arg6[%swap3A_43] {strides = array<i32>} : memref<640xf32, #tpu.memory_space<vmem>>, vector<16xf32>,
    %swap3A_45 = vector.shape_cast %swap3A_44 : vector<16xf32> to vector<16xf32>
    %swap3A_46 = vector.shape_cast %broadcast_in_dim3A_42 : vector<16xf32> to vector<16xf32>
    tpu.vector_store %arg6[%swap3A_43], %swap3A_46 {strides = array<i32>} : memref<640xf32, #tpu.memory_space<vmem>>, vector<16xf32>,
    %broadcast_in_dim3A_47 = arith.constant 0.000000e+00 : f32
    %broadcast_in_dim3A_48 = vector.broadcast %broadcast_in_dim3A_47 : f32 to vector<16xf32>
    %swap3A_49 = arith.constant 48 : index
    %swap3A_50 = tpu.vector_load %arg6[%swap3A_49] {strides = array<i32>} : memref<640xf32, #tpu.memory_space<vmem>>, vector<16xf32>,
    %swap3A_51 = vector.shape_cast %swap3A_50 : vector<16xf32> to vector<16xf32>
    %swap3A_52 = vector.shape_cast %broadcast_in_dim3A_48 : vector<16xf32> to vector<16xf32>
    tpu.vector_store %arg6[%swap3A_49], %swap3A_52 {strides = array<i32>} : memref<640xf32, #tpu.memory_space<vmem>>, vector<16xf32>,
    %broadcast_in_dim3A_53 = arith.constant 0.000000e+00 : f32
    %broadcast_in_dim3A_54 = vector.broadcast %broadcast_in_dim3A_53 : f32 to vector<16xf32>
    %swap3A_55 = arith.constant 64 : index
    %swap3A_56 = tpu.vector_load %arg6[%swap3A_55] {strides = array<i32>} : memref<640xf32, #tpu.memory_space<vmem>>, vector<16xf32>,
    %swap3A_57 = vector.shape_cast %swap3A_56 : vector<16xf32> to vector<16xf32>
    %swap3A_58 = vector.shape_cast %broadcast_in_dim3A_54 : vector<16xf32> to vector<16xf32>
    tpu.vector_store %arg6[%swap3A_55], %swap3A_58 {strides = array<i32>} : memref<640xf32, #tpu.memory_space<vmem>>, vector<16xf32>,
    %broadcast_in_dim3A_59 = arith.constant 0.000000e+00 : f32
    %broadcast_in_dim3A_60 = vector.broadcast %broadcast_in_dim3A_59 : f32 to vector<16xf32>
    %swap3A_61 = arith.constant 80 : index
    %swap3A_62 = tpu.vector_load %arg6[%swap3A_61] {strides = array<i32>} : memref<640xf32, #tpu.memory_space<vmem>>, vector<16xf32>,
    %swap3A_63 = vector.shape_cast %swap3A_62 : vector<16xf32> to vector<16xf32>
    %swap3A_64 = vector.shape_cast %broadcast_in_dim3A_60 : vector<16xf32> to vector<16xf32>
    tpu.vector_store %arg6[%swap3A_61], %swap3A_64 {strides = array<i32>} : memref<640xf32, #tpu.memory_space<vmem>>, vector<16xf32>,
    %broadcast_in_dim3A_65 = arith.constant 0.000000e+00 : f32
    %broadcast_in_dim3A_66 = vector.broadcast %broadcast_in_dim3A_65 : f32 to vector<16xf32>
    %swap3A_67 = arith.constant 96 : index
    %swap3A_68 = tpu.vector_load %arg6[%swap3A_67] {strides = array<i32>} : memref<640xf32, #tpu.memory_space<vmem>>, vector<16xf32>,
    %swap3A_69 = vector.shape_cast %swap3A_68 : vector<16xf32> to vector<16xf32>
    %swap3A_70 = vector.shape_cast %broadcast_in_dim3A_66 : vector<16xf32> to vector<16xf32>
    tpu.vector_store %arg6[%swap3A_67], %swap3A_70 {strides = array<i32>} : memref<640xf32, #tpu.memory_space<vmem>>, vector<16xf32>,
    %broadcast_in_dim3A_71 = arith.constant 0.000000e+00 : f32
    %broadcast_in_dim3A_72 = vector.broadcast %broadcast_in_dim3A_71 : f32 to vector<16xf32>
    %swap3A_73 = arith.constant 112 : index
    %swap3A_74 = tpu.vector_load %arg6[%swap3A_73] {strides = array<i32>} : memref<640xf32, #tpu.memory_space<vmem>>, vector<16xf32>,
    %swap3A_75 = vector.shape_cast %swap3A_74 : vector<16xf32> to vector<16xf32>
    %swap3A_76 = vector.shape_cast %broadcast_in_dim3A_72 : vector<16xf32> to vector<16xf32>
    tpu.vector_store %arg6[%swap3A_73], %swap3A_76 {strides = array<i32>} : memref<640xf32, #tpu.memory_space<vmem>>, vector<16xf32>,
    %broadcast_in_dim3A_77 = arith.constant 0.000000e+00 : f32
    %broadcast_in_dim3A_78 = vector.broadcast %broadcast_in_dim3A_77 : f32 to vector<16xf32>
    %swap3A_79 = arith.constant 128 : index
    %swap3A_80 = tpu.vector_load %arg6[%swap3A_79] {strides = array<i32>} : memref<640xf32, #tpu.memory_space<vmem>>, vector<16xf32>,
    %swap3A_81 = vector.shape_cast %swap3A_80 : vector<16xf32> to vector<16xf32>
    %swap3A_82 = vector.shape_cast %broadcast_in_dim3A_78 : vector<16xf32> to vector<16xf32>
    tpu.vector_store %arg6[%swap3A_79], %swap3A_82 {strides = array<i32>} : memref<640xf32, #tpu.memory_space<vmem>>, vector<16xf32>,
    %broadcast_in_dim3A_83 = arith.constant 0.000000e+00 : f32
    %broadcast_in_dim3A_84 = vector.broadcast %broadcast_in_dim3A_83 : f32 to vector<16xf32>
    %swap3A_85 = arith.constant 144 : index
    %swap3A_86 = tpu.vector_load %arg6[%swap3A_85] {strides = array<i32>} : memref<640xf32, #tpu.memory_space<vmem>>, vector<16xf32>,
    %swap3A_87 = vector.shape_cast %swap3A_86 : vector<16xf32> to vector<16xf32>
    %swap3A_88 = vector.shape_cast %broadcast_in_dim3A_84 : vector<16xf32> to vector<16xf32>
    tpu.vector_store %arg6[%swap3A_85], %swap3A_88 {strides = array<i32>} : memref<640xf32, #tpu.memory_space<vmem>>, vector<16xf32>,
    %broadcast_in_dim3A_89 = arith.constant 0.000000e+00 : f32
    %broadcast_in_dim3A_90 = vector.broadcast %broadcast_in_dim3A_89 : f32 to vector<16xf32>
    %swap3A_91 = arith.constant 160 : index
    %swap3A_92 = tpu.vector_load %arg6[%swap3A_91] {strides = array<i32>} : memref<640xf32, #tpu.memory_space<vmem>>, vector<16xf32>,
    %swap3A_93 = vector.shape_cast %swap3A_92 : vector<16xf32> to vector<16xf32>
    %swap3A_94 = vector.shape_cast %broadcast_in_dim3A_90 : vector<16xf32> to vector<16xf32>
    tpu.vector_store %arg6[%swap3A_91], %swap3A_94 {strides = array<i32>} : memref<640xf32, #tpu.memory_space<vmem>>, vector<16xf32>,
    %broadcast_in_dim3A_95 = arith.constant 0.000000e+00 : f32
    %broadcast_in_dim3A_96 = vector.broadcast %broadcast_in_dim3A_95 : f32 to vector<16xf32>
    %swap3A_97 = arith.constant 176 : index
    %swap3A_98 = tpu.vector_load %arg6[%swap3A_97] {strides = array<i32>} : memref<640xf32, #tpu.memory_space<vmem>>, vector<16xf32>,
    %swap3A_99 = vector.shape_cast %swap3A_98 : vector<16xf32> to vector<16xf32>
    %swap3A_100 = vector.shape_cast %broadcast_in_dim3A_96 : vector<16xf32> to vector<16xf32>
    tpu.vector_store %arg6[%swap3A_97], %swap3A_100 {strides = array<i32>} : memref<640xf32, #tpu.memory_space<vmem>>, vector<16xf32>,
    %broadcast_in_dim3A_101 = arith.constant 0.000000e+00 : f32
    %broadcast_in_dim3A_102 = vector.broadcast %broadcast_in_dim3A_101 : f32 to vector<16xf32>
    %swap3A_103 = arith.constant 192 : index
    %swap3A_104 = tpu.vector_load %arg6[%swap3A_103] {strides = array<i32>} : memref<640xf32, #tpu.memory_space<vmem>>, vector<16xf32>,
    %swap3A_105 = vector.shape_cast %swap3A_104 : vector<16xf32> to vector<16xf32>
    %swap3A_106 = vector.shape_cast %broadcast_in_dim3A_102 : vector<16xf32> to vector<16xf32>
    tpu.vector_store %arg6[%swap3A_103], %swap3A_106 {strides = array<i32>} : memref<640xf32, #tpu.memory_space<vmem>>, vector<16xf32>,
    %broadcast_in_dim3A_107 = arith.constant 0.000000e+00 : f32
    %broadcast_in_dim3A_108 = vector.broadcast %broadcast_in_dim3A_107 : f32 to vector<16xf32>
    %swap3A_109 = arith.constant 208 : index
    %swap3A_110 = tpu.vector_load %arg6[%swap3A_109] {strides = array<i32>} : memref<640xf32, #tpu.memory_space<vmem>>, vector<16xf32>,
    %swap3A_111 = vector.shape_cast %swap3A_110 : vector<16xf32> to vector<16xf32>
    %swap3A_112 = vector.shape_cast %broadcast_in_dim3A_108 : vector<16xf32> to vector<16xf32>
    tpu.vector_store %arg6[%swap3A_109], %swap3A_112 {strides = array<i32>} : memref<640xf32, #tpu.memory_space<vmem>>, vector<16xf32>,
    %broadcast_in_dim3A_113 = arith.constant 0.000000e+00 : f32
    %broadcast_in_dim3A_114 = vector.broadcast %broadcast_in_dim3A_113 : f32 to vector<16xf32>
    %swap3A_115 = arith.constant 224 : index
    %swap3A_116 = tpu.vector_load %arg6[%swap3A_115] {strides = array<i32>} : memref<640xf32, #tpu.memory_space<vmem>>, vector<16xf32>,
    %swap3A_117 = vector.shape_cast %swap3A_116 : vector<16xf32> to vector<16xf32>
    %swap3A_118 = vector.shape_cast %broadcast_in_dim3A_114 : vector<16xf32> to vector<16xf32>
    tpu.vector_store %arg6[%swap3A_115], %swap3A_118 {strides = array<i32>} : memref<640xf32, #tpu.memory_space<vmem>>, vector<16xf32>,
    %broadcast_in_dim3A_119 = arith.constant 0.000000e+00 : f32
    %broadcast_in_dim3A_120 = vector.broadcast %broadcast_in_dim3A_119 : f32 to vector<16xf32>
    %swap3A_121 = arith.constant 240 : index
    %swap3A_122 = tpu.vector_load %arg6[%swap3A_121] {strides = array<i32>} : memref<640xf32, #tpu.memory_space<vmem>>, vector<16xf32>,
    %swap3A_123 = vector.shape_cast %swap3A_122 : vector<16xf32> to vector<16xf32>
    %swap3A_124 = vector.shape_cast %broadcast_in_dim3A_120 : vector<16xf32> to vector<16xf32>
    tpu.vector_store %arg6[%swap3A_121], %swap3A_124 {strides = array<i32>} : memref<640xf32, #tpu.memory_space<vmem>>, vector<16xf32>,
    %broadcast_in_dim3A_125 = arith.constant 0.000000e+00 : f32
    %broadcast_in_dim3A_126 = vector.broadcast %broadcast_in_dim3A_125 : f32 to vector<16xf32>
    %swap3A_127 = arith.constant 256 : index
    %swap3A_128 = tpu.vector_load %arg6[%swap3A_127] {strides = array<i32>} : memref<640xf32, #tpu.memory_space<vmem>>, vector<16xf32>,
    %swap3A_129 = vector.shape_cast %swap3A_128 : vector<16xf32> to vector<16xf32>
    %swap3A_130 = vector.shape_cast %broadcast_in_dim3A_126 : vector<16xf32> to vector<16xf32>
    tpu.vector_store %arg6[%swap3A_127], %swap3A_130 {strides = array<i32>} : memref<640xf32, #tpu.memory_space<vmem>>, vector<16xf32>,
    %broadcast_in_dim3A_131 = arith.constant 0.000000e+00 : f32
    %broadcast_in_dim3A_132 = vector.broadcast %broadcast_in_dim3A_131 : f32 to vector<16xf32>
    %swap3A_133 = arith.constant 272 : index
    %swap3A_134 = tpu.vector_load %arg6[%swap3A_133] {strides = array<i32>} : memref<640xf32, #tpu.memory_space<vmem>>, vector<16xf32>,
    %swap3A_135 = vector.shape_cast %swap3A_134 : vector<16xf32> to vector<16xf32>
    %swap3A_136 = vector.shape_cast %broadcast_in_dim3A_132 : vector<16xf32> to vector<16xf32>
    tpu.vector_store %arg6[%swap3A_133], %swap3A_136 {strides = array<i32>} : memref<640xf32, #tpu.memory_space<vmem>>, vector<16xf32>,
    %broadcast_in_dim3A_137 = arith.constant 0.000000e+00 : f32
    %broadcast_in_dim3A_138 = vector.broadcast %broadcast_in_dim3A_137 : f32 to vector<16xf32>
    %swap3A_139 = arith.constant 288 : index
    %swap3A_140 = tpu.vector_load %arg6[%swap3A_139] {strides = array<i32>} : memref<640xf32, #tpu.memory_space<vmem>>, vector<16xf32>,
    %swap3A_141 = vector.shape_cast %swap3A_140 : vector<16xf32> to vector<16xf32>
    %swap3A_142 = vector.shape_cast %broadcast_in_dim3A_138 : vector<16xf32> to vector<16xf32>
    tpu.vector_store %arg6[%swap3A_139], %swap3A_142 {strides = array<i32>} : memref<640xf32, #tpu.memory_space<vmem>>, vector<16xf32>,
    %broadcast_in_dim3A_143 = arith.constant 0.000000e+00 : f32
    %broadcast_in_dim3A_144 = vector.broadcast %broadcast_in_dim3A_143 : f32 to vector<16xf32>
    %swap3A_145 = arith.constant 304 : index
    %swap3A_146 = tpu.vector_load %arg6[%swap3A_145] {strides = array<i32>} : memref<640xf32, #tpu.memory_space<vmem>>, vector<16xf32>,
    %swap3A_147 = vector.shape_cast %swap3A_146 : vector<16xf32> to vector<16xf32>
    %swap3A_148 = vector.shape_cast %broadcast_in_dim3A_144 : vector<16xf32> to vector<16xf32>
    tpu.vector_store %arg6[%swap3A_145], %swap3A_148 {strides = array<i32>} : memref<640xf32, #tpu.memory_space<vmem>>, vector<16xf32>,
    %broadcast_in_dim3A_149 = arith.constant 0.000000e+00 : f32
    %broadcast_in_dim3A_150 = vector.broadcast %broadcast_in_dim3A_149 : f32 to vector<16xf32>
    %swap3A_151 = arith.constant 320 : index
    %swap3A_152 = tpu.vector_load %arg6[%swap3A_151] {strides = array<i32>} : memref<640xf32, #tpu.memory_space<vmem>>, vector<16xf32>,
    %swap3A_153 = vector.shape_cast %swap3A_152 : vector<16xf32> to vector<16xf32>
    %swap3A_154 = vector.shape_cast %broadcast_in_dim3A_150 : vector<16xf32> to vector<16xf32>
    tpu.vector_store %arg6[%swap3A_151], %swap3A_154 {strides = array<i32>} : memref<640xf32, #tpu.memory_space<vmem>>, vector<16xf32>,
    %broadcast_in_dim3A_155 = arith.constant 0.000000e+00 : f32
    %broadcast_in_dim3A_156 = vector.broadcast %broadcast_in_dim3A_155 : f32 to vector<16xf32>
    %swap3A_157 = arith.constant 336 : index
    %swap3A_158 = tpu.vector_load %arg6[%swap3A_157] {strides = array<i32>} : memref<640xf32, #tpu.memory_space<vmem>>, vector<16xf32>,
    %swap3A_159 = vector.shape_cast %swap3A_158 : vector<16xf32> to vector<16xf32>
    %swap3A_160 = vector.shape_cast %broadcast_in_dim3A_156 : vector<16xf32> to vector<16xf32>
    tpu.vector_store %arg6[%swap3A_157], %swap3A_160 {strides = array<i32>} : memref<640xf32, #tpu.memory_space<vmem>>, vector<16xf32>,
    %broadcast_in_dim3A_161 = arith.constant 0.000000e+00 : f32
    %broadcast_in_dim3A_162 = vector.broadcast %broadcast_in_dim3A_161 : f32 to vector<16xf32>
    %swap3A_163 = arith.constant 352 : index
    %swap3A_164 = tpu.vector_load %arg6[%swap3A_163] {strides = array<i32>} : memref<640xf32, #tpu.memory_space<vmem>>, vector<16xf32>,
    %swap3A_165 = vector.shape_cast %swap3A_164 : vector<16xf32> to vector<16xf32>
    %swap3A_166 = vector.shape_cast %broadcast_in_dim3A_162 : vector<16xf32> to vector<16xf32>
    tpu.vector_store %arg6[%swap3A_163], %swap3A_166 {strides = array<i32>} : memref<640xf32, #tpu.memory_space<vmem>>, vector<16xf32>,
    %broadcast_in_dim3A_167 = arith.constant 0.000000e+00 : f32
    %broadcast_in_dim3A_168 = vector.broadcast %broadcast_in_dim3A_167 : f32 to vector<16xf32>
    %swap3A_169 = arith.constant 368 : index
    %swap3A_170 = tpu.vector_load %arg6[%swap3A_169] {strides = array<i32>} : memref<640xf32, #tpu.memory_space<vmem>>, vector<16xf32>,
    %swap3A_171 = vector.shape_cast %swap3A_170 : vector<16xf32> to vector<16xf32>
    %swap3A_172 = vector.shape_cast %broadcast_in_dim3A_168 : vector<16xf32> to vector<16xf32>
    tpu.vector_store %arg6[%swap3A_169], %swap3A_172 {strides = array<i32>} : memref<640xf32, #tpu.memory_space<vmem>>, vector<16xf32>,
    %broadcast_in_dim3A_173 = arith.constant 0.000000e+00 : f32
    %broadcast_in_dim3A_174 = vector.broadcast %broadcast_in_dim3A_173 : f32 to vector<16xf32>
    %swap3A_175 = arith.constant 384 : index
    %swap3A_176 = tpu.vector_load %arg6[%swap3A_175] {strides = array<i32>} : memref<640xf32, #tpu.memory_space<vmem>>, vector<16xf32>,
    %swap3A_177 = vector.shape_cast %swap3A_176 : vector<16xf32> to vector<16xf32>
    %swap3A_178 = vector.shape_cast %broadcast_in_dim3A_174 : vector<16xf32> to vector<16xf32>
    tpu.vector_store %arg6[%swap3A_175], %swap3A_178 {strides = array<i32>} : memref<640xf32, #tpu.memory_space<vmem>>, vector<16xf32>,
    %broadcast_in_dim3A_179 = arith.constant 0.000000e+00 : f32
    %broadcast_in_dim3A_180 = vector.broadcast %broadcast_in_dim3A_179 : f32 to vector<16xf32>
    %swap3A_181 = arith.constant 400 : index
    %swap3A_182 = tpu.vector_load %arg6[%swap3A_181] {strides = array<i32>} : memref<640xf32, #tpu.memory_space<vmem>>, vector<16xf32>,
    %swap3A_183 = vector.shape_cast %swap3A_182 : vector<16xf32> to vector<16xf32>
    %swap3A_184 = vector.shape_cast %broadcast_in_dim3A_180 : vector<16xf32> to vector<16xf32>
    tpu.vector_store %arg6[%swap3A_181], %swap3A_184 {strides = array<i32>} : memref<640xf32, #tpu.memory_space<vmem>>, vector<16xf32>,
    %broadcast_in_dim3A_185 = arith.constant 0.000000e+00 : f32
    %broadcast_in_dim3A_186 = vector.broadcast %broadcast_in_dim3A_185 : f32 to vector<16xf32>
    %swap3A_187 = arith.constant 416 : index
    %swap3A_188 = tpu.vector_load %arg6[%swap3A_187] {strides = array<i32>} : memref<640xf32, #tpu.memory_space<vmem>>, vector<16xf32>,
    %swap3A_189 = vector.shape_cast %swap3A_188 : vector<16xf32> to vector<16xf32>
    %swap3A_190 = vector.shape_cast %broadcast_in_dim3A_186 : vector<16xf32> to vector<16xf32>
    tpu.vector_store %arg6[%swap3A_187], %swap3A_190 {strides = array<i32>} : memref<640xf32, #tpu.memory_space<vmem>>, vector<16xf32>,
    %broadcast_in_dim3A_191 = arith.constant 0.000000e+00 : f32
    %broadcast_in_dim3A_192 = vector.broadcast %broadcast_in_dim3A_191 : f32 to vector<16xf32>
    %swap3A_193 = arith.constant 432 : index
    %swap3A_194 = tpu.vector_load %arg6[%swap3A_193] {strides = array<i32>} : memref<640xf32, #tpu.memory_space<vmem>>, vector<16xf32>,
    %swap3A_195 = vector.shape_cast %swap3A_194 : vector<16xf32> to vector<16xf32>
    %swap3A_196 = vector.shape_cast %broadcast_in_dim3A_192 : vector<16xf32> to vector<16xf32>
    tpu.vector_store %arg6[%swap3A_193], %swap3A_196 {strides = array<i32>} : memref<640xf32, #tpu.memory_space<vmem>>, vector<16xf32>,
    %broadcast_in_dim3A_197 = arith.constant 0.000000e+00 : f32
    %broadcast_in_dim3A_198 = vector.broadcast %broadcast_in_dim3A_197 : f32 to vector<16xf32>
    %swap3A_199 = arith.constant 448 : index
    %swap3A_200 = tpu.vector_load %arg6[%swap3A_199] {strides = array<i32>} : memref<640xf32, #tpu.memory_space<vmem>>, vector<16xf32>,
    %swap3A_201 = vector.shape_cast %swap3A_200 : vector<16xf32> to vector<16xf32>
    %swap3A_202 = vector.shape_cast %broadcast_in_dim3A_198 : vector<16xf32> to vector<16xf32>
    tpu.vector_store %arg6[%swap3A_199], %swap3A_202 {strides = array<i32>} : memref<640xf32, #tpu.memory_space<vmem>>, vector<16xf32>,
    %broadcast_in_dim3A_203 = arith.constant 0.000000e+00 : f32
    %broadcast_in_dim3A_204 = vector.broadcast %broadcast_in_dim3A_203 : f32 to vector<16xf32>
    %swap3A_205 = arith.constant 464 : index
    %swap3A_206 = tpu.vector_load %arg6[%swap3A_205] {strides = array<i32>} : memref<640xf32, #tpu.memory_space<vmem>>, vector<16xf32>,
    %swap3A_207 = vector.shape_cast %swap3A_206 : vector<16xf32> to vector<16xf32>
    %swap3A_208 = vector.shape_cast %broadcast_in_dim3A_204 : vector<16xf32> to vector<16xf32>
    tpu.vector_store %arg6[%swap3A_205], %swap3A_208 {strides = array<i32>} : memref<640xf32, #tpu.memory_space<vmem>>, vector<16xf32>,
    %broadcast_in_dim3A_209 = arith.constant 0.000000e+00 : f32
    %broadcast_in_dim3A_210 = vector.broadcast %broadcast_in_dim3A_209 : f32 to vector<16xf32>
    %swap3A_211 = arith.constant 480 : index
    %swap3A_212 = tpu.vector_load %arg6[%swap3A_211] {strides = array<i32>} : memref<640xf32, #tpu.memory_space<vmem>>, vector<16xf32>,
    %swap3A_213 = vector.shape_cast %swap3A_212 : vector<16xf32> to vector<16xf32>
    %swap3A_214 = vector.shape_cast %broadcast_in_dim3A_210 : vector<16xf32> to vector<16xf32>
    tpu.vector_store %arg6[%swap3A_211], %swap3A_214 {strides = array<i32>} : memref<640xf32, #tpu.memory_space<vmem>>, vector<16xf32>,
    %broadcast_in_dim3A_215 = arith.constant 0.000000e+00 : f32
    %broadcast_in_dim3A_216 = vector.broadcast %broadcast_in_dim3A_215 : f32 to vector<16xf32>
    %swap3A_217 = arith.constant 496 : index
    %swap3A_218 = tpu.vector_load %arg6[%swap3A_217] {strides = array<i32>} : memref<640xf32, #tpu.memory_space<vmem>>, vector<16xf32>,
    %swap3A_219 = vector.shape_cast %swap3A_218 : vector<16xf32> to vector<16xf32>
    %swap3A_220 = vector.shape_cast %broadcast_in_dim3A_216 : vector<16xf32> to vector<16xf32>
    tpu.vector_store %arg6[%swap3A_217], %swap3A_220 {strides = array<i32>} : memref<640xf32, #tpu.memory_space<vmem>>, vector<16xf32>,
    %broadcast_in_dim3A_221 = arith.constant 0.000000e+00 : f32
    %broadcast_in_dim3A_222 = vector.broadcast %broadcast_in_dim3A_221 : f32 to vector<16xf32>
    %swap3A_223 = arith.constant 512 : index
    %swap3A_224 = tpu.vector_load %arg6[%swap3A_223] {strides = array<i32>} : memref<640xf32, #tpu.memory_space<vmem>>, vector<16xf32>,
    %swap3A_225 = vector.shape_cast %swap3A_224 : vector<16xf32> to vector<16xf32>
    %swap3A_226 = vector.shape_cast %broadcast_in_dim3A_222 : vector<16xf32> to vector<16xf32>
    tpu.vector_store %arg6[%swap3A_223], %swap3A_226 {strides = array<i32>} : memref<640xf32, #tpu.memory_space<vmem>>, vector<16xf32>,
    %broadcast_in_dim3A_227 = arith.constant 0.000000e+00 : f32
    %broadcast_in_dim3A_228 = vector.broadcast %broadcast_in_dim3A_227 : f32 to vector<16xf32>
    %swap3A_229 = arith.constant 528 : index
    %swap3A_230 = tpu.vector_load %arg6[%swap3A_229] {strides = array<i32>} : memref<640xf32, #tpu.memory_space<vmem>>, vector<16xf32>,
    %swap3A_231 = vector.shape_cast %swap3A_230 : vector<16xf32> to vector<16xf32>
    %swap3A_232 = vector.shape_cast %broadcast_in_dim3A_228 : vector<16xf32> to vector<16xf32>
    tpu.vector_store %arg6[%swap3A_229], %swap3A_232 {strides = array<i32>} : memref<640xf32, #tpu.memory_space<vmem>>, vector<16xf32>,
    %broadcast_in_dim3A_233 = arith.constant 0.000000e+00 : f32
    %broadcast_in_dim3A_234 = vector.broadcast %broadcast_in_dim3A_233 : f32 to vector<16xf32>
    %swap3A_235 = arith.constant 544 : index
    %swap3A_236 = tpu.vector_load %arg6[%swap3A_235] {strides = array<i32>} : memref<640xf32, #tpu.memory_space<vmem>>, vector<16xf32>,
    %swap3A_237 = vector.shape_cast %swap3A_236 : vector<16xf32> to vector<16xf32>
    %swap3A_238 = vector.shape_cast %broadcast_in_dim3A_234 : vector<16xf32> to vector<16xf32>
    tpu.vector_store %arg6[%swap3A_235], %swap3A_238 {strides = array<i32>} : memref<640xf32, #tpu.memory_space<vmem>>, vector<16xf32>,
    %broadcast_in_dim3A_239 = arith.constant 0.000000e+00 : f32
    %broadcast_in_dim3A_240 = vector.broadcast %broadcast_in_dim3A_239 : f32 to vector<16xf32>
    %swap3A_241 = arith.constant 560 : index
    %swap3A_242 = tpu.vector_load %arg6[%swap3A_241] {strides = array<i32>} : memref<640xf32, #tpu.memory_space<vmem>>, vector<16xf32>,
    %swap3A_243 = vector.shape_cast %swap3A_242 : vector<16xf32> to vector<16xf32>
    %swap3A_244 = vector.shape_cast %broadcast_in_dim3A_240 : vector<16xf32> to vector<16xf32>
    tpu.vector_store %arg6[%swap3A_241], %swap3A_244 {strides = array<i32>} : memref<640xf32, #tpu.memory_space<vmem>>, vector<16xf32>,
    %broadcast_in_dim3A_245 = arith.constant 0.000000e+00 : f32
    %broadcast_in_dim3A_246 = vector.broadcast %broadcast_in_dim3A_245 : f32 to vector<16xf32>
    %swap3A_247 = arith.constant 576 : index
    %swap3A_248 = tpu.vector_load %arg6[%swap3A_247] {strides = array<i32>} : memref<640xf32, #tpu.memory_space<vmem>>, vector<16xf32>,
    %swap3A_249 = vector.shape_cast %swap3A_248 : vector<16xf32> to vector<16xf32>
    %swap3A_250 = vector.shape_cast %broadcast_in_dim3A_246 : vector<16xf32> to vector<16xf32>
    tpu.vector_store %arg6[%swap3A_247], %swap3A_250 {strides = array<i32>} : memref<640xf32, #tpu.memory_space<vmem>>, vector<16xf32>,
    %broadcast_in_dim3A_251 = arith.constant 0.000000e+00 : f32
    %broadcast_in_dim3A_252 = vector.broadcast %broadcast_in_dim3A_251 : f32 to vector<16xf32>
    %swap3A_253 = arith.constant 592 : index
    %swap3A_254 = tpu.vector_load %arg6[%swap3A_253] {strides = array<i32>} : memref<640xf32, #tpu.memory_space<vmem>>, vector<16xf32>,
    %swap3A_255 = vector.shape_cast %swap3A_254 : vector<16xf32> to vector<16xf32>
    %swap3A_256 = vector.shape_cast %broadcast_in_dim3A_252 : vector<16xf32> to vector<16xf32>
    tpu.vector_store %arg6[%swap3A_253], %swap3A_256 {strides = array<i32>} : memref<640xf32, #tpu.memory_space<vmem>>, vector<16xf32>,
    %broadcast_in_dim3A_257 = arith.constant 0.000000e+00 : f32
    %broadcast_in_dim3A_258 = vector.broadcast %broadcast_in_dim3A_257 : f32 to vector<16xf32>
    %swap3A_259 = arith.constant 608 : index
    %swap3A_260 = tpu.vector_load %arg6[%swap3A_259] {strides = array<i32>} : memref<640xf32, #tpu.memory_space<vmem>>, vector<16xf32>,
    %swap3A_261 = vector.shape_cast %swap3A_260 : vector<16xf32> to vector<16xf32>
    %swap3A_262 = vector.shape_cast %broadcast_in_dim3A_258 : vector<16xf32> to vector<16xf32>
    tpu.vector_store %arg6[%swap3A_259], %swap3A_262 {strides = array<i32>} : memref<640xf32, #tpu.memory_space<vmem>>, vector<16xf32>,
    %broadcast_in_dim3A_263 = arith.constant 0.000000e+00 : f32
    %broadcast_in_dim3A_264 = vector.broadcast %broadcast_in_dim3A_263 : f32 to vector<16xf32>
    %swap3A_265 = arith.constant 624 : index
    %swap3A_266 = tpu.vector_load %arg6[%swap3A_265] {strides = array<i32>} : memref<640xf32, #tpu.memory_space<vmem>>, vector<16xf32>,
    %swap3A_267 = vector.shape_cast %swap3A_266 : vector<16xf32> to vector<16xf32>
    %swap3A_268 = vector.shape_cast %broadcast_in_dim3A_264 : vector<16xf32> to vector<16xf32>
    tpu.vector_store %arg6[%swap3A_265], %swap3A_268 {strides = array<i32>} : memref<640xf32, #tpu.memory_space<vmem>>, vector<16xf32>,
    %mul3A_269 = arith.constant 640 : i32
    %mul3A_270 = arith.muli %arg1, %mul3A_269 : i32
    %multiple_of3A = tpu.assume_multiple %mul3A_270, 8 : i32
    "tpu.region"() ({
      %run_scoped3A = tpu.sem_alloc : memref<!tpu.dma_semaphore, #tpu.memory_space<semaphore_mem>>
      %dma_start3A = tpu.memref_slice %arg7[%multiple_of3A] : memref<10240xf32, #tpu.memory_space<vmem_shared>> -> memref<640xf32, #tpu.memory_space<vmem_shared>>
      %dma_start3A_283 = tpu.memref_slice %arg7[%multiple_of3A] : memref<10240xf32, #tpu.memory_space<vmem_shared>> -> memref<640xf32, #tpu.memory_space<vmem_shared>>
      tpu.enqueue_dma source(%arg6 : memref<640xf32, #tpu.memory_space<vmem>>) target(%dma_start3A_283 : memref<640xf32, #tpu.memory_space<vmem_shared>>) target_semaphore(%run_scoped3A : memref<!tpu.dma_semaphore, #tpu.memory_space<semaphore_mem>>)
      %dma_wait3A = tpu.memref_slice %arg7[%multiple_of3A] : memref<10240xf32, #tpu.memory_space<vmem_shared>> -> memref<640xf32, #tpu.memory_space<vmem_shared>>
      %dma_wait3A_284 = tpu.memref_slice %arg7[%multiple_of3A] : memref<10240xf32, #tpu.memory_space<vmem_shared>> -> memref<640xf32, #tpu.memory_space<vmem_shared>>
      tpu.wait_dma2 semaphore(%run_scoped3A : memref<!tpu.dma_semaphore, #tpu.memory_space<semaphore_mem>>) src(%arg6 : memref<640xf32, #tpu.memory_space<vmem>>) dst(%dma_wait3A_284 : memref<640xf32, #tpu.memory_space<vmem_shared>>)
      tpu.yield
    }) : () -> ()
    %barrier3A = arith.constant 0 : index
    tpu.barrier barrier_id(%barrier3A)
    "tpu.region"() ({
      %run_scoped3A = tpu.sem_alloc : memref<!tpu.dma_semaphore, #tpu.memory_space<semaphore_mem>>
      %dma_start3A = arith.constant 0 : i32
      %dma_start3A_283 = arith.constant 0 : i32
      %dma_start3A_284 = tpu.memref_slice %arg2[%add3A, %dma_start3A, %dma_start3A_283] : memref<32x125x80xi32, #tpu.memory_space<hbm>> -> memref<1x125x80xi32, #tpu.memory_space<hbm>>
      %dma_start3A_285 = tpu.memref_squeeze %dma_start3A_284 : memref<1x125x80xi32, #tpu.memory_space<hbm>> -> memref<125x80xi32, #tpu.memory_space<hbm>>
      %dma_start3A_286 = arith.constant 0 : i32
      %dma_start3A_287 = arith.constant 0 : i32
      %dma_start3A_288 = tpu.memref_slice %arg2[%add3A, %dma_start3A_286, %dma_start3A_287] : memref<32x125x80xi32, #tpu.memory_space<hbm>> -> memref<1x125x80xi32, #tpu.memory_space<hbm>>
      %dma_start3A_289 = tpu.memref_squeeze %dma_start3A_288 : memref<1x125x80xi32, #tpu.memory_space<hbm>> -> memref<125x80xi32, #tpu.memory_space<hbm>>
      tpu.enqueue_dma source(%dma_start3A_289 : memref<125x80xi32, #tpu.memory_space<hbm>>) target(%arg4 : memref<125x80xi32, #tpu.memory_space<vmem>>) target_semaphore(%run_scoped3A : memref<!tpu.dma_semaphore, #tpu.memory_space<semaphore_mem>>)
      %dma_wait3A = arith.constant 0 : i32
      %dma_wait3A_290 = arith.constant 0 : i32
      %dma_wait3A_291 = tpu.memref_slice %arg2[%add3A, %dma_wait3A, %dma_wait3A_290] : memref<32x125x80xi32, #tpu.memory_space<hbm>> -> memref<1x125x80xi32, #tpu.memory_space<hbm>>
      %dma_wait3A_292 = tpu.memref_squeeze %dma_wait3A_291 : memref<1x125x80xi32, #tpu.memory_space<hbm>> -> memref<125x80xi32, #tpu.memory_space<hbm>>
      %dma_wait3A_293 = arith.constant 0 : i32
      %dma_wait3A_294 = arith.constant 0 : i32
      %dma_wait3A_295 = tpu.memref_slice %arg2[%add3A, %dma_wait3A_293, %dma_wait3A_294] : memref<32x125x80xi32, #tpu.memory_space<hbm>> -> memref<1x125x80xi32, #tpu.memory_space<hbm>>
      %dma_wait3A_296 = tpu.memref_squeeze %dma_wait3A_295 : memref<1x125x80xi32, #tpu.memory_space<hbm>> -> memref<125x80xi32, #tpu.memory_space<hbm>>
      tpu.wait_dma2 semaphore(%run_scoped3A : memref<!tpu.dma_semaphore, #tpu.memory_space<semaphore_mem>>) src(%dma_wait3A_296 : memref<125x80xi32, #tpu.memory_space<hbm>>) dst(%arg4 : memref<125x80xi32, #tpu.memory_space<vmem>>)
      tpu.yield
    }) : () -> ()
    %scan3A = arith.constant 0 : i32
    %scan3A_271 = arith.constant 0 : i32
    %scan3A_272 = arith.constant 125 : i32
    %scan3A_273 = arith.addi %scan3A_271, %scan3A_272 : i32
    %scan3A_274 = arith.constant 1 : i32
    scf.for %scan3A_283 = %scan3A_271 to %scan3A_273 step %scan3A_274  : i32 {
      %dma_start3A = arith.constant 0 : i32
      %dma_start3A_284 = tpu.memref_slice %arg4[%scan3A_283, %dma_start3A] : memref<125x80xi32, #tpu.memory_space<vmem>> -> memref<1x80xi32, #tpu.memory_space<vmem>>
      %dma_start3A_285 = tpu.memref_squeeze %dma_start3A_284 : memref<1x80xi32, #tpu.memory_space<vmem>> -> memref<80xi32, #tpu.memory_space<vmem>>
      %dma_start3A_286 = arith.constant 0 : i32
      %dma_start3A_287 = tpu.memref_slice %arg7[%dma_start3A_286] : memref<10240xf32, #tpu.memory_space<vmem_shared>> -> memref<10240xf32, #tpu.memory_space<vmem_shared>>
      tpu.enqueue_indirect_dma source(%arg5 : memref<80xf32, #tpu.memory_space<vmem>>) target(%dma_start3A_287 : memref<10240xf32, #tpu.memory_space<vmem_shared>>) offsets(%dma_start3A_285 : memref<80xi32, #tpu.memory_space<vmem>>) semaphore(%arg8 : memref<!tpu.dma_semaphore, #tpu.memory_space<semaphore_mem>>) {add = true}
      %ge3A = arith.constant 16 : i32
      %ge3A_288 = arith.cmpi sge, %scan3A_283, %ge3A : i32
      %convert_element_type3A = arith.extui %ge3A_288 : i1 to i32
      %cond3A = arith.constant 0 : i32
      %cond3A_289 = arith.cmpi ne, %convert_element_type3A, %cond3A : i32
      scf.if %cond3A_289 {
        %sub3A = arith.constant 16 : i32
        %sub3A_290 = arith.subi %scan3A_283, %sub3A : i32
        %dma_wait3A = arith.constant 0 : i32
        %dma_wait3A_291 = tpu.memref_slice %arg4[%sub3A_290, %dma_wait3A] : memref<125x80xi32, #tpu.memory_space<vmem>> -> memref<1x80xi32, #tpu.memory_space<vmem>>
        %dma_wait3A_292 = tpu.memref_squeeze %dma_wait3A_291 : memref<1x80xi32, #tpu.memory_space<vmem>> -> memref<80xi32, #tpu.memory_space<vmem>>
        %dma_wait3A_293 = arith.constant 0 : i32
        %dma_wait3A_294 = tpu.memref_slice %arg7[%dma_wait3A_293] : memref<10240xf32, #tpu.memory_space<vmem_shared>> -> memref<10240xf32, #tpu.memory_space<vmem_shared>>
        tpu.wait_indirect_dma semaphore(%arg8 : memref<!tpu.dma_semaphore, #tpu.memory_space<semaphore_mem>>) src(%arg5 : memref<80xf32, #tpu.memory_space<vmem>>) dst(%dma_wait3A_294 : memref<10240xf32, #tpu.memory_space<vmem_shared>>)
      } else {
      }
    }
    %scan3A_275 = arith.constant 125 : i32
    %scan3A_276 = arith.constant 0 : i32
    %scan3A_277 = arith.constant 109 : i32
    %scan3A_278 = arith.constant 16 : i32
    %scan3A_279 = arith.addi %scan3A_277, %scan3A_278 : i32
    %scan3A_280 = arith.constant 1 : i32
    scf.for %scan3A_283 = %scan3A_277 to %scan3A_279 step %scan3A_280  : i32 {
      %dma_wait3A = arith.constant 0 : i32
      %dma_wait3A_284 = tpu.memref_slice %arg4[%scan3A_283, %dma_wait3A] : memref<125x80xi32, #tpu.memory_space<vmem>> -> memref<1x80xi32, #tpu.memory_space<vmem>>
      %dma_wait3A_285 = tpu.memref_squeeze %dma_wait3A_284 : memref<1x80xi32, #tpu.memory_space<vmem>> -> memref<80xi32, #tpu.memory_space<vmem>>
      %dma_wait3A_286 = arith.constant 0 : i32
      %dma_wait3A_287 = tpu.memref_slice %arg7[%dma_wait3A_286] : memref<10240xf32, #tpu.memory_space<vmem_shared>> -> memref<10240xf32, #tpu.memory_space<vmem_shared>>
      tpu.wait_indirect_dma semaphore(%arg8 : memref<!tpu.dma_semaphore, #tpu.memory_space<semaphore_mem>>) src(%arg5 : memref<80xf32, #tpu.memory_space<vmem>>) dst(%dma_wait3A_287 : memref<10240xf32, #tpu.memory_space<vmem_shared>>)
    }
    %scan3A_281 = arith.constant 16 : i32
    %barrier3A_282 = arith.constant 0 : index
    tpu.barrier barrier_id(%barrier3A_282)
    "tpu.region"() ({
      %run_scoped3A = tpu.sem_alloc : memref<!tpu.dma_semaphore, #tpu.memory_space<semaphore_mem>>
      %dma_start3A = tpu.memref_slice %arg3[%arg0, %multiple_of3A] : memref<2x10240xf32, #tpu.memory_space<hbm>> -> memref<1x640xf32, #tpu.memory_space<hbm>>
      %dma_start3A_283 = tpu.memref_squeeze %dma_start3A : memref<1x640xf32, #tpu.memory_space<hbm>> -> memref<640xf32, #tpu.memory_space<hbm>>
      %dma_start3A_284 = tpu.memref_slice %arg7[%multiple_of3A] : memref<10240xf32, #tpu.memory_space<vmem_shared>> -> memref<640xf32, #tpu.memory_space<vmem_shared>>
      tpu.enqueue_dma source(%dma_start3A_284 : memref<640xf32, #tpu.memory_space<vmem_shared>>) target(%dma_start3A_283 : memref<640xf32, #tpu.memory_space<hbm>>) target_semaphore(%run_scoped3A : memref<!tpu.dma_semaphore, #tpu.memory_space<semaphore_mem>>)
      %dma_wait3A = tpu.memref_slice %arg3[%arg0, %multiple_of3A] : memref<2x10240xf32, #tpu.memory_space<hbm>> -> memref<1x640xf32, #tpu.memory_space<hbm>>
      %dma_wait3A_285 = tpu.memref_squeeze %dma_wait3A : memref<1x640xf32, #tpu.memory_space<hbm>> -> memref<640xf32, #tpu.memory_space<hbm>>
      %dma_wait3A_286 = tpu.memref_slice %arg7[%multiple_of3A] : memref<10240xf32, #tpu.memory_space<vmem_shared>> -> memref<640xf32, #tpu.memory_space<vmem_shared>>
      tpu.wait_dma2 semaphore(%run_scoped3A : memref<!tpu.dma_semaphore, #tpu.memory_space<semaphore_mem>>) src(%dma_wait3A_286 : memref<640xf32, #tpu.memory_space<vmem_shared>>) dst(%dma_wait3A_285 : memref<640xf32, #tpu.memory_space<hbm>>)
      tpu.yield
    }) : () -> ()
    return
  }
}

module attributes {stable_mosaic.version = 14 : i64} {
  func.func @body(%arg0: memref<10000x128xf32, #tpu.memory_space<vmem>>, %arg1: memref<128x128xf32, #tpu.memory_space<vmem>>, %arg2: memref<10000x128xf32, #tpu.memory_space<vmem>>) attributes {dimension_semantics = [], scalar_prefetch = 0 : i64, scratch_operands = 0 : i64, tpu.core_type = #tpu.core_type<tc>} {
    %get3A = arith.constant 0 : index
    %get3A_0 = arith.constant 0 : index
    %get3A_1 = vector.load %arg0[%get3A, %get3A_0] : memref<10000x128xf32, #tpu.memory_space<vmem>>, vector<10000x128xf32>
    %get3A_2 = arith.constant 0 : index
    %get3A_3 = arith.constant 0 : index
    %get3A_4 = vector.load %arg1[%get3A_2, %get3A_3] : memref<128x128xf32, #tpu.memory_space<vmem>>, vector<128x128xf32>
    %dot_general3A = arith.constant dense<0.000000e+00> : vector<10000x128xf32>
    %dot_general3A_5 = tpu.matmul %get3A_1, %get3A_4, %dot_general3A {dimension_numbers = #tpu.dot_dimension_numbers<[1], [1], [0], [0], [0, 0, 1, 0], [], []>, transpose_lhs_hint = false} : vector<10000x128xf32>, vector<128x128xf32>, vector<10000x128xf32> -> vector<10000x128xf32>
    %swap3A = arith.constant 0 : index
    %swap3A_6 = arith.constant 0 : index
    %swap3A_7 = vector.load %arg2[%swap3A, %swap3A_6] : memref<10000x128xf32, #tpu.memory_space<vmem>>, vector<10000x128xf32>
    tpu.vector_store %arg2[%swap3A, %swap3A_6], %dot_general3A_5 {strides = array<i32>} : memref<10000x128xf32, #tpu.memory_space<vmem>>, vector<10000x128xf32>,
    return
  }
}

module attributes {stable_mosaic.version = 14 : i64} {
  func.func @body(%arg0: memref<10000x128xf32, #tpu.memory_space<vmem>>, %arg1: memref<10000x2xf32, #tpu.memory_space<vmem>>, %arg2: memref<10000x128xf32, #tpu.memory_space<vmem>>) attributes {dimension_semantics = [], scalar_prefetch = 0 : i64, scratch_operands = 0 : i64, tpu.core_type = #tpu.core_type<tc>} {
    %get3A = arith.constant 0 : index
    %get3A_0 = arith.constant 0 : index
    %get3A_1 = vector.load %arg1[%get3A, %get3A_0] : memref<10000x2xf32, #tpu.memory_space<vmem>>, vector<10000x2xf32>
    %reduce_sum3A = arith.constant dense<0.000000e+00> : vector<10000xf32>
    %reduce_sum3A_2 = vector.multi_reduction <add>, %get3A_1, %reduce_sum3A [1] : vector<10000x2xf32> to vector<10000xf32>
    %broadcast_in_dim3A = vector.shape_cast %reduce_sum3A_2 : vector<10000xf32> to vector<10000x1xf32>
    %add3A = arith.constant 1.000000e+00 : f32
    %add3A_3 = vector.broadcast %add3A : f32 to vector<10000x1xf32>
    %add3A_4 = arith.addf %broadcast_in_dim3A, %add3A_3 : vector<10000x1xf32>
    %get3A_5 = arith.constant 0 : index
    %get3A_6 = arith.constant 0 : index
    %get3A_7 = vector.load %arg0[%get3A_5, %get3A_6] : memref<10000x128xf32, #tpu.memory_space<vmem>>, vector<10000x128xf32>
    %rsqrt3A = math.rsqrt %add3A_4 : vector<10000x1xf32>
    %mul3A = vector.broadcast %rsqrt3A : vector<10000x1xf32> to vector<10000x128xf32>
    %mul3A_8 = arith.mulf %get3A_7, %mul3A : vector<10000x128xf32>
    %swap3A = arith.constant 0 : index
    %swap3A_9 = arith.constant 0 : index
    %swap3A_10 = vector.load %arg2[%swap3A, %swap3A_9] : memref<10000x128xf32, #tpu.memory_space<vmem>>, vector<10000x128xf32>
    tpu.vector_store %arg2[%swap3A, %swap3A_9], %mul3A_8 {strides = array<i32>} : memref<10000x128xf32, #tpu.memory_space<vmem>>, vector<10000x128xf32>,
    return
  }
}

module attributes {stable_mosaic.version = 14 : i64} {
  func.func @body(%arg0: memref<10000x128xf32, #tpu.memory_space<vmem>>, %arg1: memref<10000x128xf32, #tpu.memory_space<vmem>>, %arg2: memref<10000x128xf32, #tpu.memory_space<vmem>>, %arg3: memref<10000x2xf32, #tpu.memory_space<vmem>>, %arg4: memref<1x128xf32, #tpu.memory_space<vmem>>, %arg5: memref<10000x128xf32, #tpu.memory_space<vmem>>) attributes {dimension_semantics = [], scalar_prefetch = 0 : i64, scratch_operands = 0 : i64, tpu.core_type = #tpu.core_type<tc>} {
    %get3A = arith.constant 0 : index
    %get3A_0 = arith.constant 0 : index
    %get3A_1 = vector.load %arg3[%get3A, %get3A_0] : memref<10000x2xf32, #tpu.memory_space<vmem>>, vector<10000x2xf32>
    %reduce_sum3A = arith.constant dense<0.000000e+00> : vector<10000xf32>
    %reduce_sum3A_2 = vector.multi_reduction <add>, %get3A_1, %reduce_sum3A [1] : vector<10000x2xf32> to vector<10000xf32>
    %broadcast_in_dim3A = vector.shape_cast %reduce_sum3A_2 : vector<10000xf32> to vector<10000x1xf32>
    %add3A = arith.constant 1.000000e+00 : f32
    %add3A_3 = vector.broadcast %add3A : f32 to vector<10000x1xf32>
    %add3A_4 = arith.addf %broadcast_in_dim3A, %add3A_3 : vector<10000x1xf32>
    %rsqrt3A = math.rsqrt %add3A_4 : vector<10000x1xf32>
    %get3A_5 = arith.constant 0 : index
    %get3A_6 = arith.constant 0 : index
    %get3A_7 = vector.load %arg0[%get3A_5, %get3A_6] : memref<10000x128xf32, #tpu.memory_space<vmem>>, vector<10000x128xf32>
    %get3A_8 = arith.constant 0 : index
    %get3A_9 = arith.constant 0 : index
    %get3A_10 = vector.load %arg1[%get3A_8, %get3A_9] : memref<10000x128xf32, #tpu.memory_space<vmem>>, vector<10000x128xf32>
    %add3A_11 = arith.addf %get3A_7, %get3A_10 : vector<10000x128xf32>
    %get3A_12 = arith.constant 0 : index
    %get3A_13 = arith.constant 0 : index
    %get3A_14 = vector.load %arg2[%get3A_12, %get3A_13] : memref<10000x128xf32, #tpu.memory_space<vmem>>, vector<10000x128xf32>
    %add3A_15 = arith.addf %add3A_11, %get3A_14 : vector<10000x128xf32>
    %mul3A = vector.broadcast %rsqrt3A : vector<10000x1xf32> to vector<10000x128xf32>
    %mul3A_16 = arith.mulf %mul3A, %add3A_15 : vector<10000x128xf32>
    %get3A_17 = arith.constant 0 : index
    %get3A_18 = arith.constant 0 : index
    %get3A_19 = vector.load %arg4[%get3A_17, %get3A_18] : memref<1x128xf32, #tpu.memory_space<vmem>>, vector<1x128xf32>
    %add3A_20 = vector.broadcast %get3A_19 : vector<1x128xf32> to vector<10000x128xf32>
    %add3A_21 = arith.addf %mul3A_16, %add3A_20 : vector<10000x128xf32>
    %swap3A = arith.constant 0 : index
    %swap3A_22 = arith.constant 0 : index
    %swap3A_23 = vector.load %arg5[%swap3A, %swap3A_22] : memref<10000x128xf32, #tpu.memory_space<vmem>>, vector<10000x128xf32>
    tpu.vector_store %arg5[%swap3A, %swap3A_22], %add3A_21 {strides = array<i32>} : memref<10000x128xf32, #tpu.memory_space<vmem>>, vector<10000x128xf32>,
    return
  }
}

</mosaic_0001>

<sc_bundles>
// kernel: kernel.10.cloned.1.call-start
scs
__scs_entry_jumppad:
0x0: {  	(pc) =	sbr.rel $0x88, $3  }
0x1: {  	(tag) =	ssettag $0x0;
	lr =	simm.s32 $0x1  }
0x2: {  	[smem:$0x3F9D] =	sst lr;
	_ =	strace $0xD0000000  }
0x3: {  	_ = 	snop  }
0x4: {  	_ = 	snop  }
0x5: {  	_ = 	snop  }
0x6: {  	_ = 	snop  }
0x7: {  	_ = 	snop  }
__scs_overlays_trampoline_lowered:
0x8: {  	[smem:$0x3FAC] =	sst s0  }
0x9: {  	[smem:$0x3FAD] =	sst s1  }
0xa: {  	[smem:$0x3FAE] =	sst s2  }
0xb: {  	[smem:$0x3FAF] =	sst s3  }
0xc: {  	[smem:$0x3FB0] =	sst s4  }
0xd: {  	[smem:$0x3FB1] =	sst s5  }
0xe: {  	[smem:$0x3FB2] =	sst s6  }
0xf: {  	[smem:$0x3FB3] =	sst s7  }
0x10: {  	[smem:$0x3FB4] =	sst s8  }
0x11: {  	[smem:$0x3FB5] =	sst s9;
	s0 =	simm.s32 @!p0 $0x0  }
0x12: {  	s1 =	sld [smem:$0x3F9B];
	s0 =	simm.s32 @p0 $0x1  }
0x13: {  	[smem:$0x3FB6] =	sst s0;
	s0 =	simm.s32 @!p1 $0x0  }
0x14: {  	s2 =	sld [smem:$0x3F9A];
	s0 =	simm.s32 @p1 $0x1  }
0x15: {  	[smem:$0x3FB7] =	sst s0;
	s0 =	simm.s32 @!p2 $0x0  }
0x16: {  	s3 =	sld [smem:$0x3FDB];
	s0 =	simm.s32 @p2 $0x1  }
0x17: {  	s4 =	simm.s32 $0x1BF5;
	[smem:$0x3FB9] =	sst s0  }
0x18: {  	s0 =	sld [smem:$0x3F9C];
	_ =	swait.ge [sflag:s4], $0x0  }
0x19: {  	s7 =	sld [smem:$0x3F9D]  }
0x1a: {  	s8 =	sadd.s32 $0xFFFFE003, lr  }
0x1b: {  	s9 =	sadd.s32 $0xFFFFFEF7, lr;
	s5 =	simm.s32 $0xFFFFFFFF;
	p2 =	slt.u32 s8, $0xFFFFF086  }
0x1c: {  	p1 =	slt.u32 s9, $0xF7A;
	s5 =	simm.s32 @!p2 $0x0  }
0x1d: {  	s5 =	simm.s32 @p1 $0x1;
	p0 =	seq.s32 s7, s2  }
0x1e: {  	s7 =	smul.u32 @!p0 $0xF7A, s2;
	p2 =	seq.s32 @!p0 s5, $0x0  }
0x1f: {  	s9 =	smul.u32 $0xF7A, s1;
	s8 =	simm.s32 @!p0 $0x1BF5;
	p2 =	por !p2, p0  }
0x20: {  	[sflag:s8] =	ssyncset.s32 @!p0 $0xFFFFF086;
	s6 =	sadd.s32 @!p0 s3, s7;
	s7 =	simm.s32 @!p0 $0x108  }
0x21: {  	s3 =	sadd.s32 s3, s9;
	s6 =	sadd.s32 @!p0 $0x88, s6;
	s7 =	simm.s32 @p2 $0x1082  }
0x22: {  	[simem:s7], [sflag:s8] =	dma.local @!p0 [hbm:s6], $0xF7A  }
0x23: {  	s9 =	sor.u32 $0xD0000000, s2;
	s6 =	simm.s32 $0x108;
	_ =	swait.ge @!p0 [sflag:s8], $0x0  }
0x24: {  	s3 =	sadd.s32 $0x88, s3;
	s6 =	simm.s32 @!p1 $0x1082;
	[sflag:s4] =	ssyncset.s32 $0xFFFFF086  }
0x25: {  	[simem:s6], [sflag:s4] =	dma.local [hbm:s3], $0xF7A  }
0x26: {  	[smem:$0x3F9D] =	sst s1;
	(tag) =	ssettag s2;
	_ =	strace s9  }
0x27: {  	s1 =	sld [smem:$0x3FAD]  }
0x28: {  	s2 =	sld [smem:$0x3FAE]  }
0x29: {  	s4 =	sld [smem:$0x3FB0]  }
0x2a: {  	p0 =	seq.s32 s5, $0x0;
	s5 =	sld [smem:$0x3FB1]  }
0x2b: {  	s6 =	sld [smem:$0x3FB2]  }
0x2c: {  	s7 =	sld [smem:$0x3FB3]  }
0x2d: {  	s3 =	simm.s32 $0x108;
	s8 =	sld [smem:$0x3FB4]  }
0x2e: {  	s3 =	simm.s32 @!p0 $0x1082;
	s9 =	sld [smem:$0x3FB5]  }
0x2f: {  	lr =	sadd.s32 s0, s3;
	s0 =	sld [smem:$0x3FAC]  }
0x30: {  	s3 =	sld [smem:$0x3FAF]  }
0x31: {  	[smem:$0x3FB8] =	sst s10  }
0x32: {  	s10 =	sld [smem:$0x3FB6];
	_ =	sdelay $0x3  }
0x33: {  	p0 =	seq.s32 s10, $0x1;
	s10 =	sld [smem:$0x3FB8];
	_ =	sdelay $0x3  }
0x34: {  	[smem:$0x3FB8] =	sst s10  }
0x35: {  	s10 =	sld [smem:$0x3FB7];
	_ =	sdelay $0x3  }
0x36: {  	p1 =	seq.s32 s10, $0x1;
	s10 =	sld [smem:$0x3FB8];
	_ =	sdelay $0x3  }
0x37: {  	[smem:$0x3FB8] =	sst s10  }
0x38: {  	s10 =	sld [smem:$0x3FB9]  }
0x39: {  	_ = 	snop;
	(pc) =	sbr.ind lr, $3  }
0x3a: {  	_ = 	snop  }
0x3b: {  	_ = 	snop  }
0x3c: {  	p2 =	seq.s32 s10, $0x1;
	s10 =	sld [smem:$0x3FB8]  }
0x3d: {  	_ =	shalt  }
0x3e: {  	_ =	shalt  }
0x3f: {  	_ =	shalt  }
0x40: {  	_ =	shalt  }
0x41: {  	_ =	shalt  }
0x42: {  	_ =	shalt  }
0x43: {  	_ =	shalt  }
0x44: {  	_ =	shalt  }
0x45: {  	_ =	shalt  }
0x46: {  	_ =	shalt  }
0x47: {  	_ =	shalt  }
0x48: {  	_ =	shalt  }
0x49: {  	_ =	shalt  }
0x4a: {  	_ =	shalt  }
0x4b: {  	_ =	shalt  }
0x4c: {  	_ =	shalt  }
0x4d: {  	_ =	shalt  }
0x4e: {  	_ =	shalt  }
0x4f: {  	_ =	shalt  }
0x50: {  	_ =	shalt  }
0x51: {  	_ =	shalt  }
0x52: {  	_ =	shalt  }
0x53: {  	_ =	shalt  }
0x54: {  	_ =	shalt  }
0x55: {  	_ =	shalt  }
0x56: {  	_ =	shalt  }
0x57: {  	_ =	shalt  }
0x58: {  	_ =	shalt  }
0x59: {  	_ =	shalt  }
0x5a: {  	_ =	shalt  }
0x5b: {  	_ =	shalt  }
0x5c: {  	_ =	shalt  }
0x5d: {  	_ =	shalt  }
0x5e: {  	_ =	shalt  }
0x5f: {  	_ =	shalt  }
0x60: {  	_ =	shalt  }
0x61: {  	_ =	shalt  }
0x62: {  	_ =	shalt  }
0x63: {  	_ =	shalt  }
0x64: {  	_ =	shalt  }
0x65: {  	_ =	shalt  }
0x66: {  	_ =	shalt  }
0x67: {  	_ =	shalt  }
0x68: {  	_ =	shalt  }
0x69: {  	_ =	shalt  }
0x6a: {  	_ =	shalt  }
0x6b: {  	_ =	shalt  }
0x6c: {  	_ =	shalt  }
0x6d: {  	_ =	shalt  }
0x6e: {  	_ =	shalt  }
0x6f: {  	_ =	shalt  }
0x70: {  	_ =	shalt  }
0x71: {  	_ =	shalt  }
0x72: {  	_ =	shalt  }
0x73: {  	_ =	shalt  }
0x74: {  	_ =	shalt  }
0x75: {  	_ =	shalt  }
0x76: {  	_ =	shalt  }
0x77: {  	_ =	shalt  }
0x78: {  	_ =	shalt  }
0x79: {  	_ =	shalt  }
0x7a: {  	_ =	shalt  }
0x7b: {  	_ =	shalt  }
0x7c: {  	_ =	shalt  }
0x7d: {  	_ =	shalt  }
0x7e: {  	_ =	shalt  }
0x7f: {  	_ =	shalt  }
0x80: {  	_ =	shalt  }
0x81: {  	_ =	shalt  }
0x82: {  	_ =	shalt  }
0x83: {  	_ =	shalt  }
0x84: {  	_ =	shalt  }
0x85: {  	_ =	shalt  }
0x86: {  	_ =	shalt  }
0x87: {  	_ =	shalt  }
.Lfunc_end0:
.L_simem_size_0:
called_computation.1_lowered:
.L_overlay_start_0:
0x88: {  	s2 =	sld [smem:$0x3FD9]  }
0x89: {  	s3 =	sld [smem:$0x3FFE];
	_ =	sdelay $0x1  }
0x8a: {  	s1 =	srdreg.scid  }
0x8b: {  	s0 =	sand.u32 $0x1, s1  }
0x8c: {  	s17 =	sshll.u32 s0, $0xA;
	s2 =	sadd.s32 s3, s2  }
0x8d: {  	s2 =	sadd.s32 s2, s17  }
0x8e: {  	[smem:$0x3FC4] =	sst s2  }
0x8f: {  	_ = 	snop  }
0x90: {  	s2 =	sld [smem:$0x3FD0];
	(tm) =	ssettm $0x1  }
0x91: {  	s18 =	sld [smem:$0x3FFB];
	_ =	sdelay $0x3  }
0x92: {  	_ =	strace s18  }
0x93: {  	s3 =	sld [smem:$0x3FFC];
	_ =	sdelay $0x3  }
0x94: {  	_ =	strace s3  }
0x95: {  	s3 =	sld [smem:$0x3FFD];
	_ =	sdelay $0x3  }
0x96: {  	_ =	strace s3  }
0x97: {  	_ =	strace $0x8FFFFFFF  }
0x98: {  	s19 =	sld [smem:$0x3FDB];
	_ =	sdelay $0x1  }
0x99: {  	s4 =	simm.s32 $_scs_section_size  }
0x9a: {  	s5 =	simm.s32 $_size__tile_overlayer_lowered;
	s6 =	simm.s32 $_tile_overlayer_lowered  }
0x9b: {  	s22 =	simm.s32 $0x1BFF;
	s21 =	sshll.u32 s6, $0x1;
	s3 =	sadd.s32 s4, s19  }
0x9c: {  	s7 =	simm.s32 $0x0;
	s20 =	sshll.u32 s5, $0x1;
	s5 =	sadd.s32 s21, s3  }
0x9d: {  	[timem:s7], [sflag:s22] =	dma.local [hbm:s5], s20  }
0x9e: {  	_ =	swait.ge [sflag:s22], s20  }
0x9f: {  	s4 =	ssub.s32 $0x0, s20;
	[sflag:s22] =	ssyncset.done $0x0  }
0xa0: {  	[sflag:s22] =	ssyncadd.s32 s4;
	_ =	sdelay $0x1  }
0xa1: {  	s23 =	simm.s32 $0x1B8B  }
0xa2: {  	_ =	swait.ge [sflag:s23], $0x1  }
0xa3: {  	[sflag:s23] =	ssyncset.done $0x0  }
0xa4: {  	s25 =	simm.s32 $0x1B8E;
	s24 =	sld [smem:$0x3FFE];
	[sflag:s23] =	ssyncadd.s32 $0xFFFFFFFF  }
0xa5: {  	s26 =	simm.s32 $execute0_lowered;
	[smem:$0x3FD2] =	sst s25  }
0xa6: {  	s5 =	sshll.u32 s26, $0x1;
	_ =	strace $0x80000049;
	[dreg:$0x1] =	wrdreg $0xFFFFFFFF  }
0xa7: {  	s28 =	simm.s32 $_size_execute0_lowered;
	s3 =	sadd.s32 s3, s5;
	[dreg:$0x0] =	wrdreg $0x0  }
0xa8: {  	s5 =	sshll.u32 s28, $0x1;
	[dreg:$0x2] =	wrdreg s3  }
0xa9: {  	[dreg:$0x3] =	wrdreg s5  }
0xaa: {  	[dreg:$0x4] =	wrdreg $0xC0  }
0xab: {  	_ =	task [dreg:s7], $0x5FFFF  }
0xac: {  	[dreg:$0x1] =	wrdreg $0xFFFFFFFF  }
0xad: {  	[dreg:$0x0] =	wrdreg $0x60  }
0xae: {  	[dreg:$0x2] =	wrdreg s2  }
0xaf: {  	[dreg:$0x3] =	wrdreg s24  }
0xb0: {  	[dreg:$0x4] =	wrdreg $0x90000  }
0xb1: {  	[dreg:$0x5] =	wrdreg $0x9  }
0xb2: {  	_ =	task.clear_ibuf [dreg:s7], $0x6FFFF;
	_ =	strace $0x90000049  }
0xb3: {  	s29 =	simm.s32 $0x9;
	_ =	strace $0x8000004B  }
0xb4: {  	_ =	swait.ge [sflag:s29], $0x1  }
0xb5: {  	[sflag:s29] =	ssyncadd.s32 $0xFFFFFFFF  }
0xb6: {  	_ =	strace $0x9000004B  }
0xb7: {  	_ =	sfence  }
0xb8: {  	s30 =	sld [smem:$0x0];
	_ =	sdelay $0x2  }
0xb9: {  	s31 =	sshll.u32 s1, $0xD;
	s1 =	sshrl.u32 s1, $0x2  }
0xba: {  	s3 =	sand.u32 $0x4000, s31;
	s1 =	sadd.s32 s1, s30  }
0xbb: {  	s0 =	sor.u32 s3, s0;
	s1 =	sshll.u32 s1, $0x11  }
0xbc: {  	s0 =	sor.u32 s1, s0  }
0xbd: {  	s0 =	sadd.s32 $0x8F2B, s0  }
0xbe: {  	[sflag:s0] =	ssyncadd.remote.s32 $0x1  }
0xbf: {  	_ =	sfence.sel $0xFFFF  }
0xc0: {  	[dreg:$0x0] =	wrdreg $0xFFFFFFFF;
	(pc) =	sbr.abs _section_cstart, $3  }
0xc1: {  	[dreg:$0x1] =	wrdreg $0xFFFFFFFF  }
0xc2: {  	_ =	task.clear_ibuf [dreg:s7], $0x2FFFF;
	_ =	strace $0x9FFFFFFF  }
0xc3: {  	(tm) =	ssettm $0x7FFFFFFF  }
tec
execute0_lowered:
.L_overlay_start_1:
0x0: {  	(tag) =	ssettag $0x1  }
0x1: {  	s1 =	rddreg [dreg:$0x0]  }
0x2: {  	s7 =	rddreg [dreg:$0x1]  }
0x3: {  	s2 =	rddreg [dreg:$0x2];
	s3 =	srdreg.scid  }
0x4: {  	s0 =	rddreg [dreg:$0x3];
	s4 =	simm.s32 $0x0;
	s13 =	simm.s32 $0x1000  }
0x5: {  	s14 =	simm.s32 $0x64;
	s15 =	simm.s32 $0x2000;
	s16 =	simm.s32 $0x5400  }
0x6: {  	s17 =	simm.s32 $0x1;
	s18 =	simm.s32 $0x2;
	s8 =	sand.u32 $0x1, s3  }
0x7: {  	s19 =	simm.s32 $0x1C00;
	s3 =	stileid.u32;
	s6 =	smul.u32 $0x140000, s8  }
0x8: {  	[smem:$0x7FF] =	sst s4;
	s5 =	sadd.s32 $0x11C00, s7;
	s9 =	smul.u32 $0x14000, s3  }
0x9: {  	_ =	strace $0x8000004A;
	s10 =	ssub.s32 $0x2, s8;
	s11 =	smul.u32 $0x50000, s3  }
0xa: {  	s31 =	sshll.u32 s3, $0x3;
	s8 =	sshll.u32 s8, $0x2;
	s20 =	sshll.u32 s3, $0x6  }
0xb: {  	s12 =	sshrl.u32 s10, $0x1;
	s8 =	sor.u32 s8, s31;
	s20 =	sor.u32 $0x1C03, s20  }
0xc: {  	s9 =	sadd.s32 s9, s6;
	s6 =	sadd.s32 $0x1C00, s7;
	s10 =	ssub.s32 s10, s12  }
0xd: {  	s30 =	sshrl.u32 s11, $0x2;
	s11 =	simm.s32 $0x8800;
	s9 =	sshrl.u32 s9, $0x3  }
0xe: {  	s12 =	simm.s32 $0x3;
	s9 =	sadd.s32 s9, s7;
	s7 =	sadd.s32 s30, s2  }
0xf: {  	v0 =	vimm.f32 $0.0e+00;
	s10 =	smax.u32 s10, $0x1;
	s9 =	sadd.s32 $0x21C00, s9;
	s21 =	sshrl.u32 s7, $0x3  }
.LBB2_1:
0x10: {  	[tilespmem:$0x8800] =	vst v0  }
0x11: {  	[tilespmem:$0x8810] =	vst v0  }
0x12: {  	[tilespmem:$0x8820] =	vst v0  }
0x13: {  	[tilespmem:$0x8830] =	vst v0  }
0x14: {  	[tilespmem:$0x8840] =	vst v0  }
0x15: {  	[tilespmem:$0x8850] =	vst v0  }
0x16: {  	[tilespmem:$0x8860] =	vst v0  }
0x17: {  	[tilespmem:$0x8870] =	vst v0  }
0x18: {  	[tilespmem:$0x8880] =	vst v0  }
0x19: {  	[tilespmem:$0x8890] =	vst v0  }
0x1a: {  	[tilespmem:$0x88A0] =	vst v0  }
0x1b: {  	[tilespmem:$0x88B0] =	vst v0  }
0x1c: {  	[tilespmem:$0x88C0] =	vst v0  }
0x1d: {  	[tilespmem:$0x88D0] =	vst v0  }
0x1e: {  	[tilespmem:$0x88E0] =	vst v0  }
0x1f: {  	[tilespmem:$0x88F0] =	vst v0  }
0x20: {  	[tilespmem:$0x8900] =	vst v0  }
0x21: {  	[tilespmem:$0x8910] =	vst v0  }
0x22: {  	[tilespmem:$0x8920] =	vst v0  }
0x23: {  	[tilespmem:$0x8930] =	vst v0  }
0x24: {  	[tilespmem:$0x8940] =	vst v0  }
0x25: {  	[tilespmem:$0x8950] =	vst v0  }
0x26: {  	[tilespmem:$0x8960] =	vst v0  }
0x27: {  	[tilespmem:$0x8970] =	vst v0  }
0x28: {  	[tilespmem:$0x8980] =	vst v0  }
0x29: {  	[tilespmem:$0x8990] =	vst v0  }
0x2a: {  	[tilespmem:$0x89A0] =	vst v0  }
0x2b: {  	[tilespmem:$0x89B0] =	vst v0  }
0x2c: {  	[tilespmem:$0x89C0] =	vst v0  }
0x2d: {  	[tilespmem:$0x89D0] =	vst v0  }
0x2e: {  	[tilespmem:$0x89E0] =	vst v0  }
0x2f: {  	[tilespmem:$0x89F0] =	vst v0  }
0x30: {  	[tilespmem:$0x8A00] =	vst v0  }
0x31: {  	[tilespmem:$0x8A10] =	vst v0  }
0x32: {  	[tilespmem:$0x8A20] =	vst v0  }
0x33: {  	[tilespmem:$0x8A30] =	vst v0  }
0x34: {  	[tilespmem:$0x8A40] =	vst v0  }
0x35: {  	[tilespmem:$0x8A50] =	vst v0  }
0x36: {  	[tilespmem:$0x8A60] =	vst v0  }
0x37: {  	[tilespmem:$0x8A70] =	vst v0  }
0x38: {  	[tilespmem:$0x8A80] =	vst v0  }
0x39: {  	[tilespmem:$0x8A90] =	vst v0  }
0x3a: {  	[tilespmem:$0x8AA0] =	vst v0  }
0x3b: {  	[tilespmem:$0x8AB0] =	vst v0  }
0x3c: {  	[tilespmem:$0x8AC0] =	vst v0  }
0x3d: {  	[tilespmem:$0x8AD0] =	vst v0  }
0x3e: {  	[tilespmem:$0x8AE0] =	vst v0  }
0x3f: {  	[tilespmem:$0x8AF0] =	vst v0  }
0x40: {  	[tilespmem:$0x8B00] =	vst v0  }
0x41: {  	[tilespmem:$0x8B10] =	vst v0  }
0x42: {  	[tilespmem:$0x8B20] =	vst v0  }
0x43: {  	[tilespmem:$0x8B30] =	vst v0  }
0x44: {  	[tilespmem:$0x8B40] =	vst v0  }
0x45: {  	[tilespmem:$0x8B50] =	vst v0  }
0x46: {  	[tilespmem:$0x8B60] =	vst v0  }
0x47: {  	[tilespmem:$0x8B70] =	vst v0  }
0x48: {  	[tilespmem:$0x8B80] =	vst v0  }
0x49: {  	[tilespmem:$0x8B90] =	vst v0  }
0x4a: {  	[tilespmem:$0x8BA0] =	vst v0  }
0x4b: {  	[tilespmem:$0x8BB0] =	vst v0  }
0x4c: {  	[tilespmem:$0x8BC0] =	vst v0  }
0x4d: {  	[tilespmem:$0x8BD0] =	vst v0  }
0x4e: {  	[tilespmem:$0x8BE0] =	vst v0  }
0x4f: {  	[tilespmem:$0x8BF0] =	vst v0  }
0x50: {  	[tilespmem:$0x8C00] =	vst v0  }
0x51: {  	[tilespmem:$0x8C10] =	vst v0  }
0x52: {  	[tilespmem:$0x8C20] =	vst v0  }
0x53: {  	[tilespmem:$0x8C30] =	vst v0  }
0x54: {  	[tilespmem:$0x8C40] =	vst v0  }
0x55: {  	[tilespmem:$0x8C50] =	vst v0  }
0x56: {  	[tilespmem:$0x8C60] =	vst v0  }
0x57: {  	[tilespmem:$0x8C70] =	vst v0  }
0x58: {  	[tilespmem:$0x8C80] =	vst v0  }
0x59: {  	[tilespmem:$0x8C90] =	vst v0  }
0x5a: {  	[tilespmem:$0x8CA0] =	vst v0  }
0x5b: {  	[tilespmem:$0x8CB0] =	vst v0  }
0x5c: {  	[tilespmem:$0x8CC0] =	vst v0  }
0x5d: {  	[tilespmem:$0x8CD0] =	vst v0  }
0x5e: {  	[tilespmem:$0x8CE0] =	vst v0  }
0x5f: {  	[tilespmem:$0x8CF0] =	vst v0  }
0x60: {  	[tilespmem:$0x8D00] =	vst v0  }
0x61: {  	[tilespmem:$0x8D10] =	vst v0  }
0x62: {  	[tilespmem:$0x8D20] =	vst v0  }
0x63: {  	[tilespmem:$0x8D30] =	vst v0  }
0x64: {  	[tilespmem:$0x8D40] =	vst v0  }
0x65: {  	[tilespmem:$0x8D50] =	vst v0  }
0x66: {  	[tilespmem:$0x8D60] =	vst v0  }
0x67: {  	[tilespmem:$0x8D70] =	vst v0  }
0x68: {  	[tilespmem:$0x8D80] =	vst v0  }
0x69: {  	[tilespmem:$0x8D90] =	vst v0  }
0x6a: {  	[tilespmem:$0x8DA0] =	vst v0  }
0x6b: {  	[tilespmem:$0x8DB0] =	vst v0  }
0x6c: {  	[tilespmem:$0x8DC0] =	vst v0  }
0x6d: {  	[tilespmem:$0x8DD0] =	vst v0  }
0x6e: {  	[tilespmem:$0x8DE0] =	vst v0  }
0x6f: {  	[tilespmem:$0x8DF0] =	vst v0  }
0x70: {  	[tilespmem:$0x8E00] =	vst v0  }
0x71: {  	[tilespmem:$0x8E10] =	vst v0  }
0x72: {  	[tilespmem:$0x8E20] =	vst v0  }
0x73: {  	[tilespmem:$0x8E30] =	vst v0  }
0x74: {  	[tilespmem:$0x8E40] =	vst v0  }
0x75: {  	[tilespmem:$0x8E50] =	vst v0  }
0x76: {  	[tilespmem:$0x8E60] =	vst v0  }
0x77: {  	[tilespmem:$0x8E70] =	vst v0  }
0x78: {  	[tilespmem:$0x8E80] =	vst v0  }
0x79: {  	[tilespmem:$0x8E90] =	vst v0  }
0x7a: {  	[tilespmem:$0x8EA0] =	vst v0  }
0x7b: {  	[tilespmem:$0x8EB0] =	vst v0  }
0x7c: {  	[tilespmem:$0x8EC0] =	vst v0  }
0x7d: {  	[tilespmem:$0x8ED0] =	vst v0  }
0x7e: {  	[tilespmem:$0x8EE0] =	vst v0  }
0x7f: {  	[tilespmem:$0x8EF0] =	vst v0  }
0x80: {  	[tilespmem:$0x8F00] =	vst v0  }
0x81: {  	[tilespmem:$0x8F10] =	vst v0  }
0x82: {  	[tilespmem:$0x8F20] =	vst v0  }
0x83: {  	[tilespmem:$0x8F30] =	vst v0  }
0x84: {  	[tilespmem:$0x8F40] =	vst v0  }
0x85: {  	[tilespmem:$0x8F50] =	vst v0  }
0x86: {  	[tilespmem:$0x8F60] =	vst v0  }
0x87: {  	[tilespmem:$0x8F70] =	vst v0  }
0x88: {  	[tilespmem:$0x8F80] =	vst v0  }
0x89: {  	[tilespmem:$0x8F90] =	vst v0  }
0x8a: {  	[tilespmem:$0x8FA0] =	vst v0  }
0x8b: {  	[tilespmem:$0x8FB0] =	vst v0  }
0x8c: {  	[tilespmem:$0x8FC0] =	vst v0  }
0x8d: {  	[tilespmem:$0x8FD0] =	vst v0  }
0x8e: {  	[tilespmem:$0x8FE0] =	vst v0  }
0x8f: {  	[tilespmem:$0x8FF0] =	vst v0;
	s22 =	sadd.s32 $0x0, s7  }
0x90: {  	[spmem:s22] =	stream.linear.scatter [tilespmem:s11], [sflag:$0x3], $0x800, $0x38;
	[tilespmem:$0x1D000] =	vst v63  }
0x91: {  	s22 =	simm.s32 $0x2000;
	_ =	swait.ge [sflag:s12], $0x800  }
.LBB2_2:
0x92: {  	s23 =	sshra.s32 s22, $0x2;
	[sflag:s12] =	ssyncset.done $0x0;
	p0 =	sne.s32 s22, $0x4E000  }
.Ltmp0:
0x93: {  	s23 =	sadd.s32 s23, s7;
	[sflag:s12] =	ssyncadd.s32 $0xFFFFF800;
	(pc) =	sbr.rel @p0 .LBB2_2-.Ltmp0, $3  }
0x94: {  	[spmem:s23] =	stream.linear.scatter [tilespmem:s11], [sflag:$0x3], $0x800, $0x38;
	[tilespmem:$0x1D000] =	vst v63  }
0x95: {  	s22 =	sadd.s32 $0x2000, s22;
	_ =	sdelay $0x1  }
0x96: {  	_ =	swait.ge [sflag:s12], $0x800  }
0x97: {  	[sflag:s12] =	ssyncset.done $0x0  }
0x98: {  	[sflag:s12] =	ssyncadd.s32 $0xFFFFF800  }
0x99: {  	s22 =	simm.s32 $0x0;
	s23 =	simm.s32 $0x0;
	[bflag:$0x0] =	sbarrier.arrive $0xFFFF  }
.LBB2_4:
0x9a: {  	s24 =	sadd.s32 s8, s23  }
0x9b: {  	s24 =	sshll.u32 s24, $0x9  }
0x9c: {  	s25 =	sadd.s32 s5, s24  }
0x9d: {  	[tilespmem:s22], [sflag:$0x3] =	stream.linear.gather [hbm4b:s25+s22], $0xC80, $0x38;
	[tilespmem:$0x1D000] =	vst v63  }
0x9e: {  	_ =	swait.ge [sflag:s12], $0xC80  }
0x9f: {  	[sflag:s12] =	ssyncset.done $0x0  }
0xa0: {  	s24 =	sadd.s32 s6, s24;
	[sflag:s12] =	ssyncadd.s32 $0xFFFFF380  }
0xa1: {  	[tilespmem:s13], [sflag:$0x3] =	stream.linear.gather [hbm4b:s24+s22], $0xC80, $0x38;
	[tilespmem:$0x1D000] =	vst v63  }
0xa2: {  	_ =	swait.ge [sflag:s12], $0xC80  }
0xa3: {  	[sflag:s12] =	ssyncset.done $0x0  }
0xa4: {  	[sflag:s12] =	ssyncadd.s32 $0xFFFFF380  }
0xa5: {  	[tilespmem:s15], [sflag:$0x1] =	stream.indirect.gather [hbm4b:s1+s14], $0x80, s22, s14, $0xb8;
	[tilespmem:$0x1D000] =	vst v63  }
0xa6: {  	s28 =	simm.s32 $0x80  }
0xa7: {  	[tilespmem:s16], [sflag:$0x2] =	stream.indirect.gather [hbm4b:s1+s14], $0x80, s28, s14, $0xb8;
	[tilespmem:$0x1D000] =	vst v63  }
0xa8: {  	_ =	swait.ge [sflag:s17], $0x3200  }
0xa9: {  	[sflag:s17] =	ssyncset.done $0x0  }
0xaa: {  	s29 =	simm.s32 $0x1000;
	[sflag:s17] =	ssyncadd.s32 $0xFFFFCE00  }
0xab: {  	[spmem:s2] =	stream.indirect.scatter.add.f32 [tilespmem:s15], [sflag:$0x3], $0x80, s29, s14, $0xb8;
	[tilespmem:$0x1D000] =	vst v63  }
0xac: {  	_ =	swait.ge [sflag:s12], $0x3200  }
0xad: {  	[sflag:s12] =	ssyncset.done $0x0  }
0xae: {  	s30 =	simm.s32 $0x100;
	[sflag:s12] =	ssyncadd.s32 $0xFFFFCE00  }
0xaf: {  	[tilespmem:s15], [sflag:$0x1] =	stream.indirect.gather [hbm4b:s1+s14], $0x80, s30, s14, $0xb8;
	[tilespmem:$0x1D000] =	vst v63  }
0xb0: {  	_ =	swait.ge [sflag:s18], $0x3200  }
0xb1: {  	[sflag:s18] =	ssyncset.done $0x0  }
0xb2: {  	s31 =	simm.s32 $0x1080;
	[sflag:s18] =	ssyncadd.s32 $0xFFFFCE00  }
0xb3: {  	[spmem:s2] =	stream.indirect.scatter.add.f32 [tilespmem:s16], [sflag:$0x3], $0x80, s31, s14, $0xb8;
	[tilespmem:$0x1D000] =	vst v63  }
0xb4: {  	_ =	swait.ge [sflag:s12], $0x3200  }
0xb5: {  	s25 =	simm.s32 $0x800;
	s24 =	simm.s32 $0x100;
	[sflag:s12] =	ssyncset.done $0x0  }
.LBB2_5:
0xb6: {  	s26 =	sadd.s32 $0x80, s24  }
0xb7: {  	[sflag:s12] =	ssyncadd.s32 $0xFFFFCE00;
	s28 =	smov.u32 s25;
	s29 =	sadd.s32 $0x400, s25  }
0xb8: {  	[tilespmem:s16], [sflag:$0x2] =	stream.indirect.gather [hbm4b:s1+s14], $0x80, s26, s14, $0xb8;
	[tilespmem:$0x1D000] =	vst v63  }
0xb9: {  	p0 =	sne.s32 s25, $0x2C00;
	_ =	swait.ge [sflag:s17], $0x3200  }
0xba: {  	[sflag:s17] =	ssyncset.done $0x0  }
0xbb: {  	s25 =	sadd.s32 $0x1000, s24;
	[sflag:s17] =	ssyncadd.s32 $0xFFFFCE00  }
0xbc: {  	[spmem:s2] =	stream.indirect.scatter.add.f32 [tilespmem:s15], [sflag:$0x3], $0x80, s25, s14, $0xb8;
	[tilespmem:$0x1D000] =	vst v63  }
0xbd: {  	_ =	swait.ge [sflag:s12], $0x3200  }
0xbe: {  	[sflag:s12] =	ssyncset.done $0x0  }
0xbf: {  	s25 =	sadd.s32 $0x100, s24;
	[sflag:s12] =	ssyncadd.s32 $0xFFFFCE00  }
0xc0: {  	[tilespmem:s15], [sflag:$0x1] =	stream.indirect.gather [hbm4b:s1+s14], $0x80, s25, s14, $0xb8;
	[tilespmem:$0x1D000] =	vst v63  }
0xc1: {  	_ =	swait.ge [sflag:s18], $0x3200  }
.Ltmp1:
0xc2: {  	[sflag:s18] =	ssyncset.done $0x0;
	(pc) =	sbr.rel @p0 .LBB2_5-.Ltmp1, $4  }
0xc3: {  	s24 =	sadd.s32 $0x1080, s24;
	[sflag:s18] =	ssyncadd.s32 $0xFFFFCE00  }
0xc4: {  	[spmem:s2] =	stream.indirect.scatter.add.f32 [tilespmem:s16], [sflag:$0x3], $0x80, s24, s14, $0xb8;
	[tilespmem:$0x1D000] =	vst v63  }
0xc5: {  	_ =	swait.ge [sflag:s12], $0x3200  }
0xc6: {  	s25 =	smov.u32 s29;
	s24 =	sshra.s32 s28, $0x2;
	[sflag:s12] =	ssyncset.done $0x0  }
0xc7: {  	s25 =	sadd.s32 $0x80, s24;
	[sflag:s12] =	ssyncadd.s32 $0xFFFFCE00  }
0xc8: {  	[tilespmem:s16], [sflag:$0x2] =	stream.indirect.gather [hbm4b:s1+s14], $0x80, s25, s14, $0xb8;
	[tilespmem:$0x1D000] =	vst v63  }
0xc9: {  	_ =	swait.ge [sflag:s17], $0x3200  }
0xca: {  	[sflag:s17] =	ssyncset.done $0x0  }
0xcb: {  	s29 =	sadd.s32 $0x1000, s24;
	[sflag:s17] =	ssyncadd.s32 $0xFFFFCE00  }
0xcc: {  	[spmem:s2] =	stream.indirect.scatter.add.f32 [tilespmem:s15], [sflag:$0x3], $0x80, s29, s14, $0xb8;
	[tilespmem:$0x1D000] =	vst v63  }
0xcd: {  	_ =	swait.ge [sflag:s12], $0x3200  }
0xce: {  	[sflag:s12] =	ssyncset.done $0x0  }
0xcf: {  	s30 =	sadd.s32 $0x100, s24;
	[sflag:s12] =	ssyncadd.s32 $0xFFFFCE00  }
0xd0: {  	[tilespmem:s15], [sflag:$0x1] =	stream.indirect.gather [hbm4b:s1+s14], $0x80, s30, s14, $0xb8;
	[tilespmem:$0x1D000] =	vst v63  }
0xd1: {  	_ =	swait.ge [sflag:s18], $0x3200  }
0xd2: {  	[sflag:s18] =	ssyncset.done $0x0  }
0xd3: {  	s31 =	sadd.s32 $0x1080, s24;
	[sflag:s18] =	ssyncadd.s32 $0xFFFFCE00  }
0xd4: {  	[spmem:s2] =	stream.indirect.scatter.add.f32 [tilespmem:s16], [sflag:$0x3], $0x80, s31, s14, $0xb8;
	[tilespmem:$0x1D000] =	vst v63  }
0xd5: {  	_ =	swait.ge [sflag:s12], $0x3200  }
0xd6: {  	[sflag:s12] =	ssyncset.done $0x0  }
0xd7: {  	[sflag:s12] =	ssyncadd.s32 $0xFFFFCE00  }
0xd8: {  	s23 =	sadd.s32 $0x1, s23;
	_ =	swait.ge [sflag:s17], $0x3200  }
0xd9: {  	p0 =	sne.s32 s23, $0x4;
	[sflag:s17] =	ssyncset.done $0x0  }
.Ltmp2:
0xda: {  	[sflag:s17] =	ssyncadd.s32 $0xFFFFCE00;
	(pc) =	sbr.rel @p0 .LBB2_4-.Ltmp2, $4  }
0xdb: {  	[spmem:s2] =	stream.indirect.scatter.add.f32 [tilespmem:s15], [sflag:$0x3], $0x80, s19, s14, $0xb8;
	[tilespmem:$0x1D000] =	vst v63  }
0xdc: {  	_ =	swait.ge [sflag:s12], $0x3200  }
0xdd: {  	[sflag:s12] =	ssyncset.done $0x0  }
0xde: {  	[sflag:s12] =	ssyncadd.s32 $0xFFFFCE00  }
0xdf: {  	s4 =	sadd.s32 $0x1, s4  }
0xe0: {  	p0 =	sne.s32 s4, s10  }
.Ltmp3:
0xe1: {  	[bflag:$0x0] =	sbarrier.arrive $0xFFFF;
	(pc) =	sbr.rel @p0 .LBB2_1-.Ltmp3, $4  }
0xe2: {  	[hbm:s9], [sflag:s20] =	dma.local [spmem:s21], $0x2800  }
0xe3: {  	_ =	swait.ge [sflag:s12], $0x2800  }
0xe4: {  	[sflag:s12] =	ssyncset.done $0x0  }
0xe5: {  	[sflag:s12] =	ssyncadd.s32 $0xFFFFD800  }
0xe6: {  	_ =	sfence.sel $0x180000  }
0xe7: {  	[bflag:$0x0] =	sbarrier.arrive $0xFFFF  }
0xe8: {  	p0 =	sne.s32 s3, $0x0;
	_ =	strace $0x9000004A  }
0xe9: {  	s0 =	sadd.s32 @!p0 $0x100000, s0;
	[bflag:$0x2] =	sbarrier.arrive $0xFFFF  }
0xea: {  	[sflag:s0] =	ssyncadd.tile.s32 @!p0 $0x1;
	_ =	shalt  }
.Lfunc_end2:
_tile_overlayer_lowered:
.L_overlay_start_2:
0xeb: {  	(tag) =	ssettag $0x2  }
0xec: {  	s0 =	rddreg [dreg:$0x0];
	s2 =	stileid.u32  }
0xed: {  	s1 =	rddreg [dreg:$0x1];
	p0 =	sne.s32 s2, $0x0  }
0xee: {  	s3 =	rddreg [dreg:$0x2];
	[bflag:$0x3] =	sbarrier.arrive $0xFFFF;
	s2 =	simm.s32 @!p0 $0x1C03  }
0xef: {  	[timem:s3], [sflag:s2] =	dma.local @!p0 [hbm:s0], s1  }
0xf0: {  	s0 =	simm.s32 @!p0 $0x3  }
0xf1: {  	_ =	swait.ge @!p0 [sflag:s0], s1  }
0xf2: {  	s1 =	ssub.s32 @!p0 $0x0, s1;
	[sflag:s0] =	ssyncset.done @!p0 $0x0  }
0xf3: {  	[sflag:s0] =	ssyncadd.s32 @!p0 s1  }
0xf4: {  	[bflag:$0x3] =	sbarrier.arrive $0xFFFF  }
0xf5: {  	_ =	shalt  }

// kernel: kernel.7.cloned.1.call-start
scs
__scs_entry_jumppad:
0x0: {  	(pc) =	sbr.rel $0x88, $3  }
0x1: {  	(tag) =	ssettag $0x0;
	lr =	simm.s32 $0x1  }
0x2: {  	[smem:$0x3F9D] =	sst lr;
	_ =	strace $0xD0000000  }
0x3: {  	_ = 	snop  }
0x4: {  	_ = 	snop  }
0x5: {  	_ = 	snop  }
0x6: {  	_ = 	snop  }
0x7: {  	_ = 	snop  }
__scs_overlays_trampoline_lowered:
0x8: {  	[smem:$0x3FAC] =	sst s0  }
0x9: {  	[smem:$0x3FAD] =	sst s1  }
0xa: {  	[smem:$0x3FAE] =	sst s2  }
0xb: {  	[smem:$0x3FAF] =	sst s3  }
0xc: {  	[smem:$0x3FB0] =	sst s4  }
0xd: {  	[smem:$0x3FB1] =	sst s5  }
0xe: {  	[smem:$0x3FB2] =	sst s6  }
0xf: {  	[smem:$0x3FB3] =	sst s7  }
0x10: {  	[smem:$0x3FB4] =	sst s8  }
0x11: {  	[smem:$0x3FB5] =	sst s9;
	s0 =	simm.s32 @!p0 $0x0  }
0x12: {  	s1 =	sld [smem:$0x3F9B];
	s0 =	simm.s32 @p0 $0x1  }
0x13: {  	[smem:$0x3FB6] =	sst s0;
	s0 =	simm.s32 @!p1 $0x0  }
0x14: {  	s2 =	sld [smem:$0x3F9A];
	s0 =	simm.s32 @p1 $0x1  }
0x15: {  	[smem:$0x3FB7] =	sst s0;
	s0 =	simm.s32 @!p2 $0x0  }
0x16: {  	s3 =	sld [smem:$0x3FDB];
	s0 =	simm.s32 @p2 $0x1  }
0x17: {  	s4 =	simm.s32 $0x1BF5;
	[smem:$0x3FB9] =	sst s0  }
0x18: {  	s0 =	sld [smem:$0x3F9C];
	_ =	swait.ge [sflag:s4], $0x0  }
0x19: {  	s7 =	sld [smem:$0x3F9D]  }
0x1a: {  	s8 =	sadd.s32 $0xFFFFE003, lr  }
0x1b: {  	s9 =	sadd.s32 $0xFFFFFEF7, lr;
	s5 =	simm.s32 $0xFFFFFFFF;
	p2 =	slt.u32 s8, $0xFFFFF086  }
0x1c: {  	p1 =	slt.u32 s9, $0xF7A;
	s5 =	simm.s32 @!p2 $0x0  }
0x1d: {  	s5 =	simm.s32 @p1 $0x1;
	p0 =	seq.s32 s7, s2  }
0x1e: {  	s7 =	smul.u32 @!p0 $0xF7A, s2;
	p2 =	seq.s32 @!p0 s5, $0x0  }
0x1f: {  	s9 =	smul.u32 $0xF7A, s1;
	s8 =	simm.s32 @!p0 $0x1BF5;
	p2 =	por !p2, p0  }
0x20: {  	[sflag:s8] =	ssyncset.s32 @!p0 $0xFFFFF086;
	s6 =	sadd.s32 @!p0 s3, s7;
	s7 =	simm.s32 @!p0 $0x108  }
0x21: {  	s3 =	sadd.s32 s3, s9;
	s6 =	sadd.s32 @!p0 $0x88, s6;
	s7 =	simm.s32 @p2 $0x1082  }
0x22: {  	[simem:s7], [sflag:s8] =	dma.local @!p0 [hbm:s6], $0xF7A  }
0x23: {  	s9 =	sor.u32 $0xD0000000, s2;
	s6 =	simm.s32 $0x108;
	_ =	swait.ge @!p0 [sflag:s8], $0x0  }
0x24: {  	s3 =	sadd.s32 $0x88, s3;
	s6 =	simm.s32 @!p1 $0x1082;
	[sflag:s4] =	ssyncset.s32 $0xFFFFF086  }
0x25: {  	[simem:s6], [sflag:s4] =	dma.local [hbm:s3], $0xF7A  }
0x26: {  	[smem:$0x3F9D] =	sst s1;
	(tag) =	ssettag s2;
	_ =	strace s9  }
0x27: {  	s1 =	sld [smem:$0x3FAD]  }
0x28: {  	s2 =	sld [smem:$0x3FAE]  }
0x29: {  	s4 =	sld [smem:$0x3FB0]  }
0x2a: {  	p0 =	seq.s32 s5, $0x0;
	s5 =	sld [smem:$0x3FB1]  }
0x2b: {  	s6 =	sld [smem:$0x3FB2]  }
0x2c: {  	s7 =	sld [smem:$0x3FB3]  }
0x2d: {  	s3 =	simm.s32 $0x108;
	s8 =	sld [smem:$0x3FB4]  }
0x2e: {  	s3 =	simm.s32 @!p0 $0x1082;
	s9 =	sld [smem:$0x3FB5]  }
0x2f: {  	lr =	sadd.s32 s0, s3;
	s0 =	sld [smem:$0x3FAC]  }
0x30: {  	s3 =	sld [smem:$0x3FAF]  }
0x31: {  	[smem:$0x3FB8] =	sst s10  }
0x32: {  	s10 =	sld [smem:$0x3FB6];
	_ =	sdelay $0x3  }
0x33: {  	p0 =	seq.s32 s10, $0x1;
	s10 =	sld [smem:$0x3FB8];
	_ =	sdelay $0x3  }
0x34: {  	[smem:$0x3FB8] =	sst s10  }
0x35: {  	s10 =	sld [smem:$0x3FB7];
	_ =	sdelay $0x3  }
0x36: {  	p1 =	seq.s32 s10, $0x1;
	s10 =	sld [smem:$0x3FB8];
	_ =	sdelay $0x3  }
0x37: {  	[smem:$0x3FB8] =	sst s10  }
0x38: {  	s10 =	sld [smem:$0x3FB9]  }
0x39: {  	_ = 	snop;
	(pc) =	sbr.ind lr, $3  }
0x3a: {  	_ = 	snop  }
0x3b: {  	_ = 	snop  }
0x3c: {  	p2 =	seq.s32 s10, $0x1;
	s10 =	sld [smem:$0x3FB8]  }
0x3d: {  	_ =	shalt  }
0x3e: {  	_ =	shalt  }
0x3f: {  	_ =	shalt  }
0x40: {  	_ =	shalt  }
0x41: {  	_ =	shalt  }
0x42: {  	_ =	shalt  }
0x43: {  	_ =	shalt  }
0x44: {  	_ =	shalt  }
0x45: {  	_ =	shalt  }
0x46: {  	_ =	shalt  }
0x47: {  	_ =	shalt  }
0x48: {  	_ =	shalt  }
0x49: {  	_ =	shalt  }
0x4a: {  	_ =	shalt  }
0x4b: {  	_ =	shalt  }
0x4c: {  	_ =	shalt  }
0x4d: {  	_ =	shalt  }
0x4e: {  	_ =	shalt  }
0x4f: {  	_ =	shalt  }
0x50: {  	_ =	shalt  }
0x51: {  	_ =	shalt  }
0x52: {  	_ =	shalt  }
0x53: {  	_ =	shalt  }
0x54: {  	_ =	shalt  }
0x55: {  	_ =	shalt  }
0x56: {  	_ =	shalt  }
0x57: {  	_ =	shalt  }
0x58: {  	_ =	shalt  }
0x59: {  	_ =	shalt  }
0x5a: {  	_ =	shalt  }
0x5b: {  	_ =	shalt  }
0x5c: {  	_ =	shalt  }
0x5d: {  	_ =	shalt  }
0x5e: {  	_ =	shalt  }
0x5f: {  	_ =	shalt  }
0x60: {  	_ =	shalt  }
0x61: {  	_ =	shalt  }
0x62: {  	_ =	shalt  }
0x63: {  	_ =	shalt  }
0x64: {  	_ =	shalt  }
0x65: {  	_ =	shalt  }
0x66: {  	_ =	shalt  }
0x67: {  	_ =	shalt  }
0x68: {  	_ =	shalt  }
0x69: {  	_ =	shalt  }
0x6a: {  	_ =	shalt  }
0x6b: {  	_ =	shalt  }
0x6c: {  	_ =	shalt  }
0x6d: {  	_ =	shalt  }
0x6e: {  	_ =	shalt  }
0x6f: {  	_ =	shalt  }
0x70: {  	_ =	shalt  }
0x71: {  	_ =	shalt  }
0x72: {  	_ =	shalt  }
0x73: {  	_ =	shalt  }
0x74: {  	_ =	shalt  }
0x75: {  	_ =	shalt  }
0x76: {  	_ =	shalt  }
0x77: {  	_ =	shalt  }
0x78: {  	_ =	shalt  }
0x79: {  	_ =	shalt  }
0x7a: {  	_ =	shalt  }
0x7b: {  	_ =	shalt  }
0x7c: {  	_ =	shalt  }
0x7d: {  	_ =	shalt  }
0x7e: {  	_ =	shalt  }
0x7f: {  	_ =	shalt  }
0x80: {  	_ =	shalt  }
0x81: {  	_ =	shalt  }
0x82: {  	_ =	shalt  }
0x83: {  	_ =	shalt  }
0x84: {  	_ =	shalt  }
0x85: {  	_ =	shalt  }
0x86: {  	_ =	shalt  }
0x87: {  	_ =	shalt  }
.Lfunc_end0:
.L_simem_size_0:
called_computation_lowered:
.L_overlay_start_0:
0x88: {  	s2 =	sld [smem:$0x3FD9]  }
0x89: {  	s3 =	sld [smem:$0x3FFE];
	_ =	sdelay $0x1  }
0x8a: {  	s1 =	srdreg.scid  }
0x8b: {  	s0 =	sand.u32 $0x1, s1  }
0x8c: {  	s17 =	sshll.u32 s0, $0xA;
	s2 =	sadd.s32 s3, s2  }
0x8d: {  	s2 =	sadd.s32 s2, s17  }
0x8e: {  	[smem:$0x3FC4] =	sst s2  }
0x8f: {  	_ = 	snop  }
0x90: {  	s2 =	sld [smem:$0x3FD0];
	(tm) =	ssettm $0x1  }
0x91: {  	s18 =	sld [smem:$0x3FFB];
	_ =	sdelay $0x3  }
0x92: {  	_ =	strace s18  }
0x93: {  	s3 =	sld [smem:$0x3FFC];
	_ =	sdelay $0x3  }
0x94: {  	_ =	strace s3  }
0x95: {  	s3 =	sld [smem:$0x3FFD];
	_ =	sdelay $0x3  }
0x96: {  	_ =	strace s3  }
0x97: {  	_ =	strace $0x8FFFFFFF  }
0x98: {  	s19 =	sld [smem:$0x3FDB];
	_ =	sdelay $0x1  }
0x99: {  	s4 =	simm.s32 $_scs_section_size  }
0x9a: {  	s5 =	simm.s32 $_size__tile_overlayer_lowered;
	s6 =	simm.s32 $_tile_overlayer_lowered  }
0x9b: {  	s22 =	simm.s32 $0x1BFF;
	s21 =	sshll.u32 s6, $0x1;
	s3 =	sadd.s32 s4, s19  }
0x9c: {  	s7 =	simm.s32 $0x0;
	s20 =	sshll.u32 s5, $0x1;
	s5 =	sadd.s32 s21, s3  }
0x9d: {  	[timem:s7], [sflag:s22] =	dma.local [hbm:s5], s20  }
0x9e: {  	_ =	swait.ge [sflag:s22], s20  }
0x9f: {  	s4 =	ssub.s32 $0x0, s20;
	[sflag:s22] =	ssyncset.done $0x0  }
0xa0: {  	[sflag:s22] =	ssyncadd.s32 s4;
	_ =	sdelay $0x1  }
0xa1: {  	s23 =	simm.s32 $0x1B8B  }
0xa2: {  	_ =	swait.ge [sflag:s23], $0x1  }
0xa3: {  	[sflag:s23] =	ssyncset.done $0x0  }
0xa4: {  	s25 =	simm.s32 $0x1B8E;
	s24 =	sld [smem:$0x3FFE];
	[sflag:s23] =	ssyncadd.s32 $0xFFFFFFFF  }
0xa5: {  	s26 =	simm.s32 $execute0_lowered;
	[smem:$0x3FD2] =	sst s25  }
0xa6: {  	s5 =	sshll.u32 s26, $0x1;
	_ =	strace $0x80000046;
	[dreg:$0x1] =	wrdreg $0xFFFFFFFF  }
0xa7: {  	s28 =	simm.s32 $_size_execute0_lowered;
	s3 =	sadd.s32 s3, s5;
	[dreg:$0x0] =	wrdreg $0x0  }
0xa8: {  	s5 =	sshll.u32 s28, $0x1;
	[dreg:$0x2] =	wrdreg s3  }
0xa9: {  	[dreg:$0x3] =	wrdreg s5  }
0xaa: {  	[dreg:$0x4] =	wrdreg $0xC0  }
0xab: {  	_ =	task [dreg:s7], $0x5FFFF  }
0xac: {  	[dreg:$0x1] =	wrdreg $0xFFFFFFFF  }
0xad: {  	[dreg:$0x0] =	wrdreg $0x60  }
0xae: {  	[dreg:$0x2] =	wrdreg s2  }
0xaf: {  	[dreg:$0x3] =	wrdreg s24  }
0xb0: {  	[dreg:$0x4] =	wrdreg $0x43000  }
0xb1: {  	[dreg:$0x5] =	wrdreg $0x9  }
0xb2: {  	_ =	task.clear_ibuf [dreg:s7], $0x6FFFF;
	_ =	strace $0x90000046  }
0xb3: {  	s29 =	simm.s32 $0x9;
	_ =	strace $0x80000048  }
0xb4: {  	_ =	swait.ge [sflag:s29], $0x1  }
0xb5: {  	[sflag:s29] =	ssyncadd.s32 $0xFFFFFFFF  }
0xb6: {  	_ =	strace $0x90000048  }
0xb7: {  	_ =	sfence  }
0xb8: {  	s30 =	sld [smem:$0x0];
	_ =	sdelay $0x2  }
0xb9: {  	s31 =	sshll.u32 s1, $0xD;
	s1 =	sshrl.u32 s1, $0x2  }
0xba: {  	s3 =	sand.u32 $0x4000, s31;
	s1 =	sadd.s32 s1, s30  }
0xbb: {  	s0 =	sor.u32 s3, s0;
	s1 =	sshll.u32 s1, $0x11  }
0xbc: {  	s0 =	sor.u32 s1, s0  }
0xbd: {  	s0 =	sadd.s32 $0x8F2B, s0  }
0xbe: {  	[sflag:s0] =	ssyncadd.remote.s32 $0x1  }
0xbf: {  	_ =	sfence.sel $0xFFFF  }
0xc0: {  	[dreg:$0x0] =	wrdreg $0xFFFFFFFF;
	(pc) =	sbr.abs _section_cstart, $3  }
0xc1: {  	[dreg:$0x1] =	wrdreg $0xFFFFFFFF  }
0xc2: {  	_ =	task.clear_ibuf [dreg:s7], $0x2FFFF;
	_ =	strace $0x9FFFFFFF  }
0xc3: {  	(tm) =	ssettm $0x7FFFFFFF  }
tec
execute0_lowered:
.L_overlay_start_1:
0x0: {  	(tag) =	ssettag $0x1  }
0x1: {  	s4 =	rddreg [dreg:$0x0]  }
0x2: {  	s5 =	rddreg [dreg:$0x1]  }
0x3: {  	s2 =	rddreg [dreg:$0x2]  }
0x4: {  	s0 =	rddreg [dreg:$0x3];
	s6 =	srdreg.scid  }
0x5: {  	s1 =	stileid.u32;
	s3 =	simm.s32 $0x0;
	s11 =	simm.s32 $0x4000  }
0x6: {  	s12 =	simm.s32 $0x1;
	s15 =	simm.s32 $0x20;
	s16 =	simm.s32 $0x10  }
0x7: {  	s17 =	simm.s32 $0x0;
	s6 =	sand.u32 $0x1, s6;
	s7 =	smul.u32 $0x500, s1  }
0x8: {  	[smem:$0x7FF] =	sst s3;
	s10 =	smul.u32 $0xA00, s1;
	s31 =	sshll.u32 s1, $0xC  }
0x9: {  	s13 =	sshll.u32 s1, $0x6;
	s8 =	sshll.u32 s6, $0x7;
	_ =	strace $0x80000047  }
0xa: {  	s28 =	ssub.s32 $0x2, s6;
	s29 =	sshll.u32 s6, $0xB;
	s13 =	sor.u32 $0x1C02, s13  }
0xb: {  	s7 =	sor.u32 s8, s7;
	s9 =	sshrl.u32 s28, $0x1;
	s30 =	sshrl.u32 s10, $0x2  }
0xc: {  	s10 =	simm.s32 $0x50;
	s7 =	sshrl.u32 s7, $0x3;
	s8 =	ssub.s32 s28, s9  }
0xd: {  	s9 =	simm.s32 $0x2;
	s7 =	sadd.s32 s7, s5;
	s5 =	sadd.s32 s4, s29  }
0xe: {  	s4 =	sadd.s32 s30, s2;
	s5 =	sadd.s32 s31, s5;
	s6 =	sadd.s32 $0x1200, s7  }
0xf: {  	v0 =	vimm.f32 $1.000000000e+00;
	v1 =	vimm.f32 $0.0e+00;
	s7 =	smax.u32 s8, $0x1;
	s8 =	simm.s32 $0x4080;
	s14 =	sshrl.u32 s4, $0x3  }
.LBB2_1:
0x10: {  	[tilespmem:$0x4000] =	vst v0  }
0x11: {  	[tilespmem:$0x4010] =	vst v0  }
0x12: {  	[tilespmem:$0x4020] =	vst v0  }
0x13: {  	[tilespmem:$0x4030] =	vst v0  }
0x14: {  	[tilespmem:$0x4040] =	vst v0  }
0x15: {  	[tilespmem:$0x4080] =	vst v1  }
0x16: {  	[tilespmem:$0x4090] =	vst v1  }
0x17: {  	[tilespmem:$0x40A0] =	vst v1  }
0x18: {  	[tilespmem:$0x40B0] =	vst v1  }
0x19: {  	[tilespmem:$0x40C0] =	vst v1  }
0x1a: {  	[tilespmem:$0x40D0] =	vst v1  }
0x1b: {  	[tilespmem:$0x40E0] =	vst v1  }
0x1c: {  	[tilespmem:$0x40F0] =	vst v1  }
0x1d: {  	[tilespmem:$0x4100] =	vst v1  }
0x1e: {  	[tilespmem:$0x4110] =	vst v1  }
0x1f: {  	[tilespmem:$0x4120] =	vst v1  }
0x20: {  	[tilespmem:$0x4130] =	vst v1  }
0x21: {  	[tilespmem:$0x4140] =	vst v1  }
0x22: {  	[tilespmem:$0x4150] =	vst v1  }
0x23: {  	[tilespmem:$0x4160] =	vst v1  }
0x24: {  	[tilespmem:$0x4170] =	vst v1  }
0x25: {  	[tilespmem:$0x4180] =	vst v1  }
0x26: {  	[tilespmem:$0x4190] =	vst v1  }
0x27: {  	[tilespmem:$0x41A0] =	vst v1  }
0x28: {  	[tilespmem:$0x41B0] =	vst v1  }
0x29: {  	[tilespmem:$0x41C0] =	vst v1  }
0x2a: {  	[tilespmem:$0x41D0] =	vst v1  }
0x2b: {  	[tilespmem:$0x41E0] =	vst v1  }
0x2c: {  	[tilespmem:$0x41F0] =	vst v1  }
0x2d: {  	[tilespmem:$0x4200] =	vst v1  }
0x2e: {  	[tilespmem:$0x4210] =	vst v1  }
0x2f: {  	[tilespmem:$0x4220] =	vst v1  }
0x30: {  	[tilespmem:$0x4230] =	vst v1  }
0x31: {  	[tilespmem:$0x4240] =	vst v1  }
0x32: {  	[tilespmem:$0x4250] =	vst v1  }
0x33: {  	[tilespmem:$0x4260] =	vst v1  }
0x34: {  	[tilespmem:$0x4270] =	vst v1  }
0x35: {  	[tilespmem:$0x4280] =	vst v1  }
0x36: {  	[tilespmem:$0x4290] =	vst v1  }
0x37: {  	[tilespmem:$0x42A0] =	vst v1  }
0x38: {  	[tilespmem:$0x42B0] =	vst v1  }
0x39: {  	[tilespmem:$0x42C0] =	vst v1  }
0x3a: {  	[tilespmem:$0x42D0] =	vst v1  }
0x3b: {  	[tilespmem:$0x42E0] =	vst v1  }
0x3c: {  	[tilespmem:$0x42F0] =	vst v1  }
0x3d: {  	[spmem:s4] =	stream.linear.scatter [tilespmem:s8], [sflag:$0x2], $0x280, $0x38;
	[tilespmem:$0x4580] =	vst v63  }
0x3e: {  	_ =	swait.ge [sflag:s9], $0x280  }
0x3f: {  	[sflag:s9] =	ssyncset.done $0x0  }
0x40: {  	[sflag:s9] =	ssyncadd.s32 $0xFFFFFD80  }
0x41: {  	[bflag:$0x0] =	sbarrier.arrive $0xFFFF  }
0x42: {  	[tilespmem:s3], [sflag:$0x2] =	stream.linear.gather [hbm4b:s5+s3], $0x3E80, $0x38;
	[tilespmem:$0x4580] =	vst v63  }
0x43: {  	_ =	swait.ge [sflag:s9], $0x3E80  }
0x44: {  	p0 =	por $0x1, $0x1;
	[sflag:s9] =	ssyncset.done $0x0  }
0x45: {  	s20 =	simm.s32 @!p0 $0x1;
	[sflag:s9] =	ssyncadd.s32 $0xFFFFC180  }
0x46: {  	[spmem:s2] =	stream.indirect.scatter.add.f32 [tilespmem:s11], [sflag:$0x1], $0x1, s3, s10, $0xb8;
	[tilespmem:$0x4580] =	vst v63  }
0x47: {  	_ =	swait.ge @!p0 [sflag:s20], $0x50  }
0x48: {  	s18 =	simm.s32 $0x1;
	s19 =	simm.s32 $0x0;
	[sflag:s20] =	ssyncset.done @!p0 $0x0  }
.LBB2_2:
0x49: {  	[sflag:s20] =	ssyncadd.s32 @!p0 $0xFFFFFFB0  }
0x4a: {  	s19 =	sadd.s32 $0x80, s19;
	s20 =	smov.u32 s18;
	s18 =	sadd.s32 $0x1, s18  }
0x4b: {  	p1 =	sne.s32 s18, $0x7D  }
0x4c: {  	[spmem:s2] =	stream.indirect.scatter.add.f32 [tilespmem:s11], [sflag:$0x1], $0x1, s19, s10, $0xb8;
	[tilespmem:$0x4580] =	vst v63  }
.Ltmp0:
0x4d: {  	_ = 	snop;
	(pc) =	sbr.rel @p1 .LBB2_2-.Ltmp0, $4  }
0x4e: {  	p0 =	slt.u32 s20, $0x10  }
0x4f: {  	s20 =	simm.s32 @!p0 $0x1  }
0x50: {  	_ =	swait.ge @!p0 [sflag:s20], $0x50  }
0x51: {  	[sflag:s20] =	ssyncset.done @!p0 $0x0  }
0x52: {  	[sflag:s20] =	ssyncadd.s32 @!p0 $0xFFFFFFB0  }
0x53: {  	_ =	swait.ge [sflag:s12], $0x50  }
0x54: {  	[sflag:s12] =	ssyncset.done $0x0  }
0x55: {  	[sflag:s12] =	ssyncadd.s32 $0xFFFFFFB0  }
0x56: {  	_ =	swait.ge [sflag:s12], $0x50  }
0x57: {  	[sflag:s12] =	ssyncset.done $0x0  }
0x58: {  	[sflag:s12] =	ssyncadd.s32 $0xFFFFFFB0  }
0x59: {  	_ =	swait.ge [sflag:s12], $0x50  }
0x5a: {  	[sflag:s12] =	ssyncset.done $0x0  }
0x5b: {  	[sflag:s12] =	ssyncadd.s32 $0xFFFFFFB0  }
0x5c: {  	_ =	swait.ge [sflag:s12], $0x50  }
0x5d: {  	[sflag:s12] =	ssyncset.done $0x0  }
0x5e: {  	[sflag:s12] =	ssyncadd.s32 $0xFFFFFFB0  }
0x5f: {  	_ =	swait.ge [sflag:s12], $0x50  }
0x60: {  	[sflag:s12] =	ssyncset.done $0x0  }
0x61: {  	[sflag:s12] =	ssyncadd.s32 $0xFFFFFFB0  }
0x62: {  	_ =	swait.ge [sflag:s12], $0x50  }
0x63: {  	[sflag:s12] =	ssyncset.done $0x0  }
0x64: {  	[sflag:s12] =	ssyncadd.s32 $0xFFFFFFB0  }
0x65: {  	_ =	swait.ge [sflag:s12], $0x50  }
0x66: {  	[sflag:s12] =	ssyncset.done $0x0  }
0x67: {  	[sflag:s12] =	ssyncadd.s32 $0xFFFFFFB0  }
0x68: {  	_ =	swait.ge [sflag:s12], $0x50  }
0x69: {  	[sflag:s12] =	ssyncset.done $0x0  }
0x6a: {  	[sflag:s12] =	ssyncadd.s32 $0xFFFFFFB0  }
0x6b: {  	_ =	swait.ge [sflag:s12], $0x50  }
0x6c: {  	[sflag:s12] =	ssyncset.done $0x0  }
0x6d: {  	[sflag:s12] =	ssyncadd.s32 $0xFFFFFFB0  }
0x6e: {  	_ =	swait.ge [sflag:s12], $0x50  }
0x6f: {  	[sflag:s12] =	ssyncset.done $0x0  }
0x70: {  	[sflag:s12] =	ssyncadd.s32 $0xFFFFFFB0  }
0x71: {  	_ =	swait.ge [sflag:s12], $0x50  }
0x72: {  	[sflag:s12] =	ssyncset.done $0x0  }
0x73: {  	[sflag:s12] =	ssyncadd.s32 $0xFFFFFFB0  }
0x74: {  	_ =	swait.ge [sflag:s12], $0x50  }
0x75: {  	[sflag:s12] =	ssyncset.done $0x0  }
0x76: {  	[sflag:s12] =	ssyncadd.s32 $0xFFFFFFB0  }
0x77: {  	_ =	swait.ge [sflag:s12], $0x50  }
0x78: {  	[sflag:s12] =	ssyncset.done $0x0  }
0x79: {  	[sflag:s12] =	ssyncadd.s32 $0xFFFFFFB0  }
0x7a: {  	_ =	swait.ge [sflag:s12], $0x50  }
0x7b: {  	[sflag:s12] =	ssyncset.done $0x0  }
0x7c: {  	[sflag:s12] =	ssyncadd.s32 $0xFFFFFFB0  }
0x7d: {  	_ =	swait.ge [sflag:s12], $0x50  }
0x7e: {  	[sflag:s12] =	ssyncset.done $0x0  }
0x7f: {  	[sflag:s12] =	ssyncadd.s32 $0xFFFFFFB0  }
0x80: {  	_ =	swait.ge [sflag:s12], $0x50  }
0x81: {  	s17 =	sadd.s32 $0x1, s17;
	[sflag:s12] =	ssyncset.done $0x0  }
0x82: {  	p0 =	sne.s32 s17, s7;
	[sflag:s12] =	ssyncadd.s32 $0xFFFFFFB0  }
.Ltmp1:
0x83: {  	[bflag:$0x0] =	sbarrier.arrive $0xFFFF;
	(pc) =	sbr.rel @p0 .LBB2_1-.Ltmp1, $4  }
0x84: {  	[hbm:s6@s15], [sflag:s13] =	dma.strided [spmem:s14@s16], $0x50, s12, $0x10   }
0x85: {  	_ =	swait.ge [sflag:s9], $0x50  }
0x86: {  	[sflag:s9] =	ssyncset.done $0x0  }
0x87: {  	[sflag:s9] =	ssyncadd.s32 $0xFFFFFFB0  }
0x88: {  	_ =	sfence.sel $0x180000  }
0x89: {  	[bflag:$0x0] =	sbarrier.arrive $0xFFFF  }
0x8a: {  	p0 =	sne.s32 s1, $0x0;
	_ =	strace $0x90000047  }
0x8b: {  	s0 =	sadd.s32 @!p0 $0x100000, s0;
	[bflag:$0x2] =	sbarrier.arrive $0xFFFF  }
0x8c: {  	[sflag:s0] =	ssyncadd.tile.s32 @!p0 $0x1;
	_ =	shalt  }
.Lfunc_end2:
_tile_overlayer_lowered:
.L_overlay_start_2:
0x8d: {  	(tag) =	ssettag $0x2  }
0x8e: {  	s0 =	rddreg [dreg:$0x0];
	s2 =	stileid.u32  }
0x8f: {  	s1 =	rddreg [dreg:$0x1];
	p0 =	sne.s32 s2, $0x0  }
0x90: {  	s3 =	rddreg [dreg:$0x2];
	[bflag:$0x3] =	sbarrier.arrive $0xFFFF;
	s2 =	simm.s32 @!p0 $0x1C02  }
0x91: {  	[timem:s3], [sflag:s2] =	dma.local @!p0 [hbm:s0], s1  }
0x92: {  	s0 =	simm.s32 @!p0 $0x2  }
0x93: {  	_ =	swait.ge @!p0 [sflag:s0], s1  }
0x94: {  	s1 =	ssub.s32 @!p0 $0x0, s1;
	[sflag:s0] =	ssyncset.done @!p0 $0x0  }
0x95: {  	[sflag:s0] =	ssyncadd.s32 @!p0 s1  }
0x96: {  	[bflag:$0x3] =	sbarrier.arrive $0xFFFF  }
0x97: {  	_ =	shalt  }

</sc_bundles>
